<compile_context>
chip_gen: v7x
topology: tpu7x:2x2x1
jax: 0.10.2.dev20260603
libtpu: 0.0.44.dev20260713+nightly
codegen_flags: <defaults>
</compile_context>

<pallas_src>
import jax
import jax.numpy as jnp
from jax import lax
from jax.experimental import pallas as pl
from jax.experimental.pallas import tpu as pltpu
from jax.experimental.pallas import tpu_sc as plsc

N = 10000
ACC_ROWS = 10240
NC, NS = 2, 16
NW = NC * NS
CHUNK = 128
NCH = 81
EPW = NCH * CHUNK
NE_PAD = NW * EPW
ZBLK = 128
RPW = ACC_ROWS // NS

_MESH = plsc.VectorSubcoreMesh(core_axis_name="c", subcore_axis_name="s")
_SC_PARAMS = pltpu.CompilerParams(needs_layout_passes=False,
                                  use_tc_tiling_on_sc=False)


def _deg_body(dst_hbm, out_hbm, idx_v, hist_v):
    c = lax.axis_index("c")
    s = lax.axis_index("s")
    wid = s * NC + c
    pltpu.sync_copy(dst_hbm.at[wid], idx_v)
    zeros16 = jnp.zeros((16,), jnp.float32)

    def zbody(i, carry):
        hist_v[pl.ds(i * 16, 16)] = zeros16
        return carry

    lax.fori_loop(0, ACC_ROWS // 16, zbody, 0)
    ones16 = jnp.ones((16,), jnp.float32)

    def ebody(j, carry):
        idx = idx_v[pl.ds(j * 16, 16)]
        plsc.addupdate_scatter(hist_v, [idx], ones16)
        return carry

    lax.fori_loop(0, EPW // 16, ebody, 0)
    pltpu.sync_copy(hist_v, out_hbm.at[wid])


_deg_kernel = pl.kernel(
    _deg_body,
    out_type=jax.ShapeDtypeStruct((NW, ACC_ROWS), jnp.float32),
    mesh=_MESH,
    compiler_params=_SC_PARAMS,
    scratch_types=[
        pltpu.VMEM((EPW,), jnp.int32),
        pltpu.VMEM((ACC_ROWS,), jnp.float32),
    ],
)


def _make_agg(D):

    def body(table_hbm, src_hbm, dst_hbm, zrow_hbm, out_hbm,
             src_v, dst_v, rows0, rows1, rows2, acc_sh, sem0, sem1, sem2):
        c = lax.axis_index("c")
        s = lax.axis_index("s")
        wid = s * NC + c
        pltpu.sync_copy(src_hbm.at[wid], src_v)
        pltpu.sync_copy(dst_hbm.at[wid], dst_v)

        pltpu.sync_copy(zrow_hbm, rows0)
        r0 = s * RPW
        for k in range(RPW // ZBLK):
            pltpu.sync_copy(rows0, acc_sh.at[pl.ds(r0 + k * ZBLK, ZBLK)])
        plsc.subcore_barrier()

        pltpu.async_copy(table_hbm.at[src_v.at[0]], rows0, sem0)
        pltpu.async_copy(table_hbm.at[src_v.at[1]], rows1, sem1)
        pltpu.async_copy(table_hbm.at[src_v.at[2]], rows2, sem2)

        def ebody(i, carry):
            g = 3 * i
            pltpu.make_async_copy(table_hbm.at[src_v.at[g]], rows0, sem0).wait()
            pltpu.sync_copy(rows0, acc_sh.at[dst_v.at[g]], add=True)
            pltpu.async_copy(table_hbm.at[src_v.at[g + 3]], rows0, sem0)
            pltpu.make_async_copy(table_hbm.at[src_v.at[g + 1]], rows1, sem1).wait()
            pltpu.sync_copy(rows1, acc_sh.at[dst_v.at[g + 1]], add=True)
            pltpu.async_copy(table_hbm.at[src_v.at[g + 4]], rows1, sem1)
            pltpu.make_async_copy(table_hbm.at[src_v.at[g + 2]], rows2, sem2).wait()
            pltpu.sync_copy(rows2, acc_sh.at[dst_v.at[g + 2]], add=True)
            pltpu.async_copy(table_hbm.at[src_v.at[g + 5]], rows2, sem2)
            return carry

        lax.fori_loop(0, NCH // 3 - 1, ebody, 0)
        pltpu.make_async_copy(table_hbm.at[src_v.at[NCH - 3]], rows0, sem0).wait()
        pltpu.sync_copy(rows0, acc_sh.at[dst_v.at[NCH - 3]], add=True)
        pltpu.make_async_copy(table_hbm.at[src_v.at[NCH - 2]], rows1, sem1).wait()
        pltpu.sync_copy(rows1, acc_sh.at[dst_v.at[NCH - 2]], add=True)
        pltpu.make_async_copy(table_hbm.at[src_v.at[NCH - 1]], rows2, sem2).wait()
        pltpu.sync_copy(rows2, acc_sh.at[dst_v.at[NCH - 1]], add=True)
        plsc.subcore_barrier()

        for k in range(RPW // ZBLK):
            pltpu.sync_copy(acc_sh.at[pl.ds(r0 + k * ZBLK, ZBLK)], rows0)
            pltpu.sync_copy(rows0, out_hbm.at[c].at[pl.ds(r0 + k * ZBLK, ZBLK)])

    return pl.kernel(
        body,
        out_type=jax.ShapeDtypeStruct((NC, ACC_ROWS, D), jnp.float32),
        mesh=_MESH,
        compiler_params=_SC_PARAMS,
        scratch_types=[
            pltpu.VMEM((NCH, CHUNK), jnp.int32),
            pltpu.VMEM((NCH, CHUNK), jnp.int32),
            pltpu.VMEM((CHUNK, D), jnp.float32),
            pltpu.VMEM((CHUNK, D), jnp.float32),
            pltpu.VMEM((CHUNK, D), jnp.float32),
            pltpu.VMEM_SHARED((ACC_ROWS, D), jnp.float32),
            pltpu.SemaphoreType.DMA,
            pltpu.SemaphoreType.DMA,
            pltpu.SemaphoreType.DMA,
        ],
    )


_agg64 = _make_agg(64)
_agg32 = _make_agg(32)


def _tc1_body(parts_ref, x_ref, w1_ref, dinv_ref, h1s_ref):
    deg = jnp.sum(parts_ref[...], axis=0)
    dinv = lax.rsqrt(jnp.maximum(deg, 1.0))
    dinv_ref[...] = dinv
    h1 = jnp.dot(x_ref[...], w1_ref[...], preferred_element_type=jnp.float32)
    h1s_ref[...] = h1 * dinv[:N][:, None]


_tc1 = pl.pallas_call(
    _tc1_body,
    out_shape=(
        jax.ShapeDtypeStruct((ACC_ROWS,), jnp.float32),
        jax.ShapeDtypeStruct((N, 64), jnp.float32),
    ),
)


def _tc2_body(p_ref, dinv_ref, b1_ref, w2_ref, h2s_ref):
    agg = (p_ref[0] + p_ref[1])[:N]
    dinv = dinv_ref[...][:N][:, None]
    hidden1 = agg * dinv + b1_ref[...][None, :]
    h2 = jnp.dot(hidden1, w2_ref[...], preferred_element_type=jnp.float32)
    h2s_ref[...] = h2 * dinv


_tc2 = pl.pallas_call(
    _tc2_body,
    out_shape=jax.ShapeDtypeStruct((N, 32), jnp.float32),
)


def _tc3_body(p_ref, dinv_ref, b2_ref, z_ref):
    agg = (p_ref[0] + p_ref[1])[:N]
    z_ref[...] = agg * dinv_ref[...][:N][:, None] + b2_ref[...][None, :]


_tc3 = pl.pallas_call(
    _tc3_body,
    out_shape=jax.ShapeDtypeStruct((N, 32), jnp.float32),
)


@jax.jit
def kernel(x, adj, W1, b1, W2, b2, W3, b3):
    n = x.shape[0]
    loop = jnp.arange(n, dtype=jnp.int32)
    src = jnp.concatenate([adj[0].astype(jnp.int32), loop])
    dst = jnp.concatenate([adj[1].astype(jnp.int32), loop])
    pad = NE_PAD - src.shape[0]
    src = jnp.concatenate([src, jnp.zeros((pad,), jnp.int32)])
    dst = jnp.concatenate([dst, jnp.full((pad,), N, jnp.int32)])
    src3 = src.reshape(NW, NCH, CHUNK)
    dst3 = dst.reshape(NW, NCH, CHUNK)
    dst2 = dst.reshape(NW, EPW)
    z64 = jnp.zeros((ZBLK, 64), jnp.float32)
    z32 = jnp.zeros((ZBLK, 32), jnp.float32)

    parts = _deg_kernel(dst2)
    dinv, h1s = _tc1(parts, x, W1)
    p1 = _agg64(h1s, src3, dst3, z64)
    h2s = _tc2(p1, dinv, b1, W2)
    p2 = _agg32(h2s, src3, dst3, z32)
    z = _tc3(p2, dinv, b2)
    return z

# --- scband reference (transcript-rebuilt; emitter-appended) ---
"""Pipeline reference for scband-gvae-encoder-33294586479244 (READ-ONLY COPY).

The authoritative reference and input builder live on the scoring server;
editing this copy changes nothing except your own understanding.
"""

import jax, jax.numpy as jnp
import numpy as np

N_NODES = 10000
N_EDGES = 320000
IN_DIM = 128
H1 = 64
H2 = 32

def _glorot(key, shape):
    fan_in, fan_out = shape[0], shape[1]
    lim = jnp.sqrt(6.0 / (fan_in + fan_out))
    return jax.random.uniform(key, shape, dtype=jnp.float32, minval=-lim, maxval=lim)

def setup_inputs(seed: int = 0) -> dict:
    key = jax.random.key(seed)
    ks = jax.random.split(key, 8)
    x = jax.random.normal(ks[0], (N_NODES, IN_DIM), dtype=jnp.float32)
    adj = jax.random.randint(ks[1], (2, N_EDGES), 0, N_NODES, dtype=jnp.int64)
    W1 = _glorot(ks[2], (IN_DIM, H1)); b1 = jnp.zeros((H1,), dtype=jnp.float32)
    W2 = _glorot(ks[3], (H1, H2));    b2 = jnp.zeros((H2,), dtype=jnp.float32)
    W3 = _glorot(ks[4], (H1, H2));    b3 = jnp.zeros((H2,), dtype=jnp.float32)
    return {"x": x, "adj": adj, "W1": W1, "b1": b1, "W2": W2, "b2": b2, "W3": W3, "b3": b3}

def _gcn_conv(x, src, dst, norm, W, b, n_nodes):
    # GCNConv: out = D^{-1/2}(A+I)D^{-1/2} X W + b
    h = x @ W
    msg = h[src] * norm[:, None]          # gather (SparseCore)
    out = jnp.zeros((n_nodes, W.shape[1]), dtype=h.dtype).at[dst].add(msg)  # scatter-add
    return out + b

def reference(x, adj, W1, b1, W2, b2, W3, b3):
    n = x.shape[0]
    loop = jnp.arange(n, dtype=adj.dtype)
    src = jnp.concatenate([adj[0], loop])
    dst = jnp.concatenate([adj[1], loop])
    deg = jnp.zeros((n,), dtype=jnp.float32).at[dst].add(1.0)
    dinv = jax.lax.rsqrt(deg)  # deg >= 1 due to self-loops
    norm = dinv[src] * dinv[dst]
    hidden1 = _gcn_conv(x, src, dst, norm, W1, b1, n)
    mu = _gcn_conv(hidden1, src, dst, norm, W2, b2, n)
    logvar = _gcn_conv(hidden1, src, dst, norm, W3, b3, n)
    # eval-mode reparameterize: z = mu (deterministic reference)
    z = mu
    return z

if __name__ == "__main__":
    import jax
    _d = setup_inputs()
    print(jax.jit(kernel)(*tuple(_d.values())))

</pallas_src>

<mosaic_0001>
#map = affine_map<(d0, d1) -> (0, 0)>
module attributes {stable_mosaic.version = 14 : i64} {
  func.func @_deg_body(%arg0: i32, %arg1: i32, %arg2: memref<32x10368xi32, #tpu.memory_space<hbm>>, %arg3: memref<32x10240xf32, #tpu.memory_space<hbm>>, %arg4: memref<10368xi32, #tpu.memory_space<vmem>>, %arg5: memref<10240xf32, #tpu.memory_space<vmem>>) attributes {dimension_semantics = [#tpu.dimension_semantics<core_parallel>, #tpu.dimension_semantics<subcore_parallel>], iteration_bounds = array<i64: 2, 16>, scalar_prefetch = 0 : i64, scratch_operands = 2 : i64, tpu.core_type = #tpu.core_type<sc_vector_subcore>, window_params = [{transform_indices = #map}, {transform_indices = #map}]} {
    %mul3A = arith.constant 2 : i32
    %mul3A_0 = arith.muli %arg1, %mul3A : i32
    %add3A = arith.addi %mul3A_0, %arg0 : i32
    "tpu.region"() ({
      %run_scoped3A = tpu.sem_alloc : memref<!tpu.dma_semaphore, #tpu.memory_space<semaphore_mem>>
      %dma_start3A = arith.constant 0 : i32
      %dma_start3A_15 = tpu.memref_slice %arg2[%add3A, %dma_start3A] : memref<32x10368xi32, #tpu.memory_space<hbm>> -> memref<1x10368xi32, #tpu.memory_space<hbm>>
      %dma_start3A_16 = tpu.memref_squeeze %dma_start3A_15 : memref<1x10368xi32, #tpu.memory_space<hbm>> -> memref<10368xi32, #tpu.memory_space<hbm>>
      %dma_start3A_17 = arith.constant 0 : i32
      %dma_start3A_18 = tpu.memref_slice %arg2[%add3A, %dma_start3A_17] : memref<32x10368xi32, #tpu.memory_space<hbm>> -> memref<1x10368xi32, #tpu.memory_space<hbm>>
      %dma_start3A_19 = tpu.memref_squeeze %dma_start3A_18 : memref<1x10368xi32, #tpu.memory_space<hbm>> -> memref<10368xi32, #tpu.memory_space<hbm>>
      tpu.enqueue_dma source(%dma_start3A_19 : memref<10368xi32, #tpu.memory_space<hbm>>) target(%arg4 : memref<10368xi32, #tpu.memory_space<vmem>>) target_semaphore(%run_scoped3A : memref<!tpu.dma_semaphore, #tpu.memory_space<semaphore_mem>>)
      %dma_wait3A = arith.constant 0 : i32
      %dma_wait3A_20 = tpu.memref_slice %arg2[%add3A, %dma_wait3A] : memref<32x10368xi32, #tpu.memory_space<hbm>> -> memref<1x10368xi32, #tpu.memory_space<hbm>>
      %dma_wait3A_21 = tpu.memref_squeeze %dma_wait3A_20 : memref<1x10368xi32, #tpu.memory_space<hbm>> -> memref<10368xi32, #tpu.memory_space<hbm>>
      %dma_wait3A_22 = arith.constant 0 : i32
      %dma_wait3A_23 = tpu.memref_slice %arg2[%add3A, %dma_wait3A_22] : memref<32x10368xi32, #tpu.memory_space<hbm>> -> memref<1x10368xi32, #tpu.memory_space<hbm>>
      %dma_wait3A_24 = tpu.memref_squeeze %dma_wait3A_23 : memref<1x10368xi32, #tpu.memory_space<hbm>> -> memref<10368xi32, #tpu.memory_space<hbm>>
      tpu.wait_dma2 semaphore(%run_scoped3A : memref<!tpu.dma_semaphore, #tpu.memory_space<semaphore_mem>>) src(%dma_wait3A_24 : memref<10368xi32, #tpu.memory_space<hbm>>) dst(%arg4 : memref<10368xi32, #tpu.memory_space<vmem>>)
      tpu.yield
    }) : () -> ()
    %broadcast_in_dim3A = arith.constant 0.000000e+00 : f32
    %broadcast_in_dim3A_1 = vector.broadcast %broadcast_in_dim3A : f32 to vector<16xf32>
    %scan3A = arith.constant 0 : i32
    %scan3A_2 = arith.constant 0 : i32
    %scan3A_3 = arith.constant 640 : i32
    %scan3A_4 = arith.addi %scan3A_2, %scan3A_3 : i32
    %scan3A_5 = arith.constant 1 : i32
    scf.for %scan3A_15 = %scan3A_2 to %scan3A_4 step %scan3A_5  : i32 {
      %mul3A_16 = arith.constant 16 : i32
      %mul3A_17 = arith.muli %scan3A_15, %mul3A_16 : i32
      %swap3A = arith.index_cast %mul3A_17 : i32 to index
      %swap3A_18 = tpu.vector_load %arg5[%swap3A] {strides = array<i32>} : memref<10240xf32, #tpu.memory_space<vmem>>, vector<16xf32>,
      tpu.vector_store %arg5[%swap3A], %broadcast_in_dim3A_1 {strides = array<i32>} : memref<10240xf32, #tpu.memory_space<vmem>>, vector<16xf32>,
    }
    %scan3A_6 = arith.constant 640 : i32
    %broadcast_in_dim3A_7 = arith.constant 1.000000e+00 : f32
    %broadcast_in_dim3A_8 = vector.broadcast %broadcast_in_dim3A_7 : f32 to vector<16xf32>
    %scan3A_9 = arith.constant 0 : i32
    %scan3A_10 = arith.constant 0 : i32
    %scan3A_11 = arith.constant 648 : i32
    %scan3A_12 = arith.addi %scan3A_10, %scan3A_11 : i32
    %scan3A_13 = arith.constant 1 : i32
    scf.for %scan3A_15 = %scan3A_10 to %scan3A_12 step %scan3A_13  : i32 {
      %mul3A_16 = arith.constant 16 : i32
      %mul3A_17 = arith.muli %scan3A_15, %mul3A_16 : i32
      %get3A = arith.index_cast %mul3A_17 : i32 to index
      %get3A_18 = tpu.vector_load %arg4[%get3A] {strides = array<i32>} : memref<10368xi32, #tpu.memory_space<vmem>>, vector<16xi32>,
      tpu.vector_store_idx %arg5[%get3A_18], %broadcast_in_dim3A_8 {add = true} : memref<10240xf32, #tpu.memory_space<vmem>>[vector<16xi32>], vector<16xf32>,
    }
    %scan3A_14 = arith.constant 648 : i32
    "tpu.region"() ({
      %run_scoped3A = tpu.sem_alloc : memref<!tpu.dma_semaphore, #tpu.memory_space<semaphore_mem>>
      %dma_start3A = arith.constant 0 : i32
      %dma_start3A_15 = tpu.memref_slice %arg3[%add3A, %dma_start3A] : memref<32x10240xf32, #tpu.memory_space<hbm>> -> memref<1x10240xf32, #tpu.memory_space<hbm>>
      %dma_start3A_16 = tpu.memref_squeeze %dma_start3A_15 : memref<1x10240xf32, #tpu.memory_space<hbm>> -> memref<10240xf32, #tpu.memory_space<hbm>>
      %dma_start3A_17 = arith.constant 0 : i32
      %dma_start3A_18 = tpu.memref_slice %arg3[%add3A, %dma_start3A_17] : memref<32x10240xf32, #tpu.memory_space<hbm>> -> memref<1x10240xf32, #tpu.memory_space<hbm>>
      %dma_start3A_19 = tpu.memref_squeeze %dma_start3A_18 : memref<1x10240xf32, #tpu.memory_space<hbm>> -> memref<10240xf32, #tpu.memory_space<hbm>>
      tpu.enqueue_dma source(%arg5 : memref<10240xf32, #tpu.memory_space<vmem>>) target(%dma_start3A_19 : memref<10240xf32, #tpu.memory_space<hbm>>) target_semaphore(%run_scoped3A : memref<!tpu.dma_semaphore, #tpu.memory_space<semaphore_mem>>)
      %dma_wait3A = arith.constant 0 : i32
      %dma_wait3A_20 = tpu.memref_slice %arg3[%add3A, %dma_wait3A] : memref<32x10240xf32, #tpu.memory_space<hbm>> -> memref<1x10240xf32, #tpu.memory_space<hbm>>
      %dma_wait3A_21 = tpu.memref_squeeze %dma_wait3A_20 : memref<1x10240xf32, #tpu.memory_space<hbm>> -> memref<10240xf32, #tpu.memory_space<hbm>>
      %dma_wait3A_22 = arith.constant 0 : i32
      %dma_wait3A_23 = tpu.memref_slice %arg3[%add3A, %dma_wait3A_22] : memref<32x10240xf32, #tpu.memory_space<hbm>> -> memref<1x10240xf32, #tpu.memory_space<hbm>>
      %dma_wait3A_24 = tpu.memref_squeeze %dma_wait3A_23 : memref<1x10240xf32, #tpu.memory_space<hbm>> -> memref<10240xf32, #tpu.memory_space<hbm>>
      tpu.wait_dma2 semaphore(%run_scoped3A : memref<!tpu.dma_semaphore, #tpu.memory_space<semaphore_mem>>) src(%arg5 : memref<10240xf32, #tpu.memory_space<vmem>>) dst(%dma_wait3A_24 : memref<10240xf32, #tpu.memory_space<hbm>>)
      tpu.yield
    }) : () -> ()
    return
  }
}

#map = affine_map<(d0, d1) -> (0, 0)>
#map1 = affine_map<(d0, d1) -> (0, 0, 0)>
module attributes {stable_mosaic.version = 14 : i64} {
  func.func @body(%arg0: i32, %arg1: i32, %arg2: memref<10000x64xf32, #tpu.memory_space<hbm>>, %arg3: memref<32x81x128xi32, #tpu.memory_space<hbm>>, %arg4: memref<32x81x128xi32, #tpu.memory_space<hbm>>, %arg5: memref<128x64xf32, #tpu.memory_space<hbm>>, %arg6: memref<2x10240x64xf32, #tpu.memory_space<hbm>>, %arg7: memref<81x128xi32, #tpu.memory_space<vmem>>, %arg8: memref<81x128xi32, #tpu.memory_space<vmem>>, %arg9: memref<128x64xf32, #tpu.memory_space<vmem>>, %arg10: memref<128x64xf32, #tpu.memory_space<vmem>>, %arg11: memref<128x64xf32, #tpu.memory_space<vmem>>, %arg12: memref<10240x64xf32, #tpu.memory_space<vmem_shared>>, %arg13: memref<!tpu.dma_semaphore, #tpu.memory_space<semaphore_mem>>, %arg14: memref<!tpu.dma_semaphore, #tpu.memory_space<semaphore_mem>>, %arg15: memref<!tpu.dma_semaphore, #tpu.memory_space<semaphore_mem>>) attributes {dimension_semantics = [#tpu.dimension_semantics<core_parallel>, #tpu.dimension_semantics<subcore_parallel>], iteration_bounds = array<i64: 2, 16>, scalar_prefetch = 0 : i64, scratch_operands = 9 : i64, tpu.core_type = #tpu.core_type<sc_vector_subcore>, window_params = [{transform_indices = #map}, {transform_indices = #map1}, {transform_indices = #map1}, {transform_indices = #map}, {transform_indices = #map1}]} {
    %mul3A = arith.constant 2 : i32
    %mul3A_0 = arith.muli %arg1, %mul3A : i32
    %add3A = arith.addi %mul3A_0, %arg0 : i32
    "tpu.region"() ({
      %run_scoped3A_81 = tpu.sem_alloc : memref<!tpu.dma_semaphore, #tpu.memory_space<semaphore_mem>>
      %dma_start3A_82 = arith.constant 0 : i32
      %dma_start3A_83 = arith.constant 0 : i32
      %dma_start3A_84 = tpu.memref_slice %arg3[%add3A, %dma_start3A_82, %dma_start3A_83] : memref<32x81x128xi32, #tpu.memory_space<hbm>> -> memref<1x81x128xi32, #tpu.memory_space<hbm>>
      %dma_start3A_85 = tpu.memref_squeeze %dma_start3A_84 : memref<1x81x128xi32, #tpu.memory_space<hbm>> -> memref<81x128xi32, #tpu.memory_space<hbm>>
      %dma_start3A_86 = arith.constant 0 : i32
      %dma_start3A_87 = arith.constant 0 : i32
      %dma_start3A_88 = tpu.memref_slice %arg3[%add3A, %dma_start3A_86, %dma_start3A_87] : memref<32x81x128xi32, #tpu.memory_space<hbm>> -> memref<1x81x128xi32, #tpu.memory_space<hbm>>
      %dma_start3A_89 = tpu.memref_squeeze %dma_start3A_88 : memref<1x81x128xi32, #tpu.memory_space<hbm>> -> memref<81x128xi32, #tpu.memory_space<hbm>>
      tpu.enqueue_dma source(%dma_start3A_89 : memref<81x128xi32, #tpu.memory_space<hbm>>) target(%arg7 : memref<81x128xi32, #tpu.memory_space<vmem>>) target_semaphore(%run_scoped3A_81 : memref<!tpu.dma_semaphore, #tpu.memory_space<semaphore_mem>>)
      %dma_wait3A_90 = arith.constant 0 : i32
      %dma_wait3A_91 = arith.constant 0 : i32
      %dma_wait3A_92 = tpu.memref_slice %arg3[%add3A, %dma_wait3A_90, %dma_wait3A_91] : memref<32x81x128xi32, #tpu.memory_space<hbm>> -> memref<1x81x128xi32, #tpu.memory_space<hbm>>
      %dma_wait3A_93 = tpu.memref_squeeze %dma_wait3A_92 : memref<1x81x128xi32, #tpu.memory_space<hbm>> -> memref<81x128xi32, #tpu.memory_space<hbm>>
      %dma_wait3A_94 = arith.constant 0 : i32
      %dma_wait3A_95 = arith.constant 0 : i32
      %dma_wait3A_96 = tpu.memref_slice %arg3[%add3A, %dma_wait3A_94, %dma_wait3A_95] : memref<32x81x128xi32, #tpu.memory_space<hbm>> -> memref<1x81x128xi32, #tpu.memory_space<hbm>>
      %dma_wait3A_97 = tpu.memref_squeeze %dma_wait3A_96 : memref<1x81x128xi32, #tpu.memory_space<hbm>> -> memref<81x128xi32, #tpu.memory_space<hbm>>
      tpu.wait_dma2 semaphore(%run_scoped3A_81 : memref<!tpu.dma_semaphore, #tpu.memory_space<semaphore_mem>>) src(%dma_wait3A_97 : memref<81x128xi32, #tpu.memory_space<hbm>>) dst(%arg7 : memref<81x128xi32, #tpu.memory_space<vmem>>)
      tpu.yield
    }) : () -> ()
    "tpu.region"() ({
      %run_scoped3A_81 = tpu.sem_alloc : memref<!tpu.dma_semaphore, #tpu.memory_space<semaphore_mem>>
      %dma_start3A_82 = arith.constant 0 : i32
      %dma_start3A_83 = arith.constant 0 : i32
      %dma_start3A_84 = tpu.memref_slice %arg4[%add3A, %dma_start3A_82, %dma_start3A_83] : memref<32x81x128xi32, #tpu.memory_space<hbm>> -> memref<1x81x128xi32, #tpu.memory_space<hbm>>
      %dma_start3A_85 = tpu.memref_squeeze %dma_start3A_84 : memref<1x81x128xi32, #tpu.memory_space<hbm>> -> memref<81x128xi32, #tpu.memory_space<hbm>>
      %dma_start3A_86 = arith.constant 0 : i32
      %dma_start3A_87 = arith.constant 0 : i32
      %dma_start3A_88 = tpu.memref_slice %arg4[%add3A, %dma_start3A_86, %dma_start3A_87] : memref<32x81x128xi32, #tpu.memory_space<hbm>> -> memref<1x81x128xi32, #tpu.memory_space<hbm>>
      %dma_start3A_89 = tpu.memref_squeeze %dma_start3A_88 : memref<1x81x128xi32, #tpu.memory_space<hbm>> -> memref<81x128xi32, #tpu.memory_space<hbm>>
      tpu.enqueue_dma source(%dma_start3A_89 : memref<81x128xi32, #tpu.memory_space<hbm>>) target(%arg8 : memref<81x128xi32, #tpu.memory_space<vmem>>) target_semaphore(%run_scoped3A_81 : memref<!tpu.dma_semaphore, #tpu.memory_space<semaphore_mem>>)
      %dma_wait3A_90 = arith.constant 0 : i32
      %dma_wait3A_91 = arith.constant 0 : i32
      %dma_wait3A_92 = tpu.memref_slice %arg4[%add3A, %dma_wait3A_90, %dma_wait3A_91] : memref<32x81x128xi32, #tpu.memory_space<hbm>> -> memref<1x81x128xi32, #tpu.memory_space<hbm>>
      %dma_wait3A_93 = tpu.memref_squeeze %dma_wait3A_92 : memref<1x81x128xi32, #tpu.memory_space<hbm>> -> memref<81x128xi32, #tpu.memory_space<hbm>>
      %dma_wait3A_94 = arith.constant 0 : i32
      %dma_wait3A_95 = arith.constant 0 : i32
      %dma_wait3A_96 = tpu.memref_slice %arg4[%add3A, %dma_wait3A_94, %dma_wait3A_95] : memref<32x81x128xi32, #tpu.memory_space<hbm>> -> memref<1x81x128xi32, #tpu.memory_space<hbm>>
      %dma_wait3A_97 = tpu.memref_squeeze %dma_wait3A_96 : memref<1x81x128xi32, #tpu.memory_space<hbm>> -> memref<81x128xi32, #tpu.memory_space<hbm>>
      tpu.wait_dma2 semaphore(%run_scoped3A_81 : memref<!tpu.dma_semaphore, #tpu.memory_space<semaphore_mem>>) src(%dma_wait3A_97 : memref<81x128xi32, #tpu.memory_space<hbm>>) dst(%arg8 : memref<81x128xi32, #tpu.memory_space<vmem>>)
      tpu.yield
    }) : () -> ()
    "tpu.region"() ({
      %run_scoped3A_81 = tpu.sem_alloc : memref<!tpu.dma_semaphore, #tpu.memory_space<semaphore_mem>>
      tpu.enqueue_dma source(%arg5 : memref<128x64xf32, #tpu.memory_space<hbm>>) target(%arg9 : memref<128x64xf32, #tpu.memory_space<vmem>>) target_semaphore(%run_scoped3A_81 : memref<!tpu.dma_semaphore, #tpu.memory_space<semaphore_mem>>)
      tpu.wait_dma2 semaphore(%run_scoped3A_81 : memref<!tpu.dma_semaphore, #tpu.memory_space<semaphore_mem>>) src(%arg5 : memref<128x64xf32, #tpu.memory_space<hbm>>) dst(%arg9 : memref<128x64xf32, #tpu.memory_space<vmem>>)
      tpu.yield
    }) : () -> ()
    %mul3A_1 = arith.constant 640 : i32
    %mul3A_2 = arith.muli %arg1, %mul3A_1 : i32
    %add3A_3 = arith.constant 0 : i32
    %add3A_4 = arith.addi %mul3A_2, %add3A_3 : i32
    "tpu.region"() ({
      %run_scoped3A_81 = tpu.sem_alloc : memref<!tpu.dma_semaphore, #tpu.memory_space<semaphore_mem>>
      %dma_start3A_82 = arith.constant 0 : i32
      %dma_start3A_83 = tpu.memref_slice %arg12[%add3A_4, %dma_start3A_82] : memref<10240x64xf32, #tpu.memory_space<vmem_shared>> -> memref<128x64xf32, #tpu.memory_space<vmem_shared>>
      %dma_start3A_84 = arith.constant 0 : i32
      %dma_start3A_85 = tpu.memref_slice %arg12[%add3A_4, %dma_start3A_84] : memref<10240x64xf32, #tpu.memory_space<vmem_shared>> -> memref<128x64xf32, #tpu.memory_space<vmem_shared>>
      tpu.enqueue_dma source(%arg9 : memref<128x64xf32, #tpu.memory_space<vmem>>) target(%dma_start3A_85 : memref<128x64xf32, #tpu.memory_space<vmem_shared>>) target_semaphore(%run_scoped3A_81 : memref<!tpu.dma_semaphore, #tpu.memory_space<semaphore_mem>>)
      %dma_wait3A_86 = arith.constant 0 : i32
      %dma_wait3A_87 = tpu.memref_slice %arg12[%add3A_4, %dma_wait3A_86] : memref<10240x64xf32, #tpu.memory_space<vmem_shared>> -> memref<128x64xf32, #tpu.memory_space<vmem_shared>>
      %dma_wait3A_88 = arith.constant 0 : i32
      %dma_wait3A_89 = tpu.memref_slice %arg12[%add3A_4, %dma_wait3A_88] : memref<10240x64xf32, #tpu.memory_space<vmem_shared>> -> memref<128x64xf32, #tpu.memory_space<vmem_shared>>
      tpu.wait_dma2 semaphore(%run_scoped3A_81 : memref<!tpu.dma_semaphore, #tpu.memory_space<semaphore_mem>>) src(%arg9 : memref<128x64xf32, #tpu.memory_space<vmem>>) dst(%dma_wait3A_89 : memref<128x64xf32, #tpu.memory_space<vmem_shared>>)
      tpu.yield
    }) : () -> ()
    %add3A_5 = arith.constant 128 : i32
    %add3A_6 = arith.addi %mul3A_2, %add3A_5 : i32
    "tpu.region"() ({
      %run_scoped3A_81 = tpu.sem_alloc : memref<!tpu.dma_semaphore, #tpu.memory_space<semaphore_mem>>
      %dma_start3A_82 = arith.constant 0 : i32
      %dma_start3A_83 = tpu.memref_slice %arg12[%add3A_6, %dma_start3A_82] : memref<10240x64xf32, #tpu.memory_space<vmem_shared>> -> memref<128x64xf32, #tpu.memory_space<vmem_shared>>
      %dma_start3A_84 = arith.constant 0 : i32
      %dma_start3A_85 = tpu.memref_slice %arg12[%add3A_6, %dma_start3A_84] : memref<10240x64xf32, #tpu.memory_space<vmem_shared>> -> memref<128x64xf32, #tpu.memory_space<vmem_shared>>
      tpu.enqueue_dma source(%arg9 : memref<128x64xf32, #tpu.memory_space<vmem>>) target(%dma_start3A_85 : memref<128x64xf32, #tpu.memory_space<vmem_shared>>) target_semaphore(%run_scoped3A_81 : memref<!tpu.dma_semaphore, #tpu.memory_space<semaphore_mem>>)
      %dma_wait3A_86 = arith.constant 0 : i32
      %dma_wait3A_87 = tpu.memref_slice %arg12[%add3A_6, %dma_wait3A_86] : memref<10240x64xf32, #tpu.memory_space<vmem_shared>> -> memref<128x64xf32, #tpu.memory_space<vmem_shared>>
      %dma_wait3A_88 = arith.constant 0 : i32
      %dma_wait3A_89 = tpu.memref_slice %arg12[%add3A_6, %dma_wait3A_88] : memref<10240x64xf32, #tpu.memory_space<vmem_shared>> -> memref<128x64xf32, #tpu.memory_space<vmem_shared>>
      tpu.wait_dma2 semaphore(%run_scoped3A_81 : memref<!tpu.dma_semaphore, #tpu.memory_space<semaphore_mem>>) src(%arg9 : memref<128x64xf32, #tpu.memory_space<vmem>>) dst(%dma_wait3A_89 : memref<128x64xf32, #tpu.memory_space<vmem_shared>>)
      tpu.yield
    }) : () -> ()
    %add3A_7 = arith.constant 256 : i32
    %add3A_8 = arith.addi %mul3A_2, %add3A_7 : i32
    "tpu.region"() ({
      %run_scoped3A_81 = tpu.sem_alloc : memref<!tpu.dma_semaphore, #tpu.memory_space<semaphore_mem>>
      %dma_start3A_82 = arith.constant 0 : i32
      %dma_start3A_83 = tpu.memref_slice %arg12[%add3A_8, %dma_start3A_82] : memref<10240x64xf32, #tpu.memory_space<vmem_shared>> -> memref<128x64xf32, #tpu.memory_space<vmem_shared>>
      %dma_start3A_84 = arith.constant 0 : i32
      %dma_start3A_85 = tpu.memref_slice %arg12[%add3A_8, %dma_start3A_84] : memref<10240x64xf32, #tpu.memory_space<vmem_shared>> -> memref<128x64xf32, #tpu.memory_space<vmem_shared>>
      tpu.enqueue_dma source(%arg9 : memref<128x64xf32, #tpu.memory_space<vmem>>) target(%dma_start3A_85 : memref<128x64xf32, #tpu.memory_space<vmem_shared>>) target_semaphore(%run_scoped3A_81 : memref<!tpu.dma_semaphore, #tpu.memory_space<semaphore_mem>>)
      %dma_wait3A_86 = arith.constant 0 : i32
      %dma_wait3A_87 = tpu.memref_slice %arg12[%add3A_8, %dma_wait3A_86] : memref<10240x64xf32, #tpu.memory_space<vmem_shared>> -> memref<128x64xf32, #tpu.memory_space<vmem_shared>>
      %dma_wait3A_88 = arith.constant 0 : i32
      %dma_wait3A_89 = tpu.memref_slice %arg12[%add3A_8, %dma_wait3A_88] : memref<10240x64xf32, #tpu.memory_space<vmem_shared>> -> memref<128x64xf32, #tpu.memory_space<vmem_shared>>
      tpu.wait_dma2 semaphore(%run_scoped3A_81 : memref<!tpu.dma_semaphore, #tpu.memory_space<semaphore_mem>>) src(%arg9 : memref<128x64xf32, #tpu.memory_space<vmem>>) dst(%dma_wait3A_89 : memref<128x64xf32, #tpu.memory_space<vmem_shared>>)
      tpu.yield
    }) : () -> ()
    %add3A_9 = arith.constant 384 : i32
    %add3A_10 = arith.addi %mul3A_2, %add3A_9 : i32
    "tpu.region"() ({
      %run_scoped3A_81 = tpu.sem_alloc : memref<!tpu.dma_semaphore, #tpu.memory_space<semaphore_mem>>
      %dma_start3A_82 = arith.constant 0 : i32
      %dma_start3A_83 = tpu.memref_slice %arg12[%add3A_10, %dma_start3A_82] : memref<10240x64xf32, #tpu.memory_space<vmem_shared>> -> memref<128x64xf32, #tpu.memory_space<vmem_shared>>
      %dma_start3A_84 = arith.constant 0 : i32
      %dma_start3A_85 = tpu.memref_slice %arg12[%add3A_10, %dma_start3A_84] : memref<10240x64xf32, #tpu.memory_space<vmem_shared>> -> memref<128x64xf32, #tpu.memory_space<vmem_shared>>
      tpu.enqueue_dma source(%arg9 : memref<128x64xf32, #tpu.memory_space<vmem>>) target(%dma_start3A_85 : memref<128x64xf32, #tpu.memory_space<vmem_shared>>) target_semaphore(%run_scoped3A_81 : memref<!tpu.dma_semaphore, #tpu.memory_space<semaphore_mem>>)
      %dma_wait3A_86 = arith.constant 0 : i32
      %dma_wait3A_87 = tpu.memref_slice %arg12[%add3A_10, %dma_wait3A_86] : memref<10240x64xf32, #tpu.memory_space<vmem_shared>> -> memref<128x64xf32, #tpu.memory_space<vmem_shared>>
      %dma_wait3A_88 = arith.constant 0 : i32
      %dma_wait3A_89 = tpu.memref_slice %arg12[%add3A_10, %dma_wait3A_88] : memref<10240x64xf32, #tpu.memory_space<vmem_shared>> -> memref<128x64xf32, #tpu.memory_space<vmem_shared>>
      tpu.wait_dma2 semaphore(%run_scoped3A_81 : memref<!tpu.dma_semaphore, #tpu.memory_space<semaphore_mem>>) src(%arg9 : memref<128x64xf32, #tpu.memory_space<vmem>>) dst(%dma_wait3A_89 : memref<128x64xf32, #tpu.memory_space<vmem_shared>>)
      tpu.yield
    }) : () -> ()
    %add3A_11 = arith.constant 512 : i32
    %add3A_12 = arith.addi %mul3A_2, %add3A_11 : i32
    "tpu.region"() ({
      %run_scoped3A_81 = tpu.sem_alloc : memref<!tpu.dma_semaphore, #tpu.memory_space<semaphore_mem>>
      %dma_start3A_82 = arith.constant 0 : i32
      %dma_start3A_83 = tpu.memref_slice %arg12[%add3A_12, %dma_start3A_82] : memref<10240x64xf32, #tpu.memory_space<vmem_shared>> -> memref<128x64xf32, #tpu.memory_space<vmem_shared>>
      %dma_start3A_84 = arith.constant 0 : i32
      %dma_start3A_85 = tpu.memref_slice %arg12[%add3A_12, %dma_start3A_84] : memref<10240x64xf32, #tpu.memory_space<vmem_shared>> -> memref<128x64xf32, #tpu.memory_space<vmem_shared>>
      tpu.enqueue_dma source(%arg9 : memref<128x64xf32, #tpu.memory_space<vmem>>) target(%dma_start3A_85 : memref<128x64xf32, #tpu.memory_space<vmem_shared>>) target_semaphore(%run_scoped3A_81 : memref<!tpu.dma_semaphore, #tpu.memory_space<semaphore_mem>>)
      %dma_wait3A_86 = arith.constant 0 : i32
      %dma_wait3A_87 = tpu.memref_slice %arg12[%add3A_12, %dma_wait3A_86] : memref<10240x64xf32, #tpu.memory_space<vmem_shared>> -> memref<128x64xf32, #tpu.memory_space<vmem_shared>>
      %dma_wait3A_88 = arith.constant 0 : i32
      %dma_wait3A_89 = tpu.memref_slice %arg12[%add3A_12, %dma_wait3A_88] : memref<10240x64xf32, #tpu.memory_space<vmem_shared>> -> memref<128x64xf32, #tpu.memory_space<vmem_shared>>
      tpu.wait_dma2 semaphore(%run_scoped3A_81 : memref<!tpu.dma_semaphore, #tpu.memory_space<semaphore_mem>>) src(%arg9 : memref<128x64xf32, #tpu.memory_space<vmem>>) dst(%dma_wait3A_89 : memref<128x64xf32, #tpu.memory_space<vmem_shared>>)
      tpu.yield
    }) : () -> ()
    %barrier3A = arith.constant 0 : index
    tpu.barrier barrier_id(%barrier3A)
    %dma_start3A = arith.constant 0 : i32
    %dma_start3A_13 = arith.constant 0 : i32
    %dma_start3A_14 = tpu.memref_slice %arg7[%dma_start3A, %dma_start3A_13] : memref<81x128xi32, #tpu.memory_space<vmem>> -> memref<1x128xi32, #tpu.memory_space<vmem>>
    %dma_start3A_15 = tpu.memref_squeeze %dma_start3A_14 : memref<1x128xi32, #tpu.memory_space<vmem>> -> memref<128xi32, #tpu.memory_space<vmem>>
    %dma_start3A_16 = arith.constant 0 : i32
    %dma_start3A_17 = arith.constant 0 : i32
    %dma_start3A_18 = tpu.memref_slice %arg2[%dma_start3A_16, %dma_start3A_17] : memref<10000x64xf32, #tpu.memory_space<hbm>> -> memref<10000x64xf32, #tpu.memory_space<hbm>>
    tpu.enqueue_indirect_dma source(%dma_start3A_18 : memref<10000x64xf32, #tpu.memory_space<hbm>>) target(%arg9 : memref<128x64xf32, #tpu.memory_space<vmem>>) offsets(%dma_start3A_15 : memref<128xi32, #tpu.memory_space<vmem>>) semaphore(%arg13 : memref<!tpu.dma_semaphore, #tpu.memory_space<semaphore_mem>>)
    %dma_start3A_19 = arith.constant 1 : i32
    %dma_start3A_20 = arith.constant 0 : i32
    %dma_start3A_21 = tpu.memref_slice %arg7[%dma_start3A_19, %dma_start3A_20] : memref<81x128xi32, #tpu.memory_space<vmem>> -> memref<1x128xi32, #tpu.memory_space<vmem>>
    %dma_start3A_22 = tpu.memref_squeeze %dma_start3A_21 : memref<1x128xi32, #tpu.memory_space<vmem>> -> memref<128xi32, #tpu.memory_space<vmem>>
    %dma_start3A_23 = arith.constant 0 : i32
    %dma_start3A_24 = arith.constant 0 : i32
    %dma_start3A_25 = tpu.memref_slice %arg2[%dma_start3A_23, %dma_start3A_24] : memref<10000x64xf32, #tpu.memory_space<hbm>> -> memref<10000x64xf32, #tpu.memory_space<hbm>>
    tpu.enqueue_indirect_dma source(%dma_start3A_25 : memref<10000x64xf32, #tpu.memory_space<hbm>>) target(%arg10 : memref<128x64xf32, #tpu.memory_space<vmem>>) offsets(%dma_start3A_22 : memref<128xi32, #tpu.memory_space<vmem>>) semaphore(%arg14 : memref<!tpu.dma_semaphore, #tpu.memory_space<semaphore_mem>>)
    %dma_start3A_26 = arith.constant 2 : i32
    %dma_start3A_27 = arith.constant 0 : i32
    %dma_start3A_28 = tpu.memref_slice %arg7[%dma_start3A_26, %dma_start3A_27] : memref<81x128xi32, #tpu.memory_space<vmem>> -> memref<1x128xi32, #tpu.memory_space<vmem>>
    %dma_start3A_29 = tpu.memref_squeeze %dma_start3A_28 : memref<1x128xi32, #tpu.memory_space<vmem>> -> memref<128xi32, #tpu.memory_space<vmem>>
    %dma_start3A_30 = arith.constant 0 : i32
    %dma_start3A_31 = arith.constant 0 : i32
    %dma_start3A_32 = tpu.memref_slice %arg2[%dma_start3A_30, %dma_start3A_31] : memref<10000x64xf32, #tpu.memory_space<hbm>> -> memref<10000x64xf32, #tpu.memory_space<hbm>>
    tpu.enqueue_indirect_dma source(%dma_start3A_32 : memref<10000x64xf32, #tpu.memory_space<hbm>>) target(%arg11 : memref<128x64xf32, #tpu.memory_space<vmem>>) offsets(%dma_start3A_29 : memref<128xi32, #tpu.memory_space<vmem>>) semaphore(%arg15 : memref<!tpu.dma_semaphore, #tpu.memory_space<semaphore_mem>>)
    %scan3A = arith.constant 0 : i32
    %scan3A_33 = arith.constant 0 : i32
    %scan3A_34 = arith.constant 26 : i32
    %scan3A_35 = arith.addi %scan3A_33, %scan3A_34 : i32
    %scan3A_36 = arith.constant 1 : i32
    scf.for %scan3A_81 = %scan3A_33 to %scan3A_35 step %scan3A_36  : i32 {
      %mul3A_82 = arith.constant 3 : i32
      %mul3A_83 = arith.muli %mul3A_82, %scan3A_81 : i32
      %dma_wait3A_84 = arith.constant 0 : i32
      %dma_wait3A_85 = tpu.memref_slice %arg7[%mul3A_83, %dma_wait3A_84] : memref<81x128xi32, #tpu.memory_space<vmem>> -> memref<1x128xi32, #tpu.memory_space<vmem>>
      %dma_wait3A_86 = tpu.memref_squeeze %dma_wait3A_85 : memref<1x128xi32, #tpu.memory_space<vmem>> -> memref<128xi32, #tpu.memory_space<vmem>>
      %dma_wait3A_87 = arith.constant 0 : i32
      %dma_wait3A_88 = arith.constant 0 : i32
      %dma_wait3A_89 = tpu.memref_slice %arg2[%dma_wait3A_87, %dma_wait3A_88] : memref<10000x64xf32, #tpu.memory_space<hbm>> -> memref<10000x64xf32, #tpu.memory_space<hbm>>
      tpu.wait_indirect_dma semaphore(%arg13 : memref<!tpu.dma_semaphore, #tpu.memory_space<semaphore_mem>>) src(%dma_wait3A_89 : memref<10000x64xf32, #tpu.memory_space<hbm>>) dst(%arg9 : memref<128x64xf32, #tpu.memory_space<vmem>>)
      "tpu.region"() ({
        %run_scoped3A_134 = tpu.sem_alloc : memref<!tpu.dma_semaphore, #tpu.memory_space<semaphore_mem>>
        %dma_start3A_135 = arith.constant 0 : i32
        %dma_start3A_136 = tpu.memref_slice %arg8[%mul3A_83, %dma_start3A_135] : memref<81x128xi32, #tpu.memory_space<vmem>> -> memref<1x128xi32, #tpu.memory_space<vmem>>
        %dma_start3A_137 = tpu.memref_squeeze %dma_start3A_136 : memref<1x128xi32, #tpu.memory_space<vmem>> -> memref<128xi32, #tpu.memory_space<vmem>>
        %dma_start3A_138 = arith.constant 0 : i32
        %dma_start3A_139 = arith.constant 0 : i32
        %dma_start3A_140 = tpu.memref_slice %arg12[%dma_start3A_138, %dma_start3A_139] : memref<10240x64xf32, #tpu.memory_space<vmem_shared>> -> memref<10240x64xf32, #tpu.memory_space<vmem_shared>>
        tpu.enqueue_indirect_dma source(%arg9 : memref<128x64xf32, #tpu.memory_space<vmem>>) target(%dma_start3A_140 : memref<10240x64xf32, #tpu.memory_space<vmem_shared>>) offsets(%dma_start3A_137 : memref<128xi32, #tpu.memory_space<vmem>>) semaphore(%run_scoped3A_134 : memref<!tpu.dma_semaphore, #tpu.memory_space<semaphore_mem>>) {add = true}
        %dma_wait3A_141 = arith.constant 0 : i32
        %dma_wait3A_142 = tpu.memref_slice %arg8[%mul3A_83, %dma_wait3A_141] : memref<81x128xi32, #tpu.memory_space<vmem>> -> memref<1x128xi32, #tpu.memory_space<vmem>>
        %dma_wait3A_143 = tpu.memref_squeeze %dma_wait3A_142 : memref<1x128xi32, #tpu.memory_space<vmem>> -> memref<128xi32, #tpu.memory_space<vmem>>
        %dma_wait3A_144 = arith.constant 0 : i32
        %dma_wait3A_145 = arith.constant 0 : i32
        %dma_wait3A_146 = tpu.memref_slice %arg12[%dma_wait3A_144, %dma_wait3A_145] : memref<10240x64xf32, #tpu.memory_space<vmem_shared>> -> memref<10240x64xf32, #tpu.memory_space<vmem_shared>>
        tpu.wait_indirect_dma semaphore(%run_scoped3A_134 : memref<!tpu.dma_semaphore, #tpu.memory_space<semaphore_mem>>) src(%arg9 : memref<128x64xf32, #tpu.memory_space<vmem>>) dst(%dma_wait3A_146 : memref<10240x64xf32, #tpu.memory_space<vmem_shared>>)
        tpu.yield
      }) : () -> ()
      %add3A_90 = arith.constant 3 : i32
      %add3A_91 = arith.addi %mul3A_83, %add3A_90 : i32
      %dma_start3A_92 = arith.constant 0 : i32
      %dma_start3A_93 = tpu.memref_slice %arg7[%add3A_91, %dma_start3A_92] : memref<81x128xi32, #tpu.memory_space<vmem>> -> memref<1x128xi32, #tpu.memory_space<vmem>>
      %dma_start3A_94 = tpu.memref_squeeze %dma_start3A_93 : memref<1x128xi32, #tpu.memory_space<vmem>> -> memref<128xi32, #tpu.memory_space<vmem>>
      %dma_start3A_95 = arith.constant 0 : i32
      %dma_start3A_96 = arith.constant 0 : i32
      %dma_start3A_97 = tpu.memref_slice %arg2[%dma_start3A_95, %dma_start3A_96] : memref<10000x64xf32, #tpu.memory_space<hbm>> -> memref<10000x64xf32, #tpu.memory_space<hbm>>
      tpu.enqueue_indirect_dma source(%dma_start3A_97 : memref<10000x64xf32, #tpu.memory_space<hbm>>) target(%arg9 : memref<128x64xf32, #tpu.memory_space<vmem>>) offsets(%dma_start3A_94 : memref<128xi32, #tpu.memory_space<vmem>>) semaphore(%arg13 : memref<!tpu.dma_semaphore, #tpu.memory_space<semaphore_mem>>)
      %add3A_98 = arith.constant 1 : i32
      %add3A_99 = arith.addi %mul3A_83, %add3A_98 : i32
      %dma_wait3A_100 = arith.constant 0 : i32
      %dma_wait3A_101 = tpu.memref_slice %arg7[%add3A_99, %dma_wait3A_100] : memref<81x128xi32, #tpu.memory_space<vmem>> -> memref<1x128xi32, #tpu.memory_space<vmem>>
      %dma_wait3A_102 = tpu.memref_squeeze %dma_wait3A_101 : memref<1x128xi32, #tpu.memory_space<vmem>> -> memref<128xi32, #tpu.memory_space<vmem>>
      %dma_wait3A_103 = arith.constant 0 : i32
      %dma_wait3A_104 = arith.constant 0 : i32
      %dma_wait3A_105 = tpu.memref_slice %arg2[%dma_wait3A_103, %dma_wait3A_104] : memref<10000x64xf32, #tpu.memory_space<hbm>> -> memref<10000x64xf32, #tpu.memory_space<hbm>>
      tpu.wait_indirect_dma semaphore(%arg14 : memref<!tpu.dma_semaphore, #tpu.memory_space<semaphore_mem>>) src(%dma_wait3A_105 : memref<10000x64xf32, #tpu.memory_space<hbm>>) dst(%arg10 : memref<128x64xf32, #tpu.memory_space<vmem>>)
      %add3A_106 = arith.constant 1 : i32
      %add3A_107 = arith.addi %mul3A_83, %add3A_106 : i32
      "tpu.region"() ({
        %run_scoped3A_134 = tpu.sem_alloc : memref<!tpu.dma_semaphore, #tpu.memory_space<semaphore_mem>>
        %dma_start3A_135 = arith.constant 0 : i32
        %dma_start3A_136 = tpu.memref_slice %arg8[%add3A_107, %dma_start3A_135] : memref<81x128xi32, #tpu.memory_space<vmem>> -> memref<1x128xi32, #tpu.memory_space<vmem>>
        %dma_start3A_137 = tpu.memref_squeeze %dma_start3A_136 : memref<1x128xi32, #tpu.memory_space<vmem>> -> memref<128xi32, #tpu.memory_space<vmem>>
        %dma_start3A_138 = arith.constant 0 : i32
        %dma_start3A_139 = arith.constant 0 : i32
        %dma_start3A_140 = tpu.memref_slice %arg12[%dma_start3A_138, %dma_start3A_139] : memref<10240x64xf32, #tpu.memory_space<vmem_shared>> -> memref<10240x64xf32, #tpu.memory_space<vmem_shared>>
        tpu.enqueue_indirect_dma source(%arg10 : memref<128x64xf32, #tpu.memory_space<vmem>>) target(%dma_start3A_140 : memref<10240x64xf32, #tpu.memory_space<vmem_shared>>) offsets(%dma_start3A_137 : memref<128xi32, #tpu.memory_space<vmem>>) semaphore(%run_scoped3A_134 : memref<!tpu.dma_semaphore, #tpu.memory_space<semaphore_mem>>) {add = true}
        %dma_wait3A_141 = arith.constant 0 : i32
        %dma_wait3A_142 = tpu.memref_slice %arg8[%add3A_107, %dma_wait3A_141] : memref<81x128xi32, #tpu.memory_space<vmem>> -> memref<1x128xi32, #tpu.memory_space<vmem>>
        %dma_wait3A_143 = tpu.memref_squeeze %dma_wait3A_142 : memref<1x128xi32, #tpu.memory_space<vmem>> -> memref<128xi32, #tpu.memory_space<vmem>>
        %dma_wait3A_144 = arith.constant 0 : i32
        %dma_wait3A_145 = arith.constant 0 : i32
        %dma_wait3A_146 = tpu.memref_slice %arg12[%dma_wait3A_144, %dma_wait3A_145] : memref<10240x64xf32, #tpu.memory_space<vmem_shared>> -> memref<10240x64xf32, #tpu.memory_space<vmem_shared>>
        tpu.wait_indirect_dma semaphore(%run_scoped3A_134 : memref<!tpu.dma_semaphore, #tpu.memory_space<semaphore_mem>>) src(%arg10 : memref<128x64xf32, #tpu.memory_space<vmem>>) dst(%dma_wait3A_146 : memref<10240x64xf32, #tpu.memory_space<vmem_shared>>)
        tpu.yield
      }) : () -> ()
      %add3A_108 = arith.constant 4 : i32
      %add3A_109 = arith.addi %mul3A_83, %add3A_108 : i32
      %dma_start3A_110 = arith.constant 0 : i32
      %dma_start3A_111 = tpu.memref_slice %arg7[%add3A_109, %dma_start3A_110] : memref<81x128xi32, #tpu.memory_space<vmem>> -> memref<1x128xi32, #tpu.memory_space<vmem>>
      %dma_start3A_112 = tpu.memref_squeeze %dma_start3A_111 : memref<1x128xi32, #tpu.memory_space<vmem>> -> memref<128xi32, #tpu.memory_space<vmem>>
      %dma_start3A_113 = arith.constant 0 : i32
      %dma_start3A_114 = arith.constant 0 : i32
      %dma_start3A_115 = tpu.memref_slice %arg2[%dma_start3A_113, %dma_start3A_114] : memref<10000x64xf32, #tpu.memory_space<hbm>> -> memref<10000x64xf32, #tpu.memory_space<hbm>>
      tpu.enqueue_indirect_dma source(%dma_start3A_115 : memref<10000x64xf32, #tpu.memory_space<hbm>>) target(%arg10 : memref<128x64xf32, #tpu.memory_space<vmem>>) offsets(%dma_start3A_112 : memref<128xi32, #tpu.memory_space<vmem>>) semaphore(%arg14 : memref<!tpu.dma_semaphore, #tpu.memory_space<semaphore_mem>>)
      %add3A_116 = arith.constant 2 : i32
      %add3A_117 = arith.addi %mul3A_83, %add3A_116 : i32
      %dma_wait3A_118 = arith.constant 0 : i32
      %dma_wait3A_119 = tpu.memref_slice %arg7[%add3A_117, %dma_wait3A_118] : memref<81x128xi32, #tpu.memory_space<vmem>> -> memref<1x128xi32, #tpu.memory_space<vmem>>
      %dma_wait3A_120 = tpu.memref_squeeze %dma_wait3A_119 : memref<1x128xi32, #tpu.memory_space<vmem>> -> memref<128xi32, #tpu.memory_space<vmem>>
      %dma_wait3A_121 = arith.constant 0 : i32
      %dma_wait3A_122 = arith.constant 0 : i32
      %dma_wait3A_123 = tpu.memref_slice %arg2[%dma_wait3A_121, %dma_wait3A_122] : memref<10000x64xf32, #tpu.memory_space<hbm>> -> memref<10000x64xf32, #tpu.memory_space<hbm>>
      tpu.wait_indirect_dma semaphore(%arg15 : memref<!tpu.dma_semaphore, #tpu.memory_space<semaphore_mem>>) src(%dma_wait3A_123 : memref<10000x64xf32, #tpu.memory_space<hbm>>) dst(%arg11 : memref<128x64xf32, #tpu.memory_space<vmem>>)
      %add3A_124 = arith.constant 2 : i32
      %add3A_125 = arith.addi %mul3A_83, %add3A_124 : i32
      "tpu.region"() ({
        %run_scoped3A_134 = tpu.sem_alloc : memref<!tpu.dma_semaphore, #tpu.memory_space<semaphore_mem>>
        %dma_start3A_135 = arith.constant 0 : i32
        %dma_start3A_136 = tpu.memref_slice %arg8[%add3A_125, %dma_start3A_135] : memref<81x128xi32, #tpu.memory_space<vmem>> -> memref<1x128xi32, #tpu.memory_space<vmem>>
        %dma_start3A_137 = tpu.memref_squeeze %dma_start3A_136 : memref<1x128xi32, #tpu.memory_space<vmem>> -> memref<128xi32, #tpu.memory_space<vmem>>
        %dma_start3A_138 = arith.constant 0 : i32
        %dma_start3A_139 = arith.constant 0 : i32
        %dma_start3A_140 = tpu.memref_slice %arg12[%dma_start3A_138, %dma_start3A_139] : memref<10240x64xf32, #tpu.memory_space<vmem_shared>> -> memref<10240x64xf32, #tpu.memory_space<vmem_shared>>
        tpu.enqueue_indirect_dma source(%arg11 : memref<128x64xf32, #tpu.memory_space<vmem>>) target(%dma_start3A_140 : memref<10240x64xf32, #tpu.memory_space<vmem_shared>>) offsets(%dma_start3A_137 : memref<128xi32, #tpu.memory_space<vmem>>) semaphore(%run_scoped3A_134 : memref<!tpu.dma_semaphore, #tpu.memory_space<semaphore_mem>>) {add = true}
        %dma_wait3A_141 = arith.constant 0 : i32
        %dma_wait3A_142 = tpu.memref_slice %arg8[%add3A_125, %dma_wait3A_141] : memref<81x128xi32, #tpu.memory_space<vmem>> -> memref<1x128xi32, #tpu.memory_space<vmem>>
        %dma_wait3A_143 = tpu.memref_squeeze %dma_wait3A_142 : memref<1x128xi32, #tpu.memory_space<vmem>> -> memref<128xi32, #tpu.memory_space<vmem>>
        %dma_wait3A_144 = arith.constant 0 : i32
        %dma_wait3A_145 = arith.constant 0 : i32
        %dma_wait3A_146 = tpu.memref_slice %arg12[%dma_wait3A_144, %dma_wait3A_145] : memref<10240x64xf32, #tpu.memory_space<vmem_shared>> -> memref<10240x64xf32, #tpu.memory_space<vmem_shared>>
        tpu.wait_indirect_dma semaphore(%run_scoped3A_134 : memref<!tpu.dma_semaphore, #tpu.memory_space<semaphore_mem>>) src(%arg11 : memref<128x64xf32, #tpu.memory_space<vmem>>) dst(%dma_wait3A_146 : memref<10240x64xf32, #tpu.memory_space<vmem_shared>>)
        tpu.yield
      }) : () -> ()
      %add3A_126 = arith.constant 5 : i32
      %add3A_127 = arith.addi %mul3A_83, %add3A_126 : i32
      %dma_start3A_128 = arith.constant 0 : i32
      %dma_start3A_129 = tpu.memref_slice %arg7[%add3A_127, %dma_start3A_128] : memref<81x128xi32, #tpu.memory_space<vmem>> -> memref<1x128xi32, #tpu.memory_space<vmem>>
      %dma_start3A_130 = tpu.memref_squeeze %dma_start3A_129 : memref<1x128xi32, #tpu.memory_space<vmem>> -> memref<128xi32, #tpu.memory_space<vmem>>
      %dma_start3A_131 = arith.constant 0 : i32
      %dma_start3A_132 = arith.constant 0 : i32
      %dma_start3A_133 = tpu.memref_slice %arg2[%dma_start3A_131, %dma_start3A_132] : memref<10000x64xf32, #tpu.memory_space<hbm>> -> memref<10000x64xf32, #tpu.memory_space<hbm>>
      tpu.enqueue_indirect_dma source(%dma_start3A_133 : memref<10000x64xf32, #tpu.memory_space<hbm>>) target(%arg11 : memref<128x64xf32, #tpu.memory_space<vmem>>) offsets(%dma_start3A_130 : memref<128xi32, #tpu.memory_space<vmem>>) semaphore(%arg15 : memref<!tpu.dma_semaphore, #tpu.memory_space<semaphore_mem>>)
    }
    %scan3A_37 = arith.constant 26 : i32
    %dma_wait3A = arith.constant 78 : i32
    %dma_wait3A_38 = arith.constant 0 : i32
    %dma_wait3A_39 = tpu.memref_slice %arg7[%dma_wait3A, %dma_wait3A_38] : memref<81x128xi32, #tpu.memory_space<vmem>> -> memref<1x128xi32, #tpu.memory_space<vmem>>
    %dma_wait3A_40 = tpu.memref_squeeze %dma_wait3A_39 : memref<1x128xi32, #tpu.memory_space<vmem>> -> memref<128xi32, #tpu.memory_space<vmem>>
    %dma_wait3A_41 = arith.constant 0 : i32
    %dma_wait3A_42 = arith.constant 0 : i32
    %dma_wait3A_43 = tpu.memref_slice %arg2[%dma_wait3A_41, %dma_wait3A_42] : memref<10000x64xf32, #tpu.memory_space<hbm>> -> memref<10000x64xf32, #tpu.memory_space<hbm>>
    tpu.wait_indirect_dma semaphore(%arg13 : memref<!tpu.dma_semaphore, #tpu.memory_space<semaphore_mem>>) src(%dma_wait3A_43 : memref<10000x64xf32, #tpu.memory_space<hbm>>) dst(%arg9 : memref<128x64xf32, #tpu.memory_space<vmem>>)
    %run_scoped3A = arith.constant 78 : i32
    "tpu.region"() ({
      %run_scoped3A_81 = tpu.sem_alloc : memref<!tpu.dma_semaphore, #tpu.memory_space<semaphore_mem>>
      %dma_start3A_82 = arith.constant 0 : i32
      %dma_start3A_83 = tpu.memref_slice %arg8[%run_scoped3A, %dma_start3A_82] : memref<81x128xi32, #tpu.memory_space<vmem>> -> memref<1x128xi32, #tpu.memory_space<vmem>>
      %dma_start3A_84 = tpu.memref_squeeze %dma_start3A_83 : memref<1x128xi32, #tpu.memory_space<vmem>> -> memref<128xi32, #tpu.memory_space<vmem>>
      %dma_start3A_85 = arith.constant 0 : i32
      %dma_start3A_86 = arith.constant 0 : i32
      %dma_start3A_87 = tpu.memref_slice %arg12[%dma_start3A_85, %dma_start3A_86] : memref<10240x64xf32, #tpu.memory_space<vmem_shared>> -> memref<10240x64xf32, #tpu.memory_space<vmem_shared>>
      tpu.enqueue_indirect_dma source(%arg9 : memref<128x64xf32, #tpu.memory_space<vmem>>) target(%dma_start3A_87 : memref<10240x64xf32, #tpu.memory_space<vmem_shared>>) offsets(%dma_start3A_84 : memref<128xi32, #tpu.memory_space<vmem>>) semaphore(%run_scoped3A_81 : memref<!tpu.dma_semaphore, #tpu.memory_space<semaphore_mem>>) {add = true}
      %dma_wait3A_88 = arith.constant 0 : i32
      %dma_wait3A_89 = tpu.memref_slice %arg8[%run_scoped3A, %dma_wait3A_88] : memref<81x128xi32, #tpu.memory_space<vmem>> -> memref<1x128xi32, #tpu.memory_space<vmem>>
      %dma_wait3A_90 = tpu.memref_squeeze %dma_wait3A_89 : memref<1x128xi32, #tpu.memory_space<vmem>> -> memref<128xi32, #tpu.memory_space<vmem>>
      %dma_wait3A_91 = arith.constant 0 : i32
      %dma_wait3A_92 = arith.constant 0 : i32
      %dma_wait3A_93 = tpu.memref_slice %arg12[%dma_wait3A_91, %dma_wait3A_92] : memref<10240x64xf32, #tpu.memory_space<vmem_shared>> -> memref<10240x64xf32, #tpu.memory_space<vmem_shared>>
      tpu.wait_indirect_dma semaphore(%run_scoped3A_81 : memref<!tpu.dma_semaphore, #tpu.memory_space<semaphore_mem>>) src(%arg9 : memref<128x64xf32, #tpu.memory_space<vmem>>) dst(%dma_wait3A_93 : memref<10240x64xf32, #tpu.memory_space<vmem_shared>>)
      tpu.yield
    }) : () -> ()
    %dma_wait3A_44 = arith.constant 79 : i32
    %dma_wait3A_45 = arith.constant 0 : i32
    %dma_wait3A_46 = tpu.memref_slice %arg7[%dma_wait3A_44, %dma_wait3A_45] : memref<81x128xi32, #tpu.memory_space<vmem>> -> memref<1x128xi32, #tpu.memory_space<vmem>>
    %dma_wait3A_47 = tpu.memref_squeeze %dma_wait3A_46 : memref<1x128xi32, #tpu.memory_space<vmem>> -> memref<128xi32, #tpu.memory_space<vmem>>
    %dma_wait3A_48 = arith.constant 0 : i32
    %dma_wait3A_49 = arith.constant 0 : i32
    %dma_wait3A_50 = tpu.memref_slice %arg2[%dma_wait3A_48, %dma_wait3A_49] : memref<10000x64xf32, #tpu.memory_space<hbm>> -> memref<10000x64xf32, #tpu.memory_space<hbm>>
    tpu.wait_indirect_dma semaphore(%arg14 : memref<!tpu.dma_semaphore, #tpu.memory_space<semaphore_mem>>) src(%dma_wait3A_50 : memref<10000x64xf32, #tpu.memory_space<hbm>>) dst(%arg10 : memref<128x64xf32, #tpu.memory_space<vmem>>)
    %run_scoped3A_51 = arith.constant 79 : i32
    "tpu.region"() ({
      %run_scoped3A_81 = tpu.sem_alloc : memref<!tpu.dma_semaphore, #tpu.memory_space<semaphore_mem>>
      %dma_start3A_82 = arith.constant 0 : i32
      %dma_start3A_83 = tpu.memref_slice %arg8[%run_scoped3A_51, %dma_start3A_82] : memref<81x128xi32, #tpu.memory_space<vmem>> -> memref<1x128xi32, #tpu.memory_space<vmem>>
      %dma_start3A_84 = tpu.memref_squeeze %dma_start3A_83 : memref<1x128xi32, #tpu.memory_space<vmem>> -> memref<128xi32, #tpu.memory_space<vmem>>
      %dma_start3A_85 = arith.constant 0 : i32
      %dma_start3A_86 = arith.constant 0 : i32
      %dma_start3A_87 = tpu.memref_slice %arg12[%dma_start3A_85, %dma_start3A_86] : memref<10240x64xf32, #tpu.memory_space<vmem_shared>> -> memref<10240x64xf32, #tpu.memory_space<vmem_shared>>
      tpu.enqueue_indirect_dma source(%arg10 : memref<128x64xf32, #tpu.memory_space<vmem>>) target(%dma_start3A_87 : memref<10240x64xf32, #tpu.memory_space<vmem_shared>>) offsets(%dma_start3A_84 : memref<128xi32, #tpu.memory_space<vmem>>) semaphore(%run_scoped3A_81 : memref<!tpu.dma_semaphore, #tpu.memory_space<semaphore_mem>>) {add = true}
      %dma_wait3A_88 = arith.constant 0 : i32
      %dma_wait3A_89 = tpu.memref_slice %arg8[%run_scoped3A_51, %dma_wait3A_88] : memref<81x128xi32, #tpu.memory_space<vmem>> -> memref<1x128xi32, #tpu.memory_space<vmem>>
      %dma_wait3A_90 = tpu.memref_squeeze %dma_wait3A_89 : memref<1x128xi32, #tpu.memory_space<vmem>> -> memref<128xi32, #tpu.memory_space<vmem>>
      %dma_wait3A_91 = arith.constant 0 : i32
      %dma_wait3A_92 = arith.constant 0 : i32
      %dma_wait3A_93 = tpu.memref_slice %arg12[%dma_wait3A_91, %dma_wait3A_92] : memref<10240x64xf32, #tpu.memory_space<vmem_shared>> -> memref<10240x64xf32, #tpu.memory_space<vmem_shared>>
      tpu.wait_indirect_dma semaphore(%run_scoped3A_81 : memref<!tpu.dma_semaphore, #tpu.memory_space<semaphore_mem>>) src(%arg10 : memref<128x64xf32, #tpu.memory_space<vmem>>) dst(%dma_wait3A_93 : memref<10240x64xf32, #tpu.memory_space<vmem_shared>>)
      tpu.yield
    }) : () -> ()
    %dma_wait3A_52 = arith.constant 80 : i32
    %dma_wait3A_53 = arith.constant 0 : i32
    %dma_wait3A_54 = tpu.memref_slice %arg7[%dma_wait3A_52, %dma_wait3A_53] : memref<81x128xi32, #tpu.memory_space<vmem>> -> memref<1x128xi32, #tpu.memory_space<vmem>>
    %dma_wait3A_55 = tpu.memref_squeeze %dma_wait3A_54 : memref<1x128xi32, #tpu.memory_space<vmem>> -> memref<128xi32, #tpu.memory_space<vmem>>
    %dma_wait3A_56 = arith.constant 0 : i32
    %dma_wait3A_57 = arith.constant 0 : i32
    %dma_wait3A_58 = tpu.memref_slice %arg2[%dma_wait3A_56, %dma_wait3A_57] : memref<10000x64xf32, #tpu.memory_space<hbm>> -> memref<10000x64xf32, #tpu.memory_space<hbm>>
    tpu.wait_indirect_dma semaphore(%arg15 : memref<!tpu.dma_semaphore, #tpu.memory_space<semaphore_mem>>) src(%dma_wait3A_58 : memref<10000x64xf32, #tpu.memory_space<hbm>>) dst(%arg11 : memref<128x64xf32, #tpu.memory_space<vmem>>)
    %run_scoped3A_59 = arith.constant 80 : i32
    "tpu.region"() ({
      %run_scoped3A_81 = tpu.sem_alloc : memref<!tpu.dma_semaphore, #tpu.memory_space<semaphore_mem>>
      %dma_start3A_82 = arith.constant 0 : i32
      %dma_start3A_83 = tpu.memref_slice %arg8[%run_scoped3A_59, %dma_start3A_82] : memref<81x128xi32, #tpu.memory_space<vmem>> -> memref<1x128xi32, #tpu.memory_space<vmem>>
      %dma_start3A_84 = tpu.memref_squeeze %dma_start3A_83 : memref<1x128xi32, #tpu.memory_space<vmem>> -> memref<128xi32, #tpu.memory_space<vmem>>
      %dma_start3A_85 = arith.constant 0 : i32
      %dma_start3A_86 = arith.constant 0 : i32
      %dma_start3A_87 = tpu.memref_slice %arg12[%dma_start3A_85, %dma_start3A_86] : memref<10240x64xf32, #tpu.memory_space<vmem_shared>> -> memref<10240x64xf32, #tpu.memory_space<vmem_shared>>
      tpu.enqueue_indirect_dma source(%arg11 : memref<128x64xf32, #tpu.memory_space<vmem>>) target(%dma_start3A_87 : memref<10240x64xf32, #tpu.memory_space<vmem_shared>>) offsets(%dma_start3A_84 : memref<128xi32, #tpu.memory_space<vmem>>) semaphore(%run_scoped3A_81 : memref<!tpu.dma_semaphore, #tpu.memory_space<semaphore_mem>>) {add = true}
      %dma_wait3A_88 = arith.constant 0 : i32
      %dma_wait3A_89 = tpu.memref_slice %arg8[%run_scoped3A_59, %dma_wait3A_88] : memref<81x128xi32, #tpu.memory_space<vmem>> -> memref<1x128xi32, #tpu.memory_space<vmem>>
      %dma_wait3A_90 = tpu.memref_squeeze %dma_wait3A_89 : memref<1x128xi32, #tpu.memory_space<vmem>> -> memref<128xi32, #tpu.memory_space<vmem>>
      %dma_wait3A_91 = arith.constant 0 : i32
      %dma_wait3A_92 = arith.constant 0 : i32
      %dma_wait3A_93 = tpu.memref_slice %arg12[%dma_wait3A_91, %dma_wait3A_92] : memref<10240x64xf32, #tpu.memory_space<vmem_shared>> -> memref<10240x64xf32, #tpu.memory_space<vmem_shared>>
      tpu.wait_indirect_dma semaphore(%run_scoped3A_81 : memref<!tpu.dma_semaphore, #tpu.memory_space<semaphore_mem>>) src(%arg11 : memref<128x64xf32, #tpu.memory_space<vmem>>) dst(%dma_wait3A_93 : memref<10240x64xf32, #tpu.memory_space<vmem_shared>>)
      tpu.yield
    }) : () -> ()
    %barrier3A_60 = arith.constant 0 : index
    tpu.barrier barrier_id(%barrier3A_60)
    %add3A_61 = arith.constant 0 : i32
    %add3A_62 = arith.addi %mul3A_2, %add3A_61 : i32
    "tpu.region"() ({
      %run_scoped3A_81 = tpu.sem_alloc : memref<!tpu.dma_semaphore, #tpu.memory_space<semaphore_mem>>
      %dma_start3A_82 = arith.constant 0 : i32
      %dma_start3A_83 = tpu.memref_slice %arg12[%add3A_62, %dma_start3A_82] : memref<10240x64xf32, #tpu.memory_space<vmem_shared>> -> memref<128x64xf32, #tpu.memory_space<vmem_shared>>
      %dma_start3A_84 = arith.constant 0 : i32
      %dma_start3A_85 = tpu.memref_slice %arg12[%add3A_62, %dma_start3A_84] : memref<10240x64xf32, #tpu.memory_space<vmem_shared>> -> memref<128x64xf32, #tpu.memory_space<vmem_shared>>
      tpu.enqueue_dma source(%dma_start3A_85 : memref<128x64xf32, #tpu.memory_space<vmem_shared>>) target(%arg9 : memref<128x64xf32, #tpu.memory_space<vmem>>) target_semaphore(%run_scoped3A_81 : memref<!tpu.dma_semaphore, #tpu.memory_space<semaphore_mem>>)
      %dma_wait3A_86 = arith.constant 0 : i32
      %dma_wait3A_87 = tpu.memref_slice %arg12[%add3A_62, %dma_wait3A_86] : memref<10240x64xf32, #tpu.memory_space<vmem_shared>> -> memref<128x64xf32, #tpu.memory_space<vmem_shared>>
      %dma_wait3A_88 = arith.constant 0 : i32
      %dma_wait3A_89 = tpu.memref_slice %arg12[%add3A_62, %dma_wait3A_88] : memref<10240x64xf32, #tpu.memory_space<vmem_shared>> -> memref<128x64xf32, #tpu.memory_space<vmem_shared>>
      tpu.wait_dma2 semaphore(%run_scoped3A_81 : memref<!tpu.dma_semaphore, #tpu.memory_space<semaphore_mem>>) src(%dma_wait3A_89 : memref<128x64xf32, #tpu.memory_space<vmem_shared>>) dst(%arg9 : memref<128x64xf32, #tpu.memory_space<vmem>>)
      tpu.yield
    }) : () -> ()
    %add3A_63 = arith.constant 0 : i32
    %add3A_64 = arith.addi %mul3A_2, %add3A_63 : i32
    "tpu.region"() ({
      %run_scoped3A_81 = tpu.sem_alloc : memref<!tpu.dma_semaphore, #tpu.memory_space<semaphore_mem>>
      %dma_start3A_82 = arith.constant 0 : i32
      %dma_start3A_83 = arith.constant 0 : i32
      %dma_start3A_84 = tpu.memref_slice %arg6[%arg0, %dma_start3A_82, %dma_start3A_83] : memref<2x10240x64xf32, #tpu.memory_space<hbm>> -> memref<1x10240x64xf32, #tpu.memory_space<hbm>>
      %dma_start3A_85 = tpu.memref_squeeze %dma_start3A_84 : memref<1x10240x64xf32, #tpu.memory_space<hbm>> -> memref<10240x64xf32, #tpu.memory_space<hbm>>
      %dma_start3A_86 = arith.constant 0 : i32
      %dma_start3A_87 = tpu.memref_slice %dma_start3A_85[%add3A_64, %dma_start3A_86] : memref<10240x64xf32, #tpu.memory_space<hbm>> -> memref<128x64xf32, #tpu.memory_space<hbm>>
      %dma_start3A_88 = arith.constant 0 : i32
      %dma_start3A_89 = arith.constant 0 : i32
      %dma_start3A_90 = tpu.memref_slice %arg6[%arg0, %dma_start3A_88, %dma_start3A_89] : memref<2x10240x64xf32, #tpu.memory_space<hbm>> -> memref<1x10240x64xf32, #tpu.memory_space<hbm>>
      %dma_start3A_91 = tpu.memref_squeeze %dma_start3A_90 : memref<1x10240x64xf32, #tpu.memory_space<hbm>> -> memref<10240x64xf32, #tpu.memory_space<hbm>>
      %dma_start3A_92 = arith.constant 0 : i32
      %dma_start3A_93 = tpu.memref_slice %dma_start3A_91[%add3A_64, %dma_start3A_92] : memref<10240x64xf32, #tpu.memory_space<hbm>> -> memref<128x64xf32, #tpu.memory_space<hbm>>
      tpu.enqueue_dma source(%arg9 : memref<128x64xf32, #tpu.memory_space<vmem>>) target(%dma_start3A_93 : memref<128x64xf32, #tpu.memory_space<hbm>>) target_semaphore(%run_scoped3A_81 : memref<!tpu.dma_semaphore, #tpu.memory_space<semaphore_mem>>)
      %dma_wait3A_94 = arith.constant 0 : i32
      %dma_wait3A_95 = arith.constant 0 : i32
      %dma_wait3A_96 = tpu.memref_slice %arg6[%arg0, %dma_wait3A_94, %dma_wait3A_95] : memref<2x10240x64xf32, #tpu.memory_space<hbm>> -> memref<1x10240x64xf32, #tpu.memory_space<hbm>>
      %dma_wait3A_97 = tpu.memref_squeeze %dma_wait3A_96 : memref<1x10240x64xf32, #tpu.memory_space<hbm>> -> memref<10240x64xf32, #tpu.memory_space<hbm>>
      %dma_wait3A_98 = arith.constant 0 : i32
      %dma_wait3A_99 = tpu.memref_slice %dma_wait3A_97[%add3A_64, %dma_wait3A_98] : memref<10240x64xf32, #tpu.memory_space<hbm>> -> memref<128x64xf32, #tpu.memory_space<hbm>>
      %dma_wait3A_100 = arith.constant 0 : i32
      %dma_wait3A_101 = arith.constant 0 : i32
      %dma_wait3A_102 = tpu.memref_slice %arg6[%arg0, %dma_wait3A_100, %dma_wait3A_101] : memref<2x10240x64xf32, #tpu.memory_space<hbm>> -> memref<1x10240x64xf32, #tpu.memory_space<hbm>>
      %dma_wait3A_103 = tpu.memref_squeeze %dma_wait3A_102 : memref<1x10240x64xf32, #tpu.memory_space<hbm>> -> memref<10240x64xf32, #tpu.memory_space<hbm>>
      %dma_wait3A_104 = arith.constant 0 : i32
      %dma_wait3A_105 = tpu.memref_slice %dma_wait3A_103[%add3A_64, %dma_wait3A_104] : memref<10240x64xf32, #tpu.memory_space<hbm>> -> memref<128x64xf32, #tpu.memory_space<hbm>>
      tpu.wait_dma2 semaphore(%run_scoped3A_81 : memref<!tpu.dma_semaphore, #tpu.memory_space<semaphore_mem>>) src(%arg9 : memref<128x64xf32, #tpu.memory_space<vmem>>) dst(%dma_wait3A_105 : memref<128x64xf32, #tpu.memory_space<hbm>>)
      tpu.yield
    }) : () -> ()
    %add3A_65 = arith.constant 128 : i32
    %add3A_66 = arith.addi %mul3A_2, %add3A_65 : i32
    "tpu.region"() ({
      %run_scoped3A_81 = tpu.sem_alloc : memref<!tpu.dma_semaphore, #tpu.memory_space<semaphore_mem>>
      %dma_start3A_82 = arith.constant 0 : i32
      %dma_start3A_83 = tpu.memref_slice %arg12[%add3A_66, %dma_start3A_82] : memref<10240x64xf32, #tpu.memory_space<vmem_shared>> -> memref<128x64xf32, #tpu.memory_space<vmem_shared>>
      %dma_start3A_84 = arith.constant 0 : i32
      %dma_start3A_85 = tpu.memref_slice %arg12[%add3A_66, %dma_start3A_84] : memref<10240x64xf32, #tpu.memory_space<vmem_shared>> -> memref<128x64xf32, #tpu.memory_space<vmem_shared>>
      tpu.enqueue_dma source(%dma_start3A_85 : memref<128x64xf32, #tpu.memory_space<vmem_shared>>) target(%arg9 : memref<128x64xf32, #tpu.memory_space<vmem>>) target_semaphore(%run_scoped3A_81 : memref<!tpu.dma_semaphore, #tpu.memory_space<semaphore_mem>>)
      %dma_wait3A_86 = arith.constant 0 : i32
      %dma_wait3A_87 = tpu.memref_slice %arg12[%add3A_66, %dma_wait3A_86] : memref<10240x64xf32, #tpu.memory_space<vmem_shared>> -> memref<128x64xf32, #tpu.memory_space<vmem_shared>>
      %dma_wait3A_88 = arith.constant 0 : i32
      %dma_wait3A_89 = tpu.memref_slice %arg12[%add3A_66, %dma_wait3A_88] : memref<10240x64xf32, #tpu.memory_space<vmem_shared>> -> memref<128x64xf32, #tpu.memory_space<vmem_shared>>
      tpu.wait_dma2 semaphore(%run_scoped3A_81 : memref<!tpu.dma_semaphore, #tpu.memory_space<semaphore_mem>>) src(%dma_wait3A_89 : memref<128x64xf32, #tpu.memory_space<vmem_shared>>) dst(%arg9 : memref<128x64xf32, #tpu.memory_space<vmem>>)
      tpu.yield
    }) : () -> ()
    %add3A_67 = arith.constant 128 : i32
    %add3A_68 = arith.addi %mul3A_2, %add3A_67 : i32
    "tpu.region"() ({
      %run_scoped3A_81 = tpu.sem_alloc : memref<!tpu.dma_semaphore, #tpu.memory_space<semaphore_mem>>
      %dma_start3A_82 = arith.constant 0 : i32
      %dma_start3A_83 = arith.constant 0 : i32
      %dma_start3A_84 = tpu.memref_slice %arg6[%arg0, %dma_start3A_82, %dma_start3A_83] : memref<2x10240x64xf32, #tpu.memory_space<hbm>> -> memref<1x10240x64xf32, #tpu.memory_space<hbm>>
      %dma_start3A_85 = tpu.memref_squeeze %dma_start3A_84 : memref<1x10240x64xf32, #tpu.memory_space<hbm>> -> memref<10240x64xf32, #tpu.memory_space<hbm>>
      %dma_start3A_86 = arith.constant 0 : i32
      %dma_start3A_87 = tpu.memref_slice %dma_start3A_85[%add3A_68, %dma_start3A_86] : memref<10240x64xf32, #tpu.memory_space<hbm>> -> memref<128x64xf32, #tpu.memory_space<hbm>>
      %dma_start3A_88 = arith.constant 0 : i32
      %dma_start3A_89 = arith.constant 0 : i32
      %dma_start3A_90 = tpu.memref_slice %arg6[%arg0, %dma_start3A_88, %dma_start3A_89] : memref<2x10240x64xf32, #tpu.memory_space<hbm>> -> memref<1x10240x64xf32, #tpu.memory_space<hbm>>
      %dma_start3A_91 = tpu.memref_squeeze %dma_start3A_90 : memref<1x10240x64xf32, #tpu.memory_space<hbm>> -> memref<10240x64xf32, #tpu.memory_space<hbm>>
      %dma_start3A_92 = arith.constant 0 : i32
      %dma_start3A_93 = tpu.memref_slice %dma_start3A_91[%add3A_68, %dma_start3A_92] : memref<10240x64xf32, #tpu.memory_space<hbm>> -> memref<128x64xf32, #tpu.memory_space<hbm>>
      tpu.enqueue_dma source(%arg9 : memref<128x64xf32, #tpu.memory_space<vmem>>) target(%dma_start3A_93 : memref<128x64xf32, #tpu.memory_space<hbm>>) target_semaphore(%run_scoped3A_81 : memref<!tpu.dma_semaphore, #tpu.memory_space<semaphore_mem>>)
      %dma_wait3A_94 = arith.constant 0 : i32
      %dma_wait3A_95 = arith.constant 0 : i32
      %dma_wait3A_96 = tpu.memref_slice %arg6[%arg0, %dma_wait3A_94, %dma_wait3A_95] : memref<2x10240x64xf32, #tpu.memory_space<hbm>> -> memref<1x10240x64xf32, #tpu.memory_space<hbm>>
      %dma_wait3A_97 = tpu.memref_squeeze %dma_wait3A_96 : memref<1x10240x64xf32, #tpu.memory_space<hbm>> -> memref<10240x64xf32, #tpu.memory_space<hbm>>
      %dma_wait3A_98 = arith.constant 0 : i32
      %dma_wait3A_99 = tpu.memref_slice %dma_wait3A_97[%add3A_68, %dma_wait3A_98] : memref<10240x64xf32, #tpu.memory_space<hbm>> -> memref<128x64xf32, #tpu.memory_space<hbm>>
      %dma_wait3A_100 = arith.constant 0 : i32
      %dma_wait3A_101 = arith.constant 0 : i32
      %dma_wait3A_102 = tpu.memref_slice %arg6[%arg0, %dma_wait3A_100, %dma_wait3A_101] : memref<2x10240x64xf32, #tpu.memory_space<hbm>> -> memref<1x10240x64xf32, #tpu.memory_space<hbm>>
      %dma_wait3A_103 = tpu.memref_squeeze %dma_wait3A_102 : memref<1x10240x64xf32, #tpu.memory_space<hbm>> -> memref<10240x64xf32, #tpu.memory_space<hbm>>
      %dma_wait3A_104 = arith.constant 0 : i32
      %dma_wait3A_105 = tpu.memref_slice %dma_wait3A_103[%add3A_68, %dma_wait3A_104] : memref<10240x64xf32, #tpu.memory_space<hbm>> -> memref<128x64xf32, #tpu.memory_space<hbm>>
      tpu.wait_dma2 semaphore(%run_scoped3A_81 : memref<!tpu.dma_semaphore, #tpu.memory_space<semaphore_mem>>) src(%arg9 : memref<128x64xf32, #tpu.memory_space<vmem>>) dst(%dma_wait3A_105 : memref<128x64xf32, #tpu.memory_space<hbm>>)
      tpu.yield
    }) : () -> ()
    %add3A_69 = arith.constant 256 : i32
    %add3A_70 = arith.addi %mul3A_2, %add3A_69 : i32
    "tpu.region"() ({
      %run_scoped3A_81 = tpu.sem_alloc : memref<!tpu.dma_semaphore, #tpu.memory_space<semaphore_mem>>
      %dma_start3A_82 = arith.constant 0 : i32
      %dma_start3A_83 = tpu.memref_slice %arg12[%add3A_70, %dma_start3A_82] : memref<10240x64xf32, #tpu.memory_space<vmem_shared>> -> memref<128x64xf32, #tpu.memory_space<vmem_shared>>
      %dma_start3A_84 = arith.constant 0 : i32
      %dma_start3A_85 = tpu.memref_slice %arg12[%add3A_70, %dma_start3A_84] : memref<10240x64xf32, #tpu.memory_space<vmem_shared>> -> memref<128x64xf32, #tpu.memory_space<vmem_shared>>
      tpu.enqueue_dma source(%dma_start3A_85 : memref<128x64xf32, #tpu.memory_space<vmem_shared>>) target(%arg9 : memref<128x64xf32, #tpu.memory_space<vmem>>) target_semaphore(%run_scoped3A_81 : memref<!tpu.dma_semaphore, #tpu.memory_space<semaphore_mem>>)
      %dma_wait3A_86 = arith.constant 0 : i32
      %dma_wait3A_87 = tpu.memref_slice %arg12[%add3A_70, %dma_wait3A_86] : memref<10240x64xf32, #tpu.memory_space<vmem_shared>> -> memref<128x64xf32, #tpu.memory_space<vmem_shared>>
      %dma_wait3A_88 = arith.constant 0 : i32
      %dma_wait3A_89 = tpu.memref_slice %arg12[%add3A_70, %dma_wait3A_88] : memref<10240x64xf32, #tpu.memory_space<vmem_shared>> -> memref<128x64xf32, #tpu.memory_space<vmem_shared>>
      tpu.wait_dma2 semaphore(%run_scoped3A_81 : memref<!tpu.dma_semaphore, #tpu.memory_space<semaphore_mem>>) src(%dma_wait3A_89 : memref<128x64xf32, #tpu.memory_space<vmem_shared>>) dst(%arg9 : memref<128x64xf32, #tpu.memory_space<vmem>>)
      tpu.yield
    }) : () -> ()
    %add3A_71 = arith.constant 256 : i32
    %add3A_72 = arith.addi %mul3A_2, %add3A_71 : i32
    "tpu.region"() ({
      %run_scoped3A_81 = tpu.sem_alloc : memref<!tpu.dma_semaphore, #tpu.memory_space<semaphore_mem>>
      %dma_start3A_82 = arith.constant 0 : i32
      %dma_start3A_83 = arith.constant 0 : i32
      %dma_start3A_84 = tpu.memref_slice %arg6[%arg0, %dma_start3A_82, %dma_start3A_83] : memref<2x10240x64xf32, #tpu.memory_space<hbm>> -> memref<1x10240x64xf32, #tpu.memory_space<hbm>>
      %dma_start3A_85 = tpu.memref_squeeze %dma_start3A_84 : memref<1x10240x64xf32, #tpu.memory_space<hbm>> -> memref<10240x64xf32, #tpu.memory_space<hbm>>
      %dma_start3A_86 = arith.constant 0 : i32
      %dma_start3A_87 = tpu.memref_slice %dma_start3A_85[%add3A_72, %dma_start3A_86] : memref<10240x64xf32, #tpu.memory_space<hbm>> -> memref<128x64xf32, #tpu.memory_space<hbm>>
      %dma_start3A_88 = arith.constant 0 : i32
      %dma_start3A_89 = arith.constant 0 : i32
      %dma_start3A_90 = tpu.memref_slice %arg6[%arg0, %dma_start3A_88, %dma_start3A_89] : memref<2x10240x64xf32, #tpu.memory_space<hbm>> -> memref<1x10240x64xf32, #tpu.memory_space<hbm>>
      %dma_start3A_91 = tpu.memref_squeeze %dma_start3A_90 : memref<1x10240x64xf32, #tpu.memory_space<hbm>> -> memref<10240x64xf32, #tpu.memory_space<hbm>>
      %dma_start3A_92 = arith.constant 0 : i32
      %dma_start3A_93 = tpu.memref_slice %dma_start3A_91[%add3A_72, %dma_start3A_92] : memref<10240x64xf32, #tpu.memory_space<hbm>> -> memref<128x64xf32, #tpu.memory_space<hbm>>
      tpu.enqueue_dma source(%arg9 : memref<128x64xf32, #tpu.memory_space<vmem>>) target(%dma_start3A_93 : memref<128x64xf32, #tpu.memory_space<hbm>>) target_semaphore(%run_scoped3A_81 : memref<!tpu.dma_semaphore, #tpu.memory_space<semaphore_mem>>)
      %dma_wait3A_94 = arith.constant 0 : i32
      %dma_wait3A_95 = arith.constant 0 : i32
      %dma_wait3A_96 = tpu.memref_slice %arg6[%arg0, %dma_wait3A_94, %dma_wait3A_95] : memref<2x10240x64xf32, #tpu.memory_space<hbm>> -> memref<1x10240x64xf32, #tpu.memory_space<hbm>>
      %dma_wait3A_97 = tpu.memref_squeeze %dma_wait3A_96 : memref<1x10240x64xf32, #tpu.memory_space<hbm>> -> memref<10240x64xf32, #tpu.memory_space<hbm>>
      %dma_wait3A_98 = arith.constant 0 : i32
      %dma_wait3A_99 = tpu.memref_slice %dma_wait3A_97[%add3A_72, %dma_wait3A_98] : memref<10240x64xf32, #tpu.memory_space<hbm>> -> memref<128x64xf32, #tpu.memory_space<hbm>>
      %dma_wait3A_100 = arith.constant 0 : i32
      %dma_wait3A_101 = arith.constant 0 : i32
      %dma_wait3A_102 = tpu.memref_slice %arg6[%arg0, %dma_wait3A_100, %dma_wait3A_101] : memref<2x10240x64xf32, #tpu.memory_space<hbm>> -> memref<1x10240x64xf32, #tpu.memory_space<hbm>>
      %dma_wait3A_103 = tpu.memref_squeeze %dma_wait3A_102 : memref<1x10240x64xf32, #tpu.memory_space<hbm>> -> memref<10240x64xf32, #tpu.memory_space<hbm>>
      %dma_wait3A_104 = arith.constant 0 : i32
      %dma_wait3A_105 = tpu.memref_slice %dma_wait3A_103[%add3A_72, %dma_wait3A_104] : memref<10240x64xf32, #tpu.memory_space<hbm>> -> memref<128x64xf32, #tpu.memory_space<hbm>>
      tpu.wait_dma2 semaphore(%run_scoped3A_81 : memref<!tpu.dma_semaphore, #tpu.memory_space<semaphore_mem>>) src(%arg9 : memref<128x64xf32, #tpu.memory_space<vmem>>) dst(%dma_wait3A_105 : memref<128x64xf32, #tpu.memory_space<hbm>>)
      tpu.yield
    }) : () -> ()
    %add3A_73 = arith.constant 384 : i32
    %add3A_74 = arith.addi %mul3A_2, %add3A_73 : i32
    "tpu.region"() ({
      %run_scoped3A_81 = tpu.sem_alloc : memref<!tpu.dma_semaphore, #tpu.memory_space<semaphore_mem>>
      %dma_start3A_82 = arith.constant 0 : i32
      %dma_start3A_83 = tpu.memref_slice %arg12[%add3A_74, %dma_start3A_82] : memref<10240x64xf32, #tpu.memory_space<vmem_shared>> -> memref<128x64xf32, #tpu.memory_space<vmem_shared>>
      %dma_start3A_84 = arith.constant 0 : i32
      %dma_start3A_85 = tpu.memref_slice %arg12[%add3A_74, %dma_start3A_84] : memref<10240x64xf32, #tpu.memory_space<vmem_shared>> -> memref<128x64xf32, #tpu.memory_space<vmem_shared>>
      tpu.enqueue_dma source(%dma_start3A_85 : memref<128x64xf32, #tpu.memory_space<vmem_shared>>) target(%arg9 : memref<128x64xf32, #tpu.memory_space<vmem>>) target_semaphore(%run_scoped3A_81 : memref<!tpu.dma_semaphore, #tpu.memory_space<semaphore_mem>>)
      %dma_wait3A_86 = arith.constant 0 : i32
      %dma_wait3A_87 = tpu.memref_slice %arg12[%add3A_74, %dma_wait3A_86] : memref<10240x64xf32, #tpu.memory_space<vmem_shared>> -> memref<128x64xf32, #tpu.memory_space<vmem_shared>>
      %dma_wait3A_88 = arith.constant 0 : i32
      %dma_wait3A_89 = tpu.memref_slice %arg12[%add3A_74, %dma_wait3A_88] : memref<10240x64xf32, #tpu.memory_space<vmem_shared>> -> memref<128x64xf32, #tpu.memory_space<vmem_shared>>
      tpu.wait_dma2 semaphore(%run_scoped3A_81 : memref<!tpu.dma_semaphore, #tpu.memory_space<semaphore_mem>>) src(%dma_wait3A_89 : memref<128x64xf32, #tpu.memory_space<vmem_shared>>) dst(%arg9 : memref<128x64xf32, #tpu.memory_space<vmem>>)
      tpu.yield
    }) : () -> ()
    %add3A_75 = arith.constant 384 : i32
    %add3A_76 = arith.addi %mul3A_2, %add3A_75 : i32
    "tpu.region"() ({
      %run_scoped3A_81 = tpu.sem_alloc : memref<!tpu.dma_semaphore, #tpu.memory_space<semaphore_mem>>
      %dma_start3A_82 = arith.constant 0 : i32
      %dma_start3A_83 = arith.constant 0 : i32
      %dma_start3A_84 = tpu.memref_slice %arg6[%arg0, %dma_start3A_82, %dma_start3A_83] : memref<2x10240x64xf32, #tpu.memory_space<hbm>> -> memref<1x10240x64xf32, #tpu.memory_space<hbm>>
      %dma_start3A_85 = tpu.memref_squeeze %dma_start3A_84 : memref<1x10240x64xf32, #tpu.memory_space<hbm>> -> memref<10240x64xf32, #tpu.memory_space<hbm>>
      %dma_start3A_86 = arith.constant 0 : i32
      %dma_start3A_87 = tpu.memref_slice %dma_start3A_85[%add3A_76, %dma_start3A_86] : memref<10240x64xf32, #tpu.memory_space<hbm>> -> memref<128x64xf32, #tpu.memory_space<hbm>>
      %dma_start3A_88 = arith.constant 0 : i32
      %dma_start3A_89 = arith.constant 0 : i32
      %dma_start3A_90 = tpu.memref_slice %arg6[%arg0, %dma_start3A_88, %dma_start3A_89] : memref<2x10240x64xf32, #tpu.memory_space<hbm>> -> memref<1x10240x64xf32, #tpu.memory_space<hbm>>
      %dma_start3A_91 = tpu.memref_squeeze %dma_start3A_90 : memref<1x10240x64xf32, #tpu.memory_space<hbm>> -> memref<10240x64xf32, #tpu.memory_space<hbm>>
      %dma_start3A_92 = arith.constant 0 : i32
      %dma_start3A_93 = tpu.memref_slice %dma_start3A_91[%add3A_76, %dma_start3A_92] : memref<10240x64xf32, #tpu.memory_space<hbm>> -> memref<128x64xf32, #tpu.memory_space<hbm>>
      tpu.enqueue_dma source(%arg9 : memref<128x64xf32, #tpu.memory_space<vmem>>) target(%dma_start3A_93 : memref<128x64xf32, #tpu.memory_space<hbm>>) target_semaphore(%run_scoped3A_81 : memref<!tpu.dma_semaphore, #tpu.memory_space<semaphore_mem>>)
      %dma_wait3A_94 = arith.constant 0 : i32
      %dma_wait3A_95 = arith.constant 0 : i32
      %dma_wait3A_96 = tpu.memref_slice %arg6[%arg0, %dma_wait3A_94, %dma_wait3A_95] : memref<2x10240x64xf32, #tpu.memory_space<hbm>> -> memref<1x10240x64xf32, #tpu.memory_space<hbm>>
      %dma_wait3A_97 = tpu.memref_squeeze %dma_wait3A_96 : memref<1x10240x64xf32, #tpu.memory_space<hbm>> -> memref<10240x64xf32, #tpu.memory_space<hbm>>
      %dma_wait3A_98 = arith.constant 0 : i32
      %dma_wait3A_99 = tpu.memref_slice %dma_wait3A_97[%add3A_76, %dma_wait3A_98] : memref<10240x64xf32, #tpu.memory_space<hbm>> -> memref<128x64xf32, #tpu.memory_space<hbm>>
      %dma_wait3A_100 = arith.constant 0 : i32
      %dma_wait3A_101 = arith.constant 0 : i32
      %dma_wait3A_102 = tpu.memref_slice %arg6[%arg0, %dma_wait3A_100, %dma_wait3A_101] : memref<2x10240x64xf32, #tpu.memory_space<hbm>> -> memref<1x10240x64xf32, #tpu.memory_space<hbm>>
      %dma_wait3A_103 = tpu.memref_squeeze %dma_wait3A_102 : memref<1x10240x64xf32, #tpu.memory_space<hbm>> -> memref<10240x64xf32, #tpu.memory_space<hbm>>
      %dma_wait3A_104 = arith.constant 0 : i32
      %dma_wait3A_105 = tpu.memref_slice %dma_wait3A_103[%add3A_76, %dma_wait3A_104] : memref<10240x64xf32, #tpu.memory_space<hbm>> -> memref<128x64xf32, #tpu.memory_space<hbm>>
      tpu.wait_dma2 semaphore(%run_scoped3A_81 : memref<!tpu.dma_semaphore, #tpu.memory_space<semaphore_mem>>) src(%arg9 : memref<128x64xf32, #tpu.memory_space<vmem>>) dst(%dma_wait3A_105 : memref<128x64xf32, #tpu.memory_space<hbm>>)
      tpu.yield
    }) : () -> ()
    %add3A_77 = arith.constant 512 : i32
    %add3A_78 = arith.addi %mul3A_2, %add3A_77 : i32
    "tpu.region"() ({
      %run_scoped3A_81 = tpu.sem_alloc : memref<!tpu.dma_semaphore, #tpu.memory_space<semaphore_mem>>
      %dma_start3A_82 = arith.constant 0 : i32
      %dma_start3A_83 = tpu.memref_slice %arg12[%add3A_78, %dma_start3A_82] : memref<10240x64xf32, #tpu.memory_space<vmem_shared>> -> memref<128x64xf32, #tpu.memory_space<vmem_shared>>
      %dma_start3A_84 = arith.constant 0 : i32
      %dma_start3A_85 = tpu.memref_slice %arg12[%add3A_78, %dma_start3A_84] : memref<10240x64xf32, #tpu.memory_space<vmem_shared>> -> memref<128x64xf32, #tpu.memory_space<vmem_shared>>
      tpu.enqueue_dma source(%dma_start3A_85 : memref<128x64xf32, #tpu.memory_space<vmem_shared>>) target(%arg9 : memref<128x64xf32, #tpu.memory_space<vmem>>) target_semaphore(%run_scoped3A_81 : memref<!tpu.dma_semaphore, #tpu.memory_space<semaphore_mem>>)
      %dma_wait3A_86 = arith.constant 0 : i32
      %dma_wait3A_87 = tpu.memref_slice %arg12[%add3A_78, %dma_wait3A_86] : memref<10240x64xf32, #tpu.memory_space<vmem_shared>> -> memref<128x64xf32, #tpu.memory_space<vmem_shared>>
      %dma_wait3A_88 = arith.constant 0 : i32
      %dma_wait3A_89 = tpu.memref_slice %arg12[%add3A_78, %dma_wait3A_88] : memref<10240x64xf32, #tpu.memory_space<vmem_shared>> -> memref<128x64xf32, #tpu.memory_space<vmem_shared>>
      tpu.wait_dma2 semaphore(%run_scoped3A_81 : memref<!tpu.dma_semaphore, #tpu.memory_space<semaphore_mem>>) src(%dma_wait3A_89 : memref<128x64xf32, #tpu.memory_space<vmem_shared>>) dst(%arg9 : memref<128x64xf32, #tpu.memory_space<vmem>>)
      tpu.yield
    }) : () -> ()
    %add3A_79 = arith.constant 512 : i32
    %add3A_80 = arith.addi %mul3A_2, %add3A_79 : i32
    "tpu.region"() ({
      %run_scoped3A_81 = tpu.sem_alloc : memref<!tpu.dma_semaphore, #tpu.memory_space<semaphore_mem>>
      %dma_start3A_82 = arith.constant 0 : i32
      %dma_start3A_83 = arith.constant 0 : i32
      %dma_start3A_84 = tpu.memref_slice %arg6[%arg0, %dma_start3A_82, %dma_start3A_83] : memref<2x10240x64xf32, #tpu.memory_space<hbm>> -> memref<1x10240x64xf32, #tpu.memory_space<hbm>>
      %dma_start3A_85 = tpu.memref_squeeze %dma_start3A_84 : memref<1x10240x64xf32, #tpu.memory_space<hbm>> -> memref<10240x64xf32, #tpu.memory_space<hbm>>
      %dma_start3A_86 = arith.constant 0 : i32
      %dma_start3A_87 = tpu.memref_slice %dma_start3A_85[%add3A_80, %dma_start3A_86] : memref<10240x64xf32, #tpu.memory_space<hbm>> -> memref<128x64xf32, #tpu.memory_space<hbm>>
      %dma_start3A_88 = arith.constant 0 : i32
      %dma_start3A_89 = arith.constant 0 : i32
      %dma_start3A_90 = tpu.memref_slice %arg6[%arg0, %dma_start3A_88, %dma_start3A_89] : memref<2x10240x64xf32, #tpu.memory_space<hbm>> -> memref<1x10240x64xf32, #tpu.memory_space<hbm>>
      %dma_start3A_91 = tpu.memref_squeeze %dma_start3A_90 : memref<1x10240x64xf32, #tpu.memory_space<hbm>> -> memref<10240x64xf32, #tpu.memory_space<hbm>>
      %dma_start3A_92 = arith.constant 0 : i32
      %dma_start3A_93 = tpu.memref_slice %dma_start3A_91[%add3A_80, %dma_start3A_92] : memref<10240x64xf32, #tpu.memory_space<hbm>> -> memref<128x64xf32, #tpu.memory_space<hbm>>
      tpu.enqueue_dma source(%arg9 : memref<128x64xf32, #tpu.memory_space<vmem>>) target(%dma_start3A_93 : memref<128x64xf32, #tpu.memory_space<hbm>>) target_semaphore(%run_scoped3A_81 : memref<!tpu.dma_semaphore, #tpu.memory_space<semaphore_mem>>)
      %dma_wait3A_94 = arith.constant 0 : i32
      %dma_wait3A_95 = arith.constant 0 : i32
      %dma_wait3A_96 = tpu.memref_slice %arg6[%arg0, %dma_wait3A_94, %dma_wait3A_95] : memref<2x10240x64xf32, #tpu.memory_space<hbm>> -> memref<1x10240x64xf32, #tpu.memory_space<hbm>>
      %dma_wait3A_97 = tpu.memref_squeeze %dma_wait3A_96 : memref<1x10240x64xf32, #tpu.memory_space<hbm>> -> memref<10240x64xf32, #tpu.memory_space<hbm>>
      %dma_wait3A_98 = arith.constant 0 : i32
      %dma_wait3A_99 = tpu.memref_slice %dma_wait3A_97[%add3A_80, %dma_wait3A_98] : memref<10240x64xf32, #tpu.memory_space<hbm>> -> memref<128x64xf32, #tpu.memory_space<hbm>>
      %dma_wait3A_100 = arith.constant 0 : i32
      %dma_wait3A_101 = arith.constant 0 : i32
      %dma_wait3A_102 = tpu.memref_slice %arg6[%arg0, %dma_wait3A_100, %dma_wait3A_101] : memref<2x10240x64xf32, #tpu.memory_space<hbm>> -> memref<1x10240x64xf32, #tpu.memory_space<hbm>>
      %dma_wait3A_103 = tpu.memref_squeeze %dma_wait3A_102 : memref<1x10240x64xf32, #tpu.memory_space<hbm>> -> memref<10240x64xf32, #tpu.memory_space<hbm>>
      %dma_wait3A_104 = arith.constant 0 : i32
      %dma_wait3A_105 = tpu.memref_slice %dma_wait3A_103[%add3A_80, %dma_wait3A_104] : memref<10240x64xf32, #tpu.memory_space<hbm>> -> memref<128x64xf32, #tpu.memory_space<hbm>>
      tpu.wait_dma2 semaphore(%run_scoped3A_81 : memref<!tpu.dma_semaphore, #tpu.memory_space<semaphore_mem>>) src(%arg9 : memref<128x64xf32, #tpu.memory_space<vmem>>) dst(%dma_wait3A_105 : memref<128x64xf32, #tpu.memory_space<hbm>>)
      tpu.yield
    }) : () -> ()
    return
  }
}

#map = affine_map<(d0, d1) -> (0, 0)>
#map1 = affine_map<(d0, d1) -> (0, 0, 0)>
module attributes {stable_mosaic.version = 14 : i64} {
  func.func @body(%arg0: i32, %arg1: i32, %arg2: memref<10000x32xf32, #tpu.memory_space<hbm>>, %arg3: memref<32x81x128xi32, #tpu.memory_space<hbm>>, %arg4: memref<32x81x128xi32, #tpu.memory_space<hbm>>, %arg5: memref<128x32xf32, #tpu.memory_space<hbm>>, %arg6: memref<2x10240x32xf32, #tpu.memory_space<hbm>>, %arg7: memref<81x128xi32, #tpu.memory_space<vmem>>, %arg8: memref<81x128xi32, #tpu.memory_space<vmem>>, %arg9: memref<128x32xf32, #tpu.memory_space<vmem>>, %arg10: memref<128x32xf32, #tpu.memory_space<vmem>>, %arg11: memref<128x32xf32, #tpu.memory_space<vmem>>, %arg12: memref<10240x32xf32, #tpu.memory_space<vmem_shared>>, %arg13: memref<!tpu.dma_semaphore, #tpu.memory_space<semaphore_mem>>, %arg14: memref<!tpu.dma_semaphore, #tpu.memory_space<semaphore_mem>>, %arg15: memref<!tpu.dma_semaphore, #tpu.memory_space<semaphore_mem>>) attributes {dimension_semantics = [#tpu.dimension_semantics<core_parallel>, #tpu.dimension_semantics<subcore_parallel>], iteration_bounds = array<i64: 2, 16>, scalar_prefetch = 0 : i64, scratch_operands = 9 : i64, tpu.core_type = #tpu.core_type<sc_vector_subcore>, window_params = [{transform_indices = #map}, {transform_indices = #map1}, {transform_indices = #map1}, {transform_indices = #map}, {transform_indices = #map1}]} {
    %mul3A = arith.constant 2 : i32
    %mul3A_0 = arith.muli %arg1, %mul3A : i32
    %add3A = arith.addi %mul3A_0, %arg0 : i32
    "tpu.region"() ({
      %run_scoped3A_81 = tpu.sem_alloc : memref<!tpu.dma_semaphore, #tpu.memory_space<semaphore_mem>>
      %dma_start3A_82 = arith.constant 0 : i32
      %dma_start3A_83 = arith.constant 0 : i32
      %dma_start3A_84 = tpu.memref_slice %arg3[%add3A, %dma_start3A_82, %dma_start3A_83] : memref<32x81x128xi32, #tpu.memory_space<hbm>> -> memref<1x81x128xi32, #tpu.memory_space<hbm>>
      %dma_start3A_85 = tpu.memref_squeeze %dma_start3A_84 : memref<1x81x128xi32, #tpu.memory_space<hbm>> -> memref<81x128xi32, #tpu.memory_space<hbm>>
      %dma_start3A_86 = arith.constant 0 : i32
      %dma_start3A_87 = arith.constant 0 : i32
      %dma_start3A_88 = tpu.memref_slice %arg3[%add3A, %dma_start3A_86, %dma_start3A_87] : memref<32x81x128xi32, #tpu.memory_space<hbm>> -> memref<1x81x128xi32, #tpu.memory_space<hbm>>
      %dma_start3A_89 = tpu.memref_squeeze %dma_start3A_88 : memref<1x81x128xi32, #tpu.memory_space<hbm>> -> memref<81x128xi32, #tpu.memory_space<hbm>>
      tpu.enqueue_dma source(%dma_start3A_89 : memref<81x128xi32, #tpu.memory_space<hbm>>) target(%arg7 : memref<81x128xi32, #tpu.memory_space<vmem>>) target_semaphore(%run_scoped3A_81 : memref<!tpu.dma_semaphore, #tpu.memory_space<semaphore_mem>>)
      %dma_wait3A_90 = arith.constant 0 : i32
      %dma_wait3A_91 = arith.constant 0 : i32
      %dma_wait3A_92 = tpu.memref_slice %arg3[%add3A, %dma_wait3A_90, %dma_wait3A_91] : memref<32x81x128xi32, #tpu.memory_space<hbm>> -> memref<1x81x128xi32, #tpu.memory_space<hbm>>
      %dma_wait3A_93 = tpu.memref_squeeze %dma_wait3A_92 : memref<1x81x128xi32, #tpu.memory_space<hbm>> -> memref<81x128xi32, #tpu.memory_space<hbm>>
      %dma_wait3A_94 = arith.constant 0 : i32
      %dma_wait3A_95 = arith.constant 0 : i32
      %dma_wait3A_96 = tpu.memref_slice %arg3[%add3A, %dma_wait3A_94, %dma_wait3A_95] : memref<32x81x128xi32, #tpu.memory_space<hbm>> -> memref<1x81x128xi32, #tpu.memory_space<hbm>>
      %dma_wait3A_97 = tpu.memref_squeeze %dma_wait3A_96 : memref<1x81x128xi32, #tpu.memory_space<hbm>> -> memref<81x128xi32, #tpu.memory_space<hbm>>
      tpu.wait_dma2 semaphore(%run_scoped3A_81 : memref<!tpu.dma_semaphore, #tpu.memory_space<semaphore_mem>>) src(%dma_wait3A_97 : memref<81x128xi32, #tpu.memory_space<hbm>>) dst(%arg7 : memref<81x128xi32, #tpu.memory_space<vmem>>)
      tpu.yield
    }) : () -> ()
    "tpu.region"() ({
      %run_scoped3A_81 = tpu.sem_alloc : memref<!tpu.dma_semaphore, #tpu.memory_space<semaphore_mem>>
      %dma_start3A_82 = arith.constant 0 : i32
      %dma_start3A_83 = arith.constant 0 : i32
      %dma_start3A_84 = tpu.memref_slice %arg4[%add3A, %dma_start3A_82, %dma_start3A_83] : memref<32x81x128xi32, #tpu.memory_space<hbm>> -> memref<1x81x128xi32, #tpu.memory_space<hbm>>
      %dma_start3A_85 = tpu.memref_squeeze %dma_start3A_84 : memref<1x81x128xi32, #tpu.memory_space<hbm>> -> memref<81x128xi32, #tpu.memory_space<hbm>>
      %dma_start3A_86 = arith.constant 0 : i32
      %dma_start3A_87 = arith.constant 0 : i32
      %dma_start3A_88 = tpu.memref_slice %arg4[%add3A, %dma_start3A_86, %dma_start3A_87] : memref<32x81x128xi32, #tpu.memory_space<hbm>> -> memref<1x81x128xi32, #tpu.memory_space<hbm>>
      %dma_start3A_89 = tpu.memref_squeeze %dma_start3A_88 : memref<1x81x128xi32, #tpu.memory_space<hbm>> -> memref<81x128xi32, #tpu.memory_space<hbm>>
      tpu.enqueue_dma source(%dma_start3A_89 : memref<81x128xi32, #tpu.memory_space<hbm>>) target(%arg8 : memref<81x128xi32, #tpu.memory_space<vmem>>) target_semaphore(%run_scoped3A_81 : memref<!tpu.dma_semaphore, #tpu.memory_space<semaphore_mem>>)
      %dma_wait3A_90 = arith.constant 0 : i32
      %dma_wait3A_91 = arith.constant 0 : i32
      %dma_wait3A_92 = tpu.memref_slice %arg4[%add3A, %dma_wait3A_90, %dma_wait3A_91] : memref<32x81x128xi32, #tpu.memory_space<hbm>> -> memref<1x81x128xi32, #tpu.memory_space<hbm>>
      %dma_wait3A_93 = tpu.memref_squeeze %dma_wait3A_92 : memref<1x81x128xi32, #tpu.memory_space<hbm>> -> memref<81x128xi32, #tpu.memory_space<hbm>>
      %dma_wait3A_94 = arith.constant 0 : i32
      %dma_wait3A_95 = arith.constant 0 : i32
      %dma_wait3A_96 = tpu.memref_slice %arg4[%add3A, %dma_wait3A_94, %dma_wait3A_95] : memref<32x81x128xi32, #tpu.memory_space<hbm>> -> memref<1x81x128xi32, #tpu.memory_space<hbm>>
      %dma_wait3A_97 = tpu.memref_squeeze %dma_wait3A_96 : memref<1x81x128xi32, #tpu.memory_space<hbm>> -> memref<81x128xi32, #tpu.memory_space<hbm>>
      tpu.wait_dma2 semaphore(%run_scoped3A_81 : memref<!tpu.dma_semaphore, #tpu.memory_space<semaphore_mem>>) src(%dma_wait3A_97 : memref<81x128xi32, #tpu.memory_space<hbm>>) dst(%arg8 : memref<81x128xi32, #tpu.memory_space<vmem>>)
      tpu.yield
    }) : () -> ()
    "tpu.region"() ({
      %run_scoped3A_81 = tpu.sem_alloc : memref<!tpu.dma_semaphore, #tpu.memory_space<semaphore_mem>>
      tpu.enqueue_dma source(%arg5 : memref<128x32xf32, #tpu.memory_space<hbm>>) target(%arg9 : memref<128x32xf32, #tpu.memory_space<vmem>>) target_semaphore(%run_scoped3A_81 : memref<!tpu.dma_semaphore, #tpu.memory_space<semaphore_mem>>)
      tpu.wait_dma2 semaphore(%run_scoped3A_81 : memref<!tpu.dma_semaphore, #tpu.memory_space<semaphore_mem>>) src(%arg5 : memref<128x32xf32, #tpu.memory_space<hbm>>) dst(%arg9 : memref<128x32xf32, #tpu.memory_space<vmem>>)
      tpu.yield
    }) : () -> ()
    %mul3A_1 = arith.constant 640 : i32
    %mul3A_2 = arith.muli %arg1, %mul3A_1 : i32
    %add3A_3 = arith.constant 0 : i32
    %add3A_4 = arith.addi %mul3A_2, %add3A_3 : i32
    "tpu.region"() ({
      %run_scoped3A_81 = tpu.sem_alloc : memref<!tpu.dma_semaphore, #tpu.memory_space<semaphore_mem>>
      %dma_start3A_82 = arith.constant 0 : i32
      %dma_start3A_83 = tpu.memref_slice %arg12[%add3A_4, %dma_start3A_82] : memref<10240x32xf32, #tpu.memory_space<vmem_shared>> -> memref<128x32xf32, #tpu.memory_space<vmem_shared>>
      %dma_start3A_84 = arith.constant 0 : i32
      %dma_start3A_85 = tpu.memref_slice %arg12[%add3A_4, %dma_start3A_84] : memref<10240x32xf32, #tpu.memory_space<vmem_shared>> -> memref<128x32xf32, #tpu.memory_space<vmem_shared>>
      tpu.enqueue_dma source(%arg9 : memref<128x32xf32, #tpu.memory_space<vmem>>) target(%dma_start3A_85 : memref<128x32xf32, #tpu.memory_space<vmem_shared>>) target_semaphore(%run_scoped3A_81 : memref<!tpu.dma_semaphore, #tpu.memory_space<semaphore_mem>>)
      %dma_wait3A_86 = arith.constant 0 : i32
      %dma_wait3A_87 = tpu.memref_slice %arg12[%add3A_4, %dma_wait3A_86] : memref<10240x32xf32, #tpu.memory_space<vmem_shared>> -> memref<128x32xf32, #tpu.memory_space<vmem_shared>>
      %dma_wait3A_88 = arith.constant 0 : i32
      %dma_wait3A_89 = tpu.memref_slice %arg12[%add3A_4, %dma_wait3A_88] : memref<10240x32xf32, #tpu.memory_space<vmem_shared>> -> memref<128x32xf32, #tpu.memory_space<vmem_shared>>
      tpu.wait_dma2 semaphore(%run_scoped3A_81 : memref<!tpu.dma_semaphore, #tpu.memory_space<semaphore_mem>>) src(%arg9 : memref<128x32xf32, #tpu.memory_space<vmem>>) dst(%dma_wait3A_89 : memref<128x32xf32, #tpu.memory_space<vmem_shared>>)
      tpu.yield
    }) : () -> ()
    %add3A_5 = arith.constant 128 : i32
    %add3A_6 = arith.addi %mul3A_2, %add3A_5 : i32
    "tpu.region"() ({
      %run_scoped3A_81 = tpu.sem_alloc : memref<!tpu.dma_semaphore, #tpu.memory_space<semaphore_mem>>
      %dma_start3A_82 = arith.constant 0 : i32
      %dma_start3A_83 = tpu.memref_slice %arg12[%add3A_6, %dma_start3A_82] : memref<10240x32xf32, #tpu.memory_space<vmem_shared>> -> memref<128x32xf32, #tpu.memory_space<vmem_shared>>
      %dma_start3A_84 = arith.constant 0 : i32
      %dma_start3A_85 = tpu.memref_slice %arg12[%add3A_6, %dma_start3A_84] : memref<10240x32xf32, #tpu.memory_space<vmem_shared>> -> memref<128x32xf32, #tpu.memory_space<vmem_shared>>
      tpu.enqueue_dma source(%arg9 : memref<128x32xf32, #tpu.memory_space<vmem>>) target(%dma_start3A_85 : memref<128x32xf32, #tpu.memory_space<vmem_shared>>) target_semaphore(%run_scoped3A_81 : memref<!tpu.dma_semaphore, #tpu.memory_space<semaphore_mem>>)
      %dma_wait3A_86 = arith.constant 0 : i32
      %dma_wait3A_87 = tpu.memref_slice %arg12[%add3A_6, %dma_wait3A_86] : memref<10240x32xf32, #tpu.memory_space<vmem_shared>> -> memref<128x32xf32, #tpu.memory_space<vmem_shared>>
      %dma_wait3A_88 = arith.constant 0 : i32
      %dma_wait3A_89 = tpu.memref_slice %arg12[%add3A_6, %dma_wait3A_88] : memref<10240x32xf32, #tpu.memory_space<vmem_shared>> -> memref<128x32xf32, #tpu.memory_space<vmem_shared>>
      tpu.wait_dma2 semaphore(%run_scoped3A_81 : memref<!tpu.dma_semaphore, #tpu.memory_space<semaphore_mem>>) src(%arg9 : memref<128x32xf32, #tpu.memory_space<vmem>>) dst(%dma_wait3A_89 : memref<128x32xf32, #tpu.memory_space<vmem_shared>>)
      tpu.yield
    }) : () -> ()
    %add3A_7 = arith.constant 256 : i32
    %add3A_8 = arith.addi %mul3A_2, %add3A_7 : i32
    "tpu.region"() ({
      %run_scoped3A_81 = tpu.sem_alloc : memref<!tpu.dma_semaphore, #tpu.memory_space<semaphore_mem>>
      %dma_start3A_82 = arith.constant 0 : i32
      %dma_start3A_83 = tpu.memref_slice %arg12[%add3A_8, %dma_start3A_82] : memref<10240x32xf32, #tpu.memory_space<vmem_shared>> -> memref<128x32xf32, #tpu.memory_space<vmem_shared>>
      %dma_start3A_84 = arith.constant 0 : i32
      %dma_start3A_85 = tpu.memref_slice %arg12[%add3A_8, %dma_start3A_84] : memref<10240x32xf32, #tpu.memory_space<vmem_shared>> -> memref<128x32xf32, #tpu.memory_space<vmem_shared>>
      tpu.enqueue_dma source(%arg9 : memref<128x32xf32, #tpu.memory_space<vmem>>) target(%dma_start3A_85 : memref<128x32xf32, #tpu.memory_space<vmem_shared>>) target_semaphore(%run_scoped3A_81 : memref<!tpu.dma_semaphore, #tpu.memory_space<semaphore_mem>>)
      %dma_wait3A_86 = arith.constant 0 : i32
      %dma_wait3A_87 = tpu.memref_slice %arg12[%add3A_8, %dma_wait3A_86] : memref<10240x32xf32, #tpu.memory_space<vmem_shared>> -> memref<128x32xf32, #tpu.memory_space<vmem_shared>>
      %dma_wait3A_88 = arith.constant 0 : i32
      %dma_wait3A_89 = tpu.memref_slice %arg12[%add3A_8, %dma_wait3A_88] : memref<10240x32xf32, #tpu.memory_space<vmem_shared>> -> memref<128x32xf32, #tpu.memory_space<vmem_shared>>
      tpu.wait_dma2 semaphore(%run_scoped3A_81 : memref<!tpu.dma_semaphore, #tpu.memory_space<semaphore_mem>>) src(%arg9 : memref<128x32xf32, #tpu.memory_space<vmem>>) dst(%dma_wait3A_89 : memref<128x32xf32, #tpu.memory_space<vmem_shared>>)
      tpu.yield
    }) : () -> ()
    %add3A_9 = arith.constant 384 : i32
    %add3A_10 = arith.addi %mul3A_2, %add3A_9 : i32
    "tpu.region"() ({
      %run_scoped3A_81 = tpu.sem_alloc : memref<!tpu.dma_semaphore, #tpu.memory_space<semaphore_mem>>
      %dma_start3A_82 = arith.constant 0 : i32
      %dma_start3A_83 = tpu.memref_slice %arg12[%add3A_10, %dma_start3A_82] : memref<10240x32xf32, #tpu.memory_space<vmem_shared>> -> memref<128x32xf32, #tpu.memory_space<vmem_shared>>
      %dma_start3A_84 = arith.constant 0 : i32
      %dma_start3A_85 = tpu.memref_slice %arg12[%add3A_10, %dma_start3A_84] : memref<10240x32xf32, #tpu.memory_space<vmem_shared>> -> memref<128x32xf32, #tpu.memory_space<vmem_shared>>
      tpu.enqueue_dma source(%arg9 : memref<128x32xf32, #tpu.memory_space<vmem>>) target(%dma_start3A_85 : memref<128x32xf32, #tpu.memory_space<vmem_shared>>) target_semaphore(%run_scoped3A_81 : memref<!tpu.dma_semaphore, #tpu.memory_space<semaphore_mem>>)
      %dma_wait3A_86 = arith.constant 0 : i32
      %dma_wait3A_87 = tpu.memref_slice %arg12[%add3A_10, %dma_wait3A_86] : memref<10240x32xf32, #tpu.memory_space<vmem_shared>> -> memref<128x32xf32, #tpu.memory_space<vmem_shared>>
      %dma_wait3A_88 = arith.constant 0 : i32
      %dma_wait3A_89 = tpu.memref_slice %arg12[%add3A_10, %dma_wait3A_88] : memref<10240x32xf32, #tpu.memory_space<vmem_shared>> -> memref<128x32xf32, #tpu.memory_space<vmem_shared>>
      tpu.wait_dma2 semaphore(%run_scoped3A_81 : memref<!tpu.dma_semaphore, #tpu.memory_space<semaphore_mem>>) src(%arg9 : memref<128x32xf32, #tpu.memory_space<vmem>>) dst(%dma_wait3A_89 : memref<128x32xf32, #tpu.memory_space<vmem_shared>>)
      tpu.yield
    }) : () -> ()
    %add3A_11 = arith.constant 512 : i32
    %add3A_12 = arith.addi %mul3A_2, %add3A_11 : i32
    "tpu.region"() ({
      %run_scoped3A_81 = tpu.sem_alloc : memref<!tpu.dma_semaphore, #tpu.memory_space<semaphore_mem>>
      %dma_start3A_82 = arith.constant 0 : i32
      %dma_start3A_83 = tpu.memref_slice %arg12[%add3A_12, %dma_start3A_82] : memref<10240x32xf32, #tpu.memory_space<vmem_shared>> -> memref<128x32xf32, #tpu.memory_space<vmem_shared>>
      %dma_start3A_84 = arith.constant 0 : i32
      %dma_start3A_85 = tpu.memref_slice %arg12[%add3A_12, %dma_start3A_84] : memref<10240x32xf32, #tpu.memory_space<vmem_shared>> -> memref<128x32xf32, #tpu.memory_space<vmem_shared>>
      tpu.enqueue_dma source(%arg9 : memref<128x32xf32, #tpu.memory_space<vmem>>) target(%dma_start3A_85 : memref<128x32xf32, #tpu.memory_space<vmem_shared>>) target_semaphore(%run_scoped3A_81 : memref<!tpu.dma_semaphore, #tpu.memory_space<semaphore_mem>>)
      %dma_wait3A_86 = arith.constant 0 : i32
      %dma_wait3A_87 = tpu.memref_slice %arg12[%add3A_12, %dma_wait3A_86] : memref<10240x32xf32, #tpu.memory_space<vmem_shared>> -> memref<128x32xf32, #tpu.memory_space<vmem_shared>>
      %dma_wait3A_88 = arith.constant 0 : i32
      %dma_wait3A_89 = tpu.memref_slice %arg12[%add3A_12, %dma_wait3A_88] : memref<10240x32xf32, #tpu.memory_space<vmem_shared>> -> memref<128x32xf32, #tpu.memory_space<vmem_shared>>
      tpu.wait_dma2 semaphore(%run_scoped3A_81 : memref<!tpu.dma_semaphore, #tpu.memory_space<semaphore_mem>>) src(%arg9 : memref<128x32xf32, #tpu.memory_space<vmem>>) dst(%dma_wait3A_89 : memref<128x32xf32, #tpu.memory_space<vmem_shared>>)
      tpu.yield
    }) : () -> ()
    %barrier3A = arith.constant 0 : index
    tpu.barrier barrier_id(%barrier3A)
    %dma_start3A = arith.constant 0 : i32
    %dma_start3A_13 = arith.constant 0 : i32
    %dma_start3A_14 = tpu.memref_slice %arg7[%dma_start3A, %dma_start3A_13] : memref<81x128xi32, #tpu.memory_space<vmem>> -> memref<1x128xi32, #tpu.memory_space<vmem>>
    %dma_start3A_15 = tpu.memref_squeeze %dma_start3A_14 : memref<1x128xi32, #tpu.memory_space<vmem>> -> memref<128xi32, #tpu.memory_space<vmem>>
    %dma_start3A_16 = arith.constant 0 : i32
    %dma_start3A_17 = arith.constant 0 : i32
    %dma_start3A_18 = tpu.memref_slice %arg2[%dma_start3A_16, %dma_start3A_17] : memref<10000x32xf32, #tpu.memory_space<hbm>> -> memref<10000x32xf32, #tpu.memory_space<hbm>>
    tpu.enqueue_indirect_dma source(%dma_start3A_18 : memref<10000x32xf32, #tpu.memory_space<hbm>>) target(%arg9 : memref<128x32xf32, #tpu.memory_space<vmem>>) offsets(%dma_start3A_15 : memref<128xi32, #tpu.memory_space<vmem>>) semaphore(%arg13 : memref<!tpu.dma_semaphore, #tpu.memory_space<semaphore_mem>>)
    %dma_start3A_19 = arith.constant 1 : i32
    %dma_start3A_20 = arith.constant 0 : i32
    %dma_start3A_21 = tpu.memref_slice %arg7[%dma_start3A_19, %dma_start3A_20] : memref<81x128xi32, #tpu.memory_space<vmem>> -> memref<1x128xi32, #tpu.memory_space<vmem>>
    %dma_start3A_22 = tpu.memref_squeeze %dma_start3A_21 : memref<1x128xi32, #tpu.memory_space<vmem>> -> memref<128xi32, #tpu.memory_space<vmem>>
    %dma_start3A_23 = arith.constant 0 : i32
    %dma_start3A_24 = arith.constant 0 : i32
    %dma_start3A_25 = tpu.memref_slice %arg2[%dma_start3A_23, %dma_start3A_24] : memref<10000x32xf32, #tpu.memory_space<hbm>> -> memref<10000x32xf32, #tpu.memory_space<hbm>>
    tpu.enqueue_indirect_dma source(%dma_start3A_25 : memref<10000x32xf32, #tpu.memory_space<hbm>>) target(%arg10 : memref<128x32xf32, #tpu.memory_space<vmem>>) offsets(%dma_start3A_22 : memref<128xi32, #tpu.memory_space<vmem>>) semaphore(%arg14 : memref<!tpu.dma_semaphore, #tpu.memory_space<semaphore_mem>>)
    %dma_start3A_26 = arith.constant 2 : i32
    %dma_start3A_27 = arith.constant 0 : i32
    %dma_start3A_28 = tpu.memref_slice %arg7[%dma_start3A_26, %dma_start3A_27] : memref<81x128xi32, #tpu.memory_space<vmem>> -> memref<1x128xi32, #tpu.memory_space<vmem>>
    %dma_start3A_29 = tpu.memref_squeeze %dma_start3A_28 : memref<1x128xi32, #tpu.memory_space<vmem>> -> memref<128xi32, #tpu.memory_space<vmem>>
    %dma_start3A_30 = arith.constant 0 : i32
    %dma_start3A_31 = arith.constant 0 : i32
    %dma_start3A_32 = tpu.memref_slice %arg2[%dma_start3A_30, %dma_start3A_31] : memref<10000x32xf32, #tpu.memory_space<hbm>> -> memref<10000x32xf32, #tpu.memory_space<hbm>>
    tpu.enqueue_indirect_dma source(%dma_start3A_32 : memref<10000x32xf32, #tpu.memory_space<hbm>>) target(%arg11 : memref<128x32xf32, #tpu.memory_space<vmem>>) offsets(%dma_start3A_29 : memref<128xi32, #tpu.memory_space<vmem>>) semaphore(%arg15 : memref<!tpu.dma_semaphore, #tpu.memory_space<semaphore_mem>>)
    %scan3A = arith.constant 0 : i32
    %scan3A_33 = arith.constant 0 : i32
    %scan3A_34 = arith.constant 26 : i32
    %scan3A_35 = arith.addi %scan3A_33, %scan3A_34 : i32
    %scan3A_36 = arith.constant 1 : i32
    scf.for %scan3A_81 = %scan3A_33 to %scan3A_35 step %scan3A_36  : i32 {
      %mul3A_82 = arith.constant 3 : i32
      %mul3A_83 = arith.muli %mul3A_82, %scan3A_81 : i32
      %dma_wait3A_84 = arith.constant 0 : i32
      %dma_wait3A_85 = tpu.memref_slice %arg7[%mul3A_83, %dma_wait3A_84] : memref<81x128xi32, #tpu.memory_space<vmem>> -> memref<1x128xi32, #tpu.memory_space<vmem>>
      %dma_wait3A_86 = tpu.memref_squeeze %dma_wait3A_85 : memref<1x128xi32, #tpu.memory_space<vmem>> -> memref<128xi32, #tpu.memory_space<vmem>>
      %dma_wait3A_87 = arith.constant 0 : i32
      %dma_wait3A_88 = arith.constant 0 : i32
      %dma_wait3A_89 = tpu.memref_slice %arg2[%dma_wait3A_87, %dma_wait3A_88] : memref<10000x32xf32, #tpu.memory_space<hbm>> -> memref<10000x32xf32, #tpu.memory_space<hbm>>
      tpu.wait_indirect_dma semaphore(%arg13 : memref<!tpu.dma_semaphore, #tpu.memory_space<semaphore_mem>>) src(%dma_wait3A_89 : memref<10000x32xf32, #tpu.memory_space<hbm>>) dst(%arg9 : memref<128x32xf32, #tpu.memory_space<vmem>>)
      "tpu.region"() ({
        %run_scoped3A_134 = tpu.sem_alloc : memref<!tpu.dma_semaphore, #tpu.memory_space<semaphore_mem>>
        %dma_start3A_135 = arith.constant 0 : i32
        %dma_start3A_136 = tpu.memref_slice %arg8[%mul3A_83, %dma_start3A_135] : memref<81x128xi32, #tpu.memory_space<vmem>> -> memref<1x128xi32, #tpu.memory_space<vmem>>
        %dma_start3A_137 = tpu.memref_squeeze %dma_start3A_136 : memref<1x128xi32, #tpu.memory_space<vmem>> -> memref<128xi32, #tpu.memory_space<vmem>>
        %dma_start3A_138 = arith.constant 0 : i32
        %dma_start3A_139 = arith.constant 0 : i32
        %dma_start3A_140 = tpu.memref_slice %arg12[%dma_start3A_138, %dma_start3A_139] : memref<10240x32xf32, #tpu.memory_space<vmem_shared>> -> memref<10240x32xf32, #tpu.memory_space<vmem_shared>>
        tpu.enqueue_indirect_dma source(%arg9 : memref<128x32xf32, #tpu.memory_space<vmem>>) target(%dma_start3A_140 : memref<10240x32xf32, #tpu.memory_space<vmem_shared>>) offsets(%dma_start3A_137 : memref<128xi32, #tpu.memory_space<vmem>>) semaphore(%run_scoped3A_134 : memref<!tpu.dma_semaphore, #tpu.memory_space<semaphore_mem>>) {add = true}
        %dma_wait3A_141 = arith.constant 0 : i32
        %dma_wait3A_142 = tpu.memref_slice %arg8[%mul3A_83, %dma_wait3A_141] : memref<81x128xi32, #tpu.memory_space<vmem>> -> memref<1x128xi32, #tpu.memory_space<vmem>>
        %dma_wait3A_143 = tpu.memref_squeeze %dma_wait3A_142 : memref<1x128xi32, #tpu.memory_space<vmem>> -> memref<128xi32, #tpu.memory_space<vmem>>
        %dma_wait3A_144 = arith.constant 0 : i32
        %dma_wait3A_145 = arith.constant 0 : i32
        %dma_wait3A_146 = tpu.memref_slice %arg12[%dma_wait3A_144, %dma_wait3A_145] : memref<10240x32xf32, #tpu.memory_space<vmem_shared>> -> memref<10240x32xf32, #tpu.memory_space<vmem_shared>>
        tpu.wait_indirect_dma semaphore(%run_scoped3A_134 : memref<!tpu.dma_semaphore, #tpu.memory_space<semaphore_mem>>) src(%arg9 : memref<128x32xf32, #tpu.memory_space<vmem>>) dst(%dma_wait3A_146 : memref<10240x32xf32, #tpu.memory_space<vmem_shared>>)
        tpu.yield
      }) : () -> ()
      %add3A_90 = arith.constant 3 : i32
      %add3A_91 = arith.addi %mul3A_83, %add3A_90 : i32
      %dma_start3A_92 = arith.constant 0 : i32
      %dma_start3A_93 = tpu.memref_slice %arg7[%add3A_91, %dma_start3A_92] : memref<81x128xi32, #tpu.memory_space<vmem>> -> memref<1x128xi32, #tpu.memory_space<vmem>>
      %dma_start3A_94 = tpu.memref_squeeze %dma_start3A_93 : memref<1x128xi32, #tpu.memory_space<vmem>> -> memref<128xi32, #tpu.memory_space<vmem>>
      %dma_start3A_95 = arith.constant 0 : i32
      %dma_start3A_96 = arith.constant 0 : i32
      %dma_start3A_97 = tpu.memref_slice %arg2[%dma_start3A_95, %dma_start3A_96] : memref<10000x32xf32, #tpu.memory_space<hbm>> -> memref<10000x32xf32, #tpu.memory_space<hbm>>
      tpu.enqueue_indirect_dma source(%dma_start3A_97 : memref<10000x32xf32, #tpu.memory_space<hbm>>) target(%arg9 : memref<128x32xf32, #tpu.memory_space<vmem>>) offsets(%dma_start3A_94 : memref<128xi32, #tpu.memory_space<vmem>>) semaphore(%arg13 : memref<!tpu.dma_semaphore, #tpu.memory_space<semaphore_mem>>)
      %add3A_98 = arith.constant 1 : i32
      %add3A_99 = arith.addi %mul3A_83, %add3A_98 : i32
      %dma_wait3A_100 = arith.constant 0 : i32
      %dma_wait3A_101 = tpu.memref_slice %arg7[%add3A_99, %dma_wait3A_100] : memref<81x128xi32, #tpu.memory_space<vmem>> -> memref<1x128xi32, #tpu.memory_space<vmem>>
      %dma_wait3A_102 = tpu.memref_squeeze %dma_wait3A_101 : memref<1x128xi32, #tpu.memory_space<vmem>> -> memref<128xi32, #tpu.memory_space<vmem>>
      %dma_wait3A_103 = arith.constant 0 : i32
      %dma_wait3A_104 = arith.constant 0 : i32
      %dma_wait3A_105 = tpu.memref_slice %arg2[%dma_wait3A_103, %dma_wait3A_104] : memref<10000x32xf32, #tpu.memory_space<hbm>> -> memref<10000x32xf32, #tpu.memory_space<hbm>>
      tpu.wait_indirect_dma semaphore(%arg14 : memref<!tpu.dma_semaphore, #tpu.memory_space<semaphore_mem>>) src(%dma_wait3A_105 : memref<10000x32xf32, #tpu.memory_space<hbm>>) dst(%arg10 : memref<128x32xf32, #tpu.memory_space<vmem>>)
      %add3A_106 = arith.constant 1 : i32
      %add3A_107 = arith.addi %mul3A_83, %add3A_106 : i32
      "tpu.region"() ({
        %run_scoped3A_134 = tpu.sem_alloc : memref<!tpu.dma_semaphore, #tpu.memory_space<semaphore_mem>>
        %dma_start3A_135 = arith.constant 0 : i32
        %dma_start3A_136 = tpu.memref_slice %arg8[%add3A_107, %dma_start3A_135] : memref<81x128xi32, #tpu.memory_space<vmem>> -> memref<1x128xi32, #tpu.memory_space<vmem>>
        %dma_start3A_137 = tpu.memref_squeeze %dma_start3A_136 : memref<1x128xi32, #tpu.memory_space<vmem>> -> memref<128xi32, #tpu.memory_space<vmem>>
        %dma_start3A_138 = arith.constant 0 : i32
        %dma_start3A_139 = arith.constant 0 : i32
        %dma_start3A_140 = tpu.memref_slice %arg12[%dma_start3A_138, %dma_start3A_139] : memref<10240x32xf32, #tpu.memory_space<vmem_shared>> -> memref<10240x32xf32, #tpu.memory_space<vmem_shared>>
        tpu.enqueue_indirect_dma source(%arg10 : memref<128x32xf32, #tpu.memory_space<vmem>>) target(%dma_start3A_140 : memref<10240x32xf32, #tpu.memory_space<vmem_shared>>) offsets(%dma_start3A_137 : memref<128xi32, #tpu.memory_space<vmem>>) semaphore(%run_scoped3A_134 : memref<!tpu.dma_semaphore, #tpu.memory_space<semaphore_mem>>) {add = true}
        %dma_wait3A_141 = arith.constant 0 : i32
        %dma_wait3A_142 = tpu.memref_slice %arg8[%add3A_107, %dma_wait3A_141] : memref<81x128xi32, #tpu.memory_space<vmem>> -> memref<1x128xi32, #tpu.memory_space<vmem>>
        %dma_wait3A_143 = tpu.memref_squeeze %dma_wait3A_142 : memref<1x128xi32, #tpu.memory_space<vmem>> -> memref<128xi32, #tpu.memory_space<vmem>>
        %dma_wait3A_144 = arith.constant 0 : i32
        %dma_wait3A_145 = arith.constant 0 : i32
        %dma_wait3A_146 = tpu.memref_slice %arg12[%dma_wait3A_144, %dma_wait3A_145] : memref<10240x32xf32, #tpu.memory_space<vmem_shared>> -> memref<10240x32xf32, #tpu.memory_space<vmem_shared>>
        tpu.wait_indirect_dma semaphore(%run_scoped3A_134 : memref<!tpu.dma_semaphore, #tpu.memory_space<semaphore_mem>>) src(%arg10 : memref<128x32xf32, #tpu.memory_space<vmem>>) dst(%dma_wait3A_146 : memref<10240x32xf32, #tpu.memory_space<vmem_shared>>)
        tpu.yield
      }) : () -> ()
      %add3A_108 = arith.constant 4 : i32
      %add3A_109 = arith.addi %mul3A_83, %add3A_108 : i32
      %dma_start3A_110 = arith.constant 0 : i32
      %dma_start3A_111 = tpu.memref_slice %arg7[%add3A_109, %dma_start3A_110] : memref<81x128xi32, #tpu.memory_space<vmem>> -> memref<1x128xi32, #tpu.memory_space<vmem>>
      %dma_start3A_112 = tpu.memref_squeeze %dma_start3A_111 : memref<1x128xi32, #tpu.memory_space<vmem>> -> memref<128xi32, #tpu.memory_space<vmem>>
      %dma_start3A_113 = arith.constant 0 : i32
      %dma_start3A_114 = arith.constant 0 : i32
      %dma_start3A_115 = tpu.memref_slice %arg2[%dma_start3A_113, %dma_start3A_114] : memref<10000x32xf32, #tpu.memory_space<hbm>> -> memref<10000x32xf32, #tpu.memory_space<hbm>>
      tpu.enqueue_indirect_dma source(%dma_start3A_115 : memref<10000x32xf32, #tpu.memory_space<hbm>>) target(%arg10 : memref<128x32xf32, #tpu.memory_space<vmem>>) offsets(%dma_start3A_112 : memref<128xi32, #tpu.memory_space<vmem>>) semaphore(%arg14 : memref<!tpu.dma_semaphore, #tpu.memory_space<semaphore_mem>>)
      %add3A_116 = arith.constant 2 : i32
      %add3A_117 = arith.addi %mul3A_83, %add3A_116 : i32
      %dma_wait3A_118 = arith.constant 0 : i32
      %dma_wait3A_119 = tpu.memref_slice %arg7[%add3A_117, %dma_wait3A_118] : memref<81x128xi32, #tpu.memory_space<vmem>> -> memref<1x128xi32, #tpu.memory_space<vmem>>
      %dma_wait3A_120 = tpu.memref_squeeze %dma_wait3A_119 : memref<1x128xi32, #tpu.memory_space<vmem>> -> memref<128xi32, #tpu.memory_space<vmem>>
      %dma_wait3A_121 = arith.constant 0 : i32
      %dma_wait3A_122 = arith.constant 0 : i32
      %dma_wait3A_123 = tpu.memref_slice %arg2[%dma_wait3A_121, %dma_wait3A_122] : memref<10000x32xf32, #tpu.memory_space<hbm>> -> memref<10000x32xf32, #tpu.memory_space<hbm>>
      tpu.wait_indirect_dma semaphore(%arg15 : memref<!tpu.dma_semaphore, #tpu.memory_space<semaphore_mem>>) src(%dma_wait3A_123 : memref<10000x32xf32, #tpu.memory_space<hbm>>) dst(%arg11 : memref<128x32xf32, #tpu.memory_space<vmem>>)
      %add3A_124 = arith.constant 2 : i32
      %add3A_125 = arith.addi %mul3A_83, %add3A_124 : i32
      "tpu.region"() ({
        %run_scoped3A_134 = tpu.sem_alloc : memref<!tpu.dma_semaphore, #tpu.memory_space<semaphore_mem>>
        %dma_start3A_135 = arith.constant 0 : i32
        %dma_start3A_136 = tpu.memref_slice %arg8[%add3A_125, %dma_start3A_135] : memref<81x128xi32, #tpu.memory_space<vmem>> -> memref<1x128xi32, #tpu.memory_space<vmem>>
        %dma_start3A_137 = tpu.memref_squeeze %dma_start3A_136 : memref<1x128xi32, #tpu.memory_space<vmem>> -> memref<128xi32, #tpu.memory_space<vmem>>
        %dma_start3A_138 = arith.constant 0 : i32
        %dma_start3A_139 = arith.constant 0 : i32
        %dma_start3A_140 = tpu.memref_slice %arg12[%dma_start3A_138, %dma_start3A_139] : memref<10240x32xf32, #tpu.memory_space<vmem_shared>> -> memref<10240x32xf32, #tpu.memory_space<vmem_shared>>
        tpu.enqueue_indirect_dma source(%arg11 : memref<128x32xf32, #tpu.memory_space<vmem>>) target(%dma_start3A_140 : memref<10240x32xf32, #tpu.memory_space<vmem_shared>>) offsets(%dma_start3A_137 : memref<128xi32, #tpu.memory_space<vmem>>) semaphore(%run_scoped3A_134 : memref<!tpu.dma_semaphore, #tpu.memory_space<semaphore_mem>>) {add = true}
        %dma_wait3A_141 = arith.constant 0 : i32
        %dma_wait3A_142 = tpu.memref_slice %arg8[%add3A_125, %dma_wait3A_141] : memref<81x128xi32, #tpu.memory_space<vmem>> -> memref<1x128xi32, #tpu.memory_space<vmem>>
        %dma_wait3A_143 = tpu.memref_squeeze %dma_wait3A_142 : memref<1x128xi32, #tpu.memory_space<vmem>> -> memref<128xi32, #tpu.memory_space<vmem>>
        %dma_wait3A_144 = arith.constant 0 : i32
        %dma_wait3A_145 = arith.constant 0 : i32
        %dma_wait3A_146 = tpu.memref_slice %arg12[%dma_wait3A_144, %dma_wait3A_145] : memref<10240x32xf32, #tpu.memory_space<vmem_shared>> -> memref<10240x32xf32, #tpu.memory_space<vmem_shared>>
        tpu.wait_indirect_dma semaphore(%run_scoped3A_134 : memref<!tpu.dma_semaphore, #tpu.memory_space<semaphore_mem>>) src(%arg11 : memref<128x32xf32, #tpu.memory_space<vmem>>) dst(%dma_wait3A_146 : memref<10240x32xf32, #tpu.memory_space<vmem_shared>>)
        tpu.yield
      }) : () -> ()
      %add3A_126 = arith.constant 5 : i32
      %add3A_127 = arith.addi %mul3A_83, %add3A_126 : i32
      %dma_start3A_128 = arith.constant 0 : i32
      %dma_start3A_129 = tpu.memref_slice %arg7[%add3A_127, %dma_start3A_128] : memref<81x128xi32, #tpu.memory_space<vmem>> -> memref<1x128xi32, #tpu.memory_space<vmem>>
      %dma_start3A_130 = tpu.memref_squeeze %dma_start3A_129 : memref<1x128xi32, #tpu.memory_space<vmem>> -> memref<128xi32, #tpu.memory_space<vmem>>
      %dma_start3A_131 = arith.constant 0 : i32
      %dma_start3A_132 = arith.constant 0 : i32
      %dma_start3A_133 = tpu.memref_slice %arg2[%dma_start3A_131, %dma_start3A_132] : memref<10000x32xf32, #tpu.memory_space<hbm>> -> memref<10000x32xf32, #tpu.memory_space<hbm>>
      tpu.enqueue_indirect_dma source(%dma_start3A_133 : memref<10000x32xf32, #tpu.memory_space<hbm>>) target(%arg11 : memref<128x32xf32, #tpu.memory_space<vmem>>) offsets(%dma_start3A_130 : memref<128xi32, #tpu.memory_space<vmem>>) semaphore(%arg15 : memref<!tpu.dma_semaphore, #tpu.memory_space<semaphore_mem>>)
    }
    %scan3A_37 = arith.constant 26 : i32
    %dma_wait3A = arith.constant 78 : i32
    %dma_wait3A_38 = arith.constant 0 : i32
    %dma_wait3A_39 = tpu.memref_slice %arg7[%dma_wait3A, %dma_wait3A_38] : memref<81x128xi32, #tpu.memory_space<vmem>> -> memref<1x128xi32, #tpu.memory_space<vmem>>
    %dma_wait3A_40 = tpu.memref_squeeze %dma_wait3A_39 : memref<1x128xi32, #tpu.memory_space<vmem>> -> memref<128xi32, #tpu.memory_space<vmem>>
    %dma_wait3A_41 = arith.constant 0 : i32
    %dma_wait3A_42 = arith.constant 0 : i32
    %dma_wait3A_43 = tpu.memref_slice %arg2[%dma_wait3A_41, %dma_wait3A_42] : memref<10000x32xf32, #tpu.memory_space<hbm>> -> memref<10000x32xf32, #tpu.memory_space<hbm>>
    tpu.wait_indirect_dma semaphore(%arg13 : memref<!tpu.dma_semaphore, #tpu.memory_space<semaphore_mem>>) src(%dma_wait3A_43 : memref<10000x32xf32, #tpu.memory_space<hbm>>) dst(%arg9 : memref<128x32xf32, #tpu.memory_space<vmem>>)
    %run_scoped3A = arith.constant 78 : i32
    "tpu.region"() ({
      %run_scoped3A_81 = tpu.sem_alloc : memref<!tpu.dma_semaphore, #tpu.memory_space<semaphore_mem>>
      %dma_start3A_82 = arith.constant 0 : i32
      %dma_start3A_83 = tpu.memref_slice %arg8[%run_scoped3A, %dma_start3A_82] : memref<81x128xi32, #tpu.memory_space<vmem>> -> memref<1x128xi32, #tpu.memory_space<vmem>>
      %dma_start3A_84 = tpu.memref_squeeze %dma_start3A_83 : memref<1x128xi32, #tpu.memory_space<vmem>> -> memref<128xi32, #tpu.memory_space<vmem>>
      %dma_start3A_85 = arith.constant 0 : i32
      %dma_start3A_86 = arith.constant 0 : i32
      %dma_start3A_87 = tpu.memref_slice %arg12[%dma_start3A_85, %dma_start3A_86] : memref<10240x32xf32, #tpu.memory_space<vmem_shared>> -> memref<10240x32xf32, #tpu.memory_space<vmem_shared>>
      tpu.enqueue_indirect_dma source(%arg9 : memref<128x32xf32, #tpu.memory_space<vmem>>) target(%dma_start3A_87 : memref<10240x32xf32, #tpu.memory_space<vmem_shared>>) offsets(%dma_start3A_84 : memref<128xi32, #tpu.memory_space<vmem>>) semaphore(%run_scoped3A_81 : memref<!tpu.dma_semaphore, #tpu.memory_space<semaphore_mem>>) {add = true}
      %dma_wait3A_88 = arith.constant 0 : i32
      %dma_wait3A_89 = tpu.memref_slice %arg8[%run_scoped3A, %dma_wait3A_88] : memref<81x128xi32, #tpu.memory_space<vmem>> -> memref<1x128xi32, #tpu.memory_space<vmem>>
      %dma_wait3A_90 = tpu.memref_squeeze %dma_wait3A_89 : memref<1x128xi32, #tpu.memory_space<vmem>> -> memref<128xi32, #tpu.memory_space<vmem>>
      %dma_wait3A_91 = arith.constant 0 : i32
      %dma_wait3A_92 = arith.constant 0 : i32
      %dma_wait3A_93 = tpu.memref_slice %arg12[%dma_wait3A_91, %dma_wait3A_92] : memref<10240x32xf32, #tpu.memory_space<vmem_shared>> -> memref<10240x32xf32, #tpu.memory_space<vmem_shared>>
      tpu.wait_indirect_dma semaphore(%run_scoped3A_81 : memref<!tpu.dma_semaphore, #tpu.memory_space<semaphore_mem>>) src(%arg9 : memref<128x32xf32, #tpu.memory_space<vmem>>) dst(%dma_wait3A_93 : memref<10240x32xf32, #tpu.memory_space<vmem_shared>>)
      tpu.yield
    }) : () -> ()
    %dma_wait3A_44 = arith.constant 79 : i32
    %dma_wait3A_45 = arith.constant 0 : i32
    %dma_wait3A_46 = tpu.memref_slice %arg7[%dma_wait3A_44, %dma_wait3A_45] : memref<81x128xi32, #tpu.memory_space<vmem>> -> memref<1x128xi32, #tpu.memory_space<vmem>>
    %dma_wait3A_47 = tpu.memref_squeeze %dma_wait3A_46 : memref<1x128xi32, #tpu.memory_space<vmem>> -> memref<128xi32, #tpu.memory_space<vmem>>
    %dma_wait3A_48 = arith.constant 0 : i32
    %dma_wait3A_49 = arith.constant 0 : i32
    %dma_wait3A_50 = tpu.memref_slice %arg2[%dma_wait3A_48, %dma_wait3A_49] : memref<10000x32xf32, #tpu.memory_space<hbm>> -> memref<10000x32xf32, #tpu.memory_space<hbm>>
    tpu.wait_indirect_dma semaphore(%arg14 : memref<!tpu.dma_semaphore, #tpu.memory_space<semaphore_mem>>) src(%dma_wait3A_50 : memref<10000x32xf32, #tpu.memory_space<hbm>>) dst(%arg10 : memref<128x32xf32, #tpu.memory_space<vmem>>)
    %run_scoped3A_51 = arith.constant 79 : i32
    "tpu.region"() ({
      %run_scoped3A_81 = tpu.sem_alloc : memref<!tpu.dma_semaphore, #tpu.memory_space<semaphore_mem>>
      %dma_start3A_82 = arith.constant 0 : i32
      %dma_start3A_83 = tpu.memref_slice %arg8[%run_scoped3A_51, %dma_start3A_82] : memref<81x128xi32, #tpu.memory_space<vmem>> -> memref<1x128xi32, #tpu.memory_space<vmem>>
      %dma_start3A_84 = tpu.memref_squeeze %dma_start3A_83 : memref<1x128xi32, #tpu.memory_space<vmem>> -> memref<128xi32, #tpu.memory_space<vmem>>
      %dma_start3A_85 = arith.constant 0 : i32
      %dma_start3A_86 = arith.constant 0 : i32
      %dma_start3A_87 = tpu.memref_slice %arg12[%dma_start3A_85, %dma_start3A_86] : memref<10240x32xf32, #tpu.memory_space<vmem_shared>> -> memref<10240x32xf32, #tpu.memory_space<vmem_shared>>
      tpu.enqueue_indirect_dma source(%arg10 : memref<128x32xf32, #tpu.memory_space<vmem>>) target(%dma_start3A_87 : memref<10240x32xf32, #tpu.memory_space<vmem_shared>>) offsets(%dma_start3A_84 : memref<128xi32, #tpu.memory_space<vmem>>) semaphore(%run_scoped3A_81 : memref<!tpu.dma_semaphore, #tpu.memory_space<semaphore_mem>>) {add = true}
      %dma_wait3A_88 = arith.constant 0 : i32
      %dma_wait3A_89 = tpu.memref_slice %arg8[%run_scoped3A_51, %dma_wait3A_88] : memref<81x128xi32, #tpu.memory_space<vmem>> -> memref<1x128xi32, #tpu.memory_space<vmem>>
      %dma_wait3A_90 = tpu.memref_squeeze %dma_wait3A_89 : memref<1x128xi32, #tpu.memory_space<vmem>> -> memref<128xi32, #tpu.memory_space<vmem>>
      %dma_wait3A_91 = arith.constant 0 : i32
      %dma_wait3A_92 = arith.constant 0 : i32
      %dma_wait3A_93 = tpu.memref_slice %arg12[%dma_wait3A_91, %dma_wait3A_92] : memref<10240x32xf32, #tpu.memory_space<vmem_shared>> -> memref<10240x32xf32, #tpu.memory_space<vmem_shared>>
      tpu.wait_indirect_dma semaphore(%run_scoped3A_81 : memref<!tpu.dma_semaphore, #tpu.memory_space<semaphore_mem>>) src(%arg10 : memref<128x32xf32, #tpu.memory_space<vmem>>) dst(%dma_wait3A_93 : memref<10240x32xf32, #tpu.memory_space<vmem_shared>>)
      tpu.yield
    }) : () -> ()
    %dma_wait3A_52 = arith.constant 80 : i32
    %dma_wait3A_53 = arith.constant 0 : i32
    %dma_wait3A_54 = tpu.memref_slice %arg7[%dma_wait3A_52, %dma_wait3A_53] : memref<81x128xi32, #tpu.memory_space<vmem>> -> memref<1x128xi32, #tpu.memory_space<vmem>>
    %dma_wait3A_55 = tpu.memref_squeeze %dma_wait3A_54 : memref<1x128xi32, #tpu.memory_space<vmem>> -> memref<128xi32, #tpu.memory_space<vmem>>
    %dma_wait3A_56 = arith.constant 0 : i32
    %dma_wait3A_57 = arith.constant 0 : i32
    %dma_wait3A_58 = tpu.memref_slice %arg2[%dma_wait3A_56, %dma_wait3A_57] : memref<10000x32xf32, #tpu.memory_space<hbm>> -> memref<10000x32xf32, #tpu.memory_space<hbm>>
    tpu.wait_indirect_dma semaphore(%arg15 : memref<!tpu.dma_semaphore, #tpu.memory_space<semaphore_mem>>) src(%dma_wait3A_58 : memref<10000x32xf32, #tpu.memory_space<hbm>>) dst(%arg11 : memref<128x32xf32, #tpu.memory_space<vmem>>)
    %run_scoped3A_59 = arith.constant 80 : i32
    "tpu.region"() ({
      %run_scoped3A_81 = tpu.sem_alloc : memref<!tpu.dma_semaphore, #tpu.memory_space<semaphore_mem>>
      %dma_start3A_82 = arith.constant 0 : i32
      %dma_start3A_83 = tpu.memref_slice %arg8[%run_scoped3A_59, %dma_start3A_82] : memref<81x128xi32, #tpu.memory_space<vmem>> -> memref<1x128xi32, #tpu.memory_space<vmem>>
      %dma_start3A_84 = tpu.memref_squeeze %dma_start3A_83 : memref<1x128xi32, #tpu.memory_space<vmem>> -> memref<128xi32, #tpu.memory_space<vmem>>
      %dma_start3A_85 = arith.constant 0 : i32
      %dma_start3A_86 = arith.constant 0 : i32
      %dma_start3A_87 = tpu.memref_slice %arg12[%dma_start3A_85, %dma_start3A_86] : memref<10240x32xf32, #tpu.memory_space<vmem_shared>> -> memref<10240x32xf32, #tpu.memory_space<vmem_shared>>
      tpu.enqueue_indirect_dma source(%arg11 : memref<128x32xf32, #tpu.memory_space<vmem>>) target(%dma_start3A_87 : memref<10240x32xf32, #tpu.memory_space<vmem_shared>>) offsets(%dma_start3A_84 : memref<128xi32, #tpu.memory_space<vmem>>) semaphore(%run_scoped3A_81 : memref<!tpu.dma_semaphore, #tpu.memory_space<semaphore_mem>>) {add = true}
      %dma_wait3A_88 = arith.constant 0 : i32
      %dma_wait3A_89 = tpu.memref_slice %arg8[%run_scoped3A_59, %dma_wait3A_88] : memref<81x128xi32, #tpu.memory_space<vmem>> -> memref<1x128xi32, #tpu.memory_space<vmem>>
      %dma_wait3A_90 = tpu.memref_squeeze %dma_wait3A_89 : memref<1x128xi32, #tpu.memory_space<vmem>> -> memref<128xi32, #tpu.memory_space<vmem>>
      %dma_wait3A_91 = arith.constant 0 : i32
      %dma_wait3A_92 = arith.constant 0 : i32
      %dma_wait3A_93 = tpu.memref_slice %arg12[%dma_wait3A_91, %dma_wait3A_92] : memref<10240x32xf32, #tpu.memory_space<vmem_shared>> -> memref<10240x32xf32, #tpu.memory_space<vmem_shared>>
      tpu.wait_indirect_dma semaphore(%run_scoped3A_81 : memref<!tpu.dma_semaphore, #tpu.memory_space<semaphore_mem>>) src(%arg11 : memref<128x32xf32, #tpu.memory_space<vmem>>) dst(%dma_wait3A_93 : memref<10240x32xf32, #tpu.memory_space<vmem_shared>>)
      tpu.yield
    }) : () -> ()
    %barrier3A_60 = arith.constant 0 : index
    tpu.barrier barrier_id(%barrier3A_60)
    %add3A_61 = arith.constant 0 : i32
    %add3A_62 = arith.addi %mul3A_2, %add3A_61 : i32
    "tpu.region"() ({
      %run_scoped3A_81 = tpu.sem_alloc : memref<!tpu.dma_semaphore, #tpu.memory_space<semaphore_mem>>
      %dma_start3A_82 = arith.constant 0 : i32
      %dma_start3A_83 = tpu.memref_slice %arg12[%add3A_62, %dma_start3A_82] : memref<10240x32xf32, #tpu.memory_space<vmem_shared>> -> memref<128x32xf32, #tpu.memory_space<vmem_shared>>
      %dma_start3A_84 = arith.constant 0 : i32
      %dma_start3A_85 = tpu.memref_slice %arg12[%add3A_62, %dma_start3A_84] : memref<10240x32xf32, #tpu.memory_space<vmem_shared>> -> memref<128x32xf32, #tpu.memory_space<vmem_shared>>
      tpu.enqueue_dma source(%dma_start3A_85 : memref<128x32xf32, #tpu.memory_space<vmem_shared>>) target(%arg9 : memref<128x32xf32, #tpu.memory_space<vmem>>) target_semaphore(%run_scoped3A_81 : memref<!tpu.dma_semaphore, #tpu.memory_space<semaphore_mem>>)
      %dma_wait3A_86 = arith.constant 0 : i32
      %dma_wait3A_87 = tpu.memref_slice %arg12[%add3A_62, %dma_wait3A_86] : memref<10240x32xf32, #tpu.memory_space<vmem_shared>> -> memref<128x32xf32, #tpu.memory_space<vmem_shared>>
      %dma_wait3A_88 = arith.constant 0 : i32
      %dma_wait3A_89 = tpu.memref_slice %arg12[%add3A_62, %dma_wait3A_88] : memref<10240x32xf32, #tpu.memory_space<vmem_shared>> -> memref<128x32xf32, #tpu.memory_space<vmem_shared>>
      tpu.wait_dma2 semaphore(%run_scoped3A_81 : memref<!tpu.dma_semaphore, #tpu.memory_space<semaphore_mem>>) src(%dma_wait3A_89 : memref<128x32xf32, #tpu.memory_space<vmem_shared>>) dst(%arg9 : memref<128x32xf32, #tpu.memory_space<vmem>>)
      tpu.yield
    }) : () -> ()
    %add3A_63 = arith.constant 0 : i32
    %add3A_64 = arith.addi %mul3A_2, %add3A_63 : i32
    "tpu.region"() ({
      %run_scoped3A_81 = tpu.sem_alloc : memref<!tpu.dma_semaphore, #tpu.memory_space<semaphore_mem>>
      %dma_start3A_82 = arith.constant 0 : i32
      %dma_start3A_83 = arith.constant 0 : i32
      %dma_start3A_84 = tpu.memref_slice %arg6[%arg0, %dma_start3A_82, %dma_start3A_83] : memref<2x10240x32xf32, #tpu.memory_space<hbm>> -> memref<1x10240x32xf32, #tpu.memory_space<hbm>>
      %dma_start3A_85 = tpu.memref_squeeze %dma_start3A_84 : memref<1x10240x32xf32, #tpu.memory_space<hbm>> -> memref<10240x32xf32, #tpu.memory_space<hbm>>
      %dma_start3A_86 = arith.constant 0 : i32
      %dma_start3A_87 = tpu.memref_slice %dma_start3A_85[%add3A_64, %dma_start3A_86] : memref<10240x32xf32, #tpu.memory_space<hbm>> -> memref<128x32xf32, #tpu.memory_space<hbm>>
      %dma_start3A_88 = arith.constant 0 : i32
      %dma_start3A_89 = arith.constant 0 : i32
      %dma_start3A_90 = tpu.memref_slice %arg6[%arg0, %dma_start3A_88, %dma_start3A_89] : memref<2x10240x32xf32, #tpu.memory_space<hbm>> -> memref<1x10240x32xf32, #tpu.memory_space<hbm>>
      %dma_start3A_91 = tpu.memref_squeeze %dma_start3A_90 : memref<1x10240x32xf32, #tpu.memory_space<hbm>> -> memref<10240x32xf32, #tpu.memory_space<hbm>>
      %dma_start3A_92 = arith.constant 0 : i32
      %dma_start3A_93 = tpu.memref_slice %dma_start3A_91[%add3A_64, %dma_start3A_92] : memref<10240x32xf32, #tpu.memory_space<hbm>> -> memref<128x32xf32, #tpu.memory_space<hbm>>
      tpu.enqueue_dma source(%arg9 : memref<128x32xf32, #tpu.memory_space<vmem>>) target(%dma_start3A_93 : memref<128x32xf32, #tpu.memory_space<hbm>>) target_semaphore(%run_scoped3A_81 : memref<!tpu.dma_semaphore, #tpu.memory_space<semaphore_mem>>)
      %dma_wait3A_94 = arith.constant 0 : i32
      %dma_wait3A_95 = arith.constant 0 : i32
      %dma_wait3A_96 = tpu.memref_slice %arg6[%arg0, %dma_wait3A_94, %dma_wait3A_95] : memref<2x10240x32xf32, #tpu.memory_space<hbm>> -> memref<1x10240x32xf32, #tpu.memory_space<hbm>>
      %dma_wait3A_97 = tpu.memref_squeeze %dma_wait3A_96 : memref<1x10240x32xf32, #tpu.memory_space<hbm>> -> memref<10240x32xf32, #tpu.memory_space<hbm>>
      %dma_wait3A_98 = arith.constant 0 : i32
      %dma_wait3A_99 = tpu.memref_slice %dma_wait3A_97[%add3A_64, %dma_wait3A_98] : memref<10240x32xf32, #tpu.memory_space<hbm>> -> memref<128x32xf32, #tpu.memory_space<hbm>>
      %dma_wait3A_100 = arith.constant 0 : i32
      %dma_wait3A_101 = arith.constant 0 : i32
      %dma_wait3A_102 = tpu.memref_slice %arg6[%arg0, %dma_wait3A_100, %dma_wait3A_101] : memref<2x10240x32xf32, #tpu.memory_space<hbm>> -> memref<1x10240x32xf32, #tpu.memory_space<hbm>>
      %dma_wait3A_103 = tpu.memref_squeeze %dma_wait3A_102 : memref<1x10240x32xf32, #tpu.memory_space<hbm>> -> memref<10240x32xf32, #tpu.memory_space<hbm>>
      %dma_wait3A_104 = arith.constant 0 : i32
      %dma_wait3A_105 = tpu.memref_slice %dma_wait3A_103[%add3A_64, %dma_wait3A_104] : memref<10240x32xf32, #tpu.memory_space<hbm>> -> memref<128x32xf32, #tpu.memory_space<hbm>>
      tpu.wait_dma2 semaphore(%run_scoped3A_81 : memref<!tpu.dma_semaphore, #tpu.memory_space<semaphore_mem>>) src(%arg9 : memref<128x32xf32, #tpu.memory_space<vmem>>) dst(%dma_wait3A_105 : memref<128x32xf32, #tpu.memory_space<hbm>>)
      tpu.yield
    }) : () -> ()
    %add3A_65 = arith.constant 128 : i32
    %add3A_66 = arith.addi %mul3A_2, %add3A_65 : i32
    "tpu.region"() ({
      %run_scoped3A_81 = tpu.sem_alloc : memref<!tpu.dma_semaphore, #tpu.memory_space<semaphore_mem>>
      %dma_start3A_82 = arith.constant 0 : i32
      %dma_start3A_83 = tpu.memref_slice %arg12[%add3A_66, %dma_start3A_82] : memref<10240x32xf32, #tpu.memory_space<vmem_shared>> -> memref<128x32xf32, #tpu.memory_space<vmem_shared>>
      %dma_start3A_84 = arith.constant 0 : i32
      %dma_start3A_85 = tpu.memref_slice %arg12[%add3A_66, %dma_start3A_84] : memref<10240x32xf32, #tpu.memory_space<vmem_shared>> -> memref<128x32xf32, #tpu.memory_space<vmem_shared>>
      tpu.enqueue_dma source(%dma_start3A_85 : memref<128x32xf32, #tpu.memory_space<vmem_shared>>) target(%arg9 : memref<128x32xf32, #tpu.memory_space<vmem>>) target_semaphore(%run_scoped3A_81 : memref<!tpu.dma_semaphore, #tpu.memory_space<semaphore_mem>>)
      %dma_wait3A_86 = arith.constant 0 : i32
      %dma_wait3A_87 = tpu.memref_slice %arg12[%add3A_66, %dma_wait3A_86] : memref<10240x32xf32, #tpu.memory_space<vmem_shared>> -> memref<128x32xf32, #tpu.memory_space<vmem_shared>>
      %dma_wait3A_88 = arith.constant 0 : i32
      %dma_wait3A_89 = tpu.memref_slice %arg12[%add3A_66, %dma_wait3A_88] : memref<10240x32xf32, #tpu.memory_space<vmem_shared>> -> memref<128x32xf32, #tpu.memory_space<vmem_shared>>
      tpu.wait_dma2 semaphore(%run_scoped3A_81 : memref<!tpu.dma_semaphore, #tpu.memory_space<semaphore_mem>>) src(%dma_wait3A_89 : memref<128x32xf32, #tpu.memory_space<vmem_shared>>) dst(%arg9 : memref<128x32xf32, #tpu.memory_space<vmem>>)
      tpu.yield
    }) : () -> ()
    %add3A_67 = arith.constant 128 : i32
    %add3A_68 = arith.addi %mul3A_2, %add3A_67 : i32
    "tpu.region"() ({
      %run_scoped3A_81 = tpu.sem_alloc : memref<!tpu.dma_semaphore, #tpu.memory_space<semaphore_mem>>
      %dma_start3A_82 = arith.constant 0 : i32
      %dma_start3A_83 = arith.constant 0 : i32
      %dma_start3A_84 = tpu.memref_slice %arg6[%arg0, %dma_start3A_82, %dma_start3A_83] : memref<2x10240x32xf32, #tpu.memory_space<hbm>> -> memref<1x10240x32xf32, #tpu.memory_space<hbm>>
      %dma_start3A_85 = tpu.memref_squeeze %dma_start3A_84 : memref<1x10240x32xf32, #tpu.memory_space<hbm>> -> memref<10240x32xf32, #tpu.memory_space<hbm>>
      %dma_start3A_86 = arith.constant 0 : i32
      %dma_start3A_87 = tpu.memref_slice %dma_start3A_85[%add3A_68, %dma_start3A_86] : memref<10240x32xf32, #tpu.memory_space<hbm>> -> memref<128x32xf32, #tpu.memory_space<hbm>>
      %dma_start3A_88 = arith.constant 0 : i32
      %dma_start3A_89 = arith.constant 0 : i32
      %dma_start3A_90 = tpu.memref_slice %arg6[%arg0, %dma_start3A_88, %dma_start3A_89] : memref<2x10240x32xf32, #tpu.memory_space<hbm>> -> memref<1x10240x32xf32, #tpu.memory_space<hbm>>
      %dma_start3A_91 = tpu.memref_squeeze %dma_start3A_90 : memref<1x10240x32xf32, #tpu.memory_space<hbm>> -> memref<10240x32xf32, #tpu.memory_space<hbm>>
      %dma_start3A_92 = arith.constant 0 : i32
      %dma_start3A_93 = tpu.memref_slice %dma_start3A_91[%add3A_68, %dma_start3A_92] : memref<10240x32xf32, #tpu.memory_space<hbm>> -> memref<128x32xf32, #tpu.memory_space<hbm>>
      tpu.enqueue_dma source(%arg9 : memref<128x32xf32, #tpu.memory_space<vmem>>) target(%dma_start3A_93 : memref<128x32xf32, #tpu.memory_space<hbm>>) target_semaphore(%run_scoped3A_81 : memref<!tpu.dma_semaphore, #tpu.memory_space<semaphore_mem>>)
      %dma_wait3A_94 = arith.constant 0 : i32
      %dma_wait3A_95 = arith.constant 0 : i32
      %dma_wait3A_96 = tpu.memref_slice %arg6[%arg0, %dma_wait3A_94, %dma_wait3A_95] : memref<2x10240x32xf32, #tpu.memory_space<hbm>> -> memref<1x10240x32xf32, #tpu.memory_space<hbm>>
      %dma_wait3A_97 = tpu.memref_squeeze %dma_wait3A_96 : memref<1x10240x32xf32, #tpu.memory_space<hbm>> -> memref<10240x32xf32, #tpu.memory_space<hbm>>
      %dma_wait3A_98 = arith.constant 0 : i32
      %dma_wait3A_99 = tpu.memref_slice %dma_wait3A_97[%add3A_68, %dma_wait3A_98] : memref<10240x32xf32, #tpu.memory_space<hbm>> -> memref<128x32xf32, #tpu.memory_space<hbm>>
      %dma_wait3A_100 = arith.constant 0 : i32
      %dma_wait3A_101 = arith.constant 0 : i32
      %dma_wait3A_102 = tpu.memref_slice %arg6[%arg0, %dma_wait3A_100, %dma_wait3A_101] : memref<2x10240x32xf32, #tpu.memory_space<hbm>> -> memref<1x10240x32xf32, #tpu.memory_space<hbm>>
      %dma_wait3A_103 = tpu.memref_squeeze %dma_wait3A_102 : memref<1x10240x32xf32, #tpu.memory_space<hbm>> -> memref<10240x32xf32, #tpu.memory_space<hbm>>
      %dma_wait3A_104 = arith.constant 0 : i32
      %dma_wait3A_105 = tpu.memref_slice %dma_wait3A_103[%add3A_68, %dma_wait3A_104] : memref<10240x32xf32, #tpu.memory_space<hbm>> -> memref<128x32xf32, #tpu.memory_space<hbm>>
      tpu.wait_dma2 semaphore(%run_scoped3A_81 : memref<!tpu.dma_semaphore, #tpu.memory_space<semaphore_mem>>) src(%arg9 : memref<128x32xf32, #tpu.memory_space<vmem>>) dst(%dma_wait3A_105 : memref<128x32xf32, #tpu.memory_space<hbm>>)
      tpu.yield
    }) : () -> ()
    %add3A_69 = arith.constant 256 : i32
    %add3A_70 = arith.addi %mul3A_2, %add3A_69 : i32
    "tpu.region"() ({
      %run_scoped3A_81 = tpu.sem_alloc : memref<!tpu.dma_semaphore, #tpu.memory_space<semaphore_mem>>
      %dma_start3A_82 = arith.constant 0 : i32
      %dma_start3A_83 = tpu.memref_slice %arg12[%add3A_70, %dma_start3A_82] : memref<10240x32xf32, #tpu.memory_space<vmem_shared>> -> memref<128x32xf32, #tpu.memory_space<vmem_shared>>
      %dma_start3A_84 = arith.constant 0 : i32
      %dma_start3A_85 = tpu.memref_slice %arg12[%add3A_70, %dma_start3A_84] : memref<10240x32xf32, #tpu.memory_space<vmem_shared>> -> memref<128x32xf32, #tpu.memory_space<vmem_shared>>
      tpu.enqueue_dma source(%dma_start3A_85 : memref<128x32xf32, #tpu.memory_space<vmem_shared>>) target(%arg9 : memref<128x32xf32, #tpu.memory_space<vmem>>) target_semaphore(%run_scoped3A_81 : memref<!tpu.dma_semaphore, #tpu.memory_space<semaphore_mem>>)
      %dma_wait3A_86 = arith.constant 0 : i32
      %dma_wait3A_87 = tpu.memref_slice %arg12[%add3A_70, %dma_wait3A_86] : memref<10240x32xf32, #tpu.memory_space<vmem_shared>> -> memref<128x32xf32, #tpu.memory_space<vmem_shared>>
      %dma_wait3A_88 = arith.constant 0 : i32
      %dma_wait3A_89 = tpu.memref_slice %arg12[%add3A_70, %dma_wait3A_88] : memref<10240x32xf32, #tpu.memory_space<vmem_shared>> -> memref<128x32xf32, #tpu.memory_space<vmem_shared>>
      tpu.wait_dma2 semaphore(%run_scoped3A_81 : memref<!tpu.dma_semaphore, #tpu.memory_space<semaphore_mem>>) src(%dma_wait3A_89 : memref<128x32xf32, #tpu.memory_space<vmem_shared>>) dst(%arg9 : memref<128x32xf32, #tpu.memory_space<vmem>>)
      tpu.yield
    }) : () -> ()
    %add3A_71 = arith.constant 256 : i32
    %add3A_72 = arith.addi %mul3A_2, %add3A_71 : i32
    "tpu.region"() ({
      %run_scoped3A_81 = tpu.sem_alloc : memref<!tpu.dma_semaphore, #tpu.memory_space<semaphore_mem>>
      %dma_start3A_82 = arith.constant 0 : i32
      %dma_start3A_83 = arith.constant 0 : i32
      %dma_start3A_84 = tpu.memref_slice %arg6[%arg0, %dma_start3A_82, %dma_start3A_83] : memref<2x10240x32xf32, #tpu.memory_space<hbm>> -> memref<1x10240x32xf32, #tpu.memory_space<hbm>>
      %dma_start3A_85 = tpu.memref_squeeze %dma_start3A_84 : memref<1x10240x32xf32, #tpu.memory_space<hbm>> -> memref<10240x32xf32, #tpu.memory_space<hbm>>
      %dma_start3A_86 = arith.constant 0 : i32
      %dma_start3A_87 = tpu.memref_slice %dma_start3A_85[%add3A_72, %dma_start3A_86] : memref<10240x32xf32, #tpu.memory_space<hbm>> -> memref<128x32xf32, #tpu.memory_space<hbm>>
      %dma_start3A_88 = arith.constant 0 : i32
      %dma_start3A_89 = arith.constant 0 : i32
      %dma_start3A_90 = tpu.memref_slice %arg6[%arg0, %dma_start3A_88, %dma_start3A_89] : memref<2x10240x32xf32, #tpu.memory_space<hbm>> -> memref<1x10240x32xf32, #tpu.memory_space<hbm>>
      %dma_start3A_91 = tpu.memref_squeeze %dma_start3A_90 : memref<1x10240x32xf32, #tpu.memory_space<hbm>> -> memref<10240x32xf32, #tpu.memory_space<hbm>>
      %dma_start3A_92 = arith.constant 0 : i32
      %dma_start3A_93 = tpu.memref_slice %dma_start3A_91[%add3A_72, %dma_start3A_92] : memref<10240x32xf32, #tpu.memory_space<hbm>> -> memref<128x32xf32, #tpu.memory_space<hbm>>
      tpu.enqueue_dma source(%arg9 : memref<128x32xf32, #tpu.memory_space<vmem>>) target(%dma_start3A_93 : memref<128x32xf32, #tpu.memory_space<hbm>>) target_semaphore(%run_scoped3A_81 : memref<!tpu.dma_semaphore, #tpu.memory_space<semaphore_mem>>)
      %dma_wait3A_94 = arith.constant 0 : i32
      %dma_wait3A_95 = arith.constant 0 : i32
      %dma_wait3A_96 = tpu.memref_slice %arg6[%arg0, %dma_wait3A_94, %dma_wait3A_95] : memref<2x10240x32xf32, #tpu.memory_space<hbm>> -> memref<1x10240x32xf32, #tpu.memory_space<hbm>>
      %dma_wait3A_97 = tpu.memref_squeeze %dma_wait3A_96 : memref<1x10240x32xf32, #tpu.memory_space<hbm>> -> memref<10240x32xf32, #tpu.memory_space<hbm>>
      %dma_wait3A_98 = arith.constant 0 : i32
      %dma_wait3A_99 = tpu.memref_slice %dma_wait3A_97[%add3A_72, %dma_wait3A_98] : memref<10240x32xf32, #tpu.memory_space<hbm>> -> memref<128x32xf32, #tpu.memory_space<hbm>>
      %dma_wait3A_100 = arith.constant 0 : i32
      %dma_wait3A_101 = arith.constant 0 : i32
      %dma_wait3A_102 = tpu.memref_slice %arg6[%arg0, %dma_wait3A_100, %dma_wait3A_101] : memref<2x10240x32xf32, #tpu.memory_space<hbm>> -> memref<1x10240x32xf32, #tpu.memory_space<hbm>>
      %dma_wait3A_103 = tpu.memref_squeeze %dma_wait3A_102 : memref<1x10240x32xf32, #tpu.memory_space<hbm>> -> memref<10240x32xf32, #tpu.memory_space<hbm>>
      %dma_wait3A_104 = arith.constant 0 : i32
      %dma_wait3A_105 = tpu.memref_slice %dma_wait3A_103[%add3A_72, %dma_wait3A_104] : memref<10240x32xf32, #tpu.memory_space<hbm>> -> memref<128x32xf32, #tpu.memory_space<hbm>>
      tpu.wait_dma2 semaphore(%run_scoped3A_81 : memref<!tpu.dma_semaphore, #tpu.memory_space<semaphore_mem>>) src(%arg9 : memref<128x32xf32, #tpu.memory_space<vmem>>) dst(%dma_wait3A_105 : memref<128x32xf32, #tpu.memory_space<hbm>>)
      tpu.yield
    }) : () -> ()
    %add3A_73 = arith.constant 384 : i32
    %add3A_74 = arith.addi %mul3A_2, %add3A_73 : i32
    "tpu.region"() ({
      %run_scoped3A_81 = tpu.sem_alloc : memref<!tpu.dma_semaphore, #tpu.memory_space<semaphore_mem>>
      %dma_start3A_82 = arith.constant 0 : i32
      %dma_start3A_83 = tpu.memref_slice %arg12[%add3A_74, %dma_start3A_82] : memref<10240x32xf32, #tpu.memory_space<vmem_shared>> -> memref<128x32xf32, #tpu.memory_space<vmem_shared>>
      %dma_start3A_84 = arith.constant 0 : i32
      %dma_start3A_85 = tpu.memref_slice %arg12[%add3A_74, %dma_start3A_84] : memref<10240x32xf32, #tpu.memory_space<vmem_shared>> -> memref<128x32xf32, #tpu.memory_space<vmem_shared>>
      tpu.enqueue_dma source(%dma_start3A_85 : memref<128x32xf32, #tpu.memory_space<vmem_shared>>) target(%arg9 : memref<128x32xf32, #tpu.memory_space<vmem>>) target_semaphore(%run_scoped3A_81 : memref<!tpu.dma_semaphore, #tpu.memory_space<semaphore_mem>>)
      %dma_wait3A_86 = arith.constant 0 : i32
      %dma_wait3A_87 = tpu.memref_slice %arg12[%add3A_74, %dma_wait3A_86] : memref<10240x32xf32, #tpu.memory_space<vmem_shared>> -> memref<128x32xf32, #tpu.memory_space<vmem_shared>>
      %dma_wait3A_88 = arith.constant 0 : i32
      %dma_wait3A_89 = tpu.memref_slice %arg12[%add3A_74, %dma_wait3A_88] : memref<10240x32xf32, #tpu.memory_space<vmem_shared>> -> memref<128x32xf32, #tpu.memory_space<vmem_shared>>
      tpu.wait_dma2 semaphore(%run_scoped3A_81 : memref<!tpu.dma_semaphore, #tpu.memory_space<semaphore_mem>>) src(%dma_wait3A_89 : memref<128x32xf32, #tpu.memory_space<vmem_shared>>) dst(%arg9 : memref<128x32xf32, #tpu.memory_space<vmem>>)
      tpu.yield
    }) : () -> ()
    %add3A_75 = arith.constant 384 : i32
    %add3A_76 = arith.addi %mul3A_2, %add3A_75 : i32
    "tpu.region"() ({
      %run_scoped3A_81 = tpu.sem_alloc : memref<!tpu.dma_semaphore, #tpu.memory_space<semaphore_mem>>
      %dma_start3A_82 = arith.constant 0 : i32
      %dma_start3A_83 = arith.constant 0 : i32
      %dma_start3A_84 = tpu.memref_slice %arg6[%arg0, %dma_start3A_82, %dma_start3A_83] : memref<2x10240x32xf32, #tpu.memory_space<hbm>> -> memref<1x10240x32xf32, #tpu.memory_space<hbm>>
      %dma_start3A_85 = tpu.memref_squeeze %dma_start3A_84 : memref<1x10240x32xf32, #tpu.memory_space<hbm>> -> memref<10240x32xf32, #tpu.memory_space<hbm>>
      %dma_start3A_86 = arith.constant 0 : i32
      %dma_start3A_87 = tpu.memref_slice %dma_start3A_85[%add3A_76, %dma_start3A_86] : memref<10240x32xf32, #tpu.memory_space<hbm>> -> memref<128x32xf32, #tpu.memory_space<hbm>>
      %dma_start3A_88 = arith.constant 0 : i32
      %dma_start3A_89 = arith.constant 0 : i32
      %dma_start3A_90 = tpu.memref_slice %arg6[%arg0, %dma_start3A_88, %dma_start3A_89] : memref<2x10240x32xf32, #tpu.memory_space<hbm>> -> memref<1x10240x32xf32, #tpu.memory_space<hbm>>
      %dma_start3A_91 = tpu.memref_squeeze %dma_start3A_90 : memref<1x10240x32xf32, #tpu.memory_space<hbm>> -> memref<10240x32xf32, #tpu.memory_space<hbm>>
      %dma_start3A_92 = arith.constant 0 : i32
      %dma_start3A_93 = tpu.memref_slice %dma_start3A_91[%add3A_76, %dma_start3A_92] : memref<10240x32xf32, #tpu.memory_space<hbm>> -> memref<128x32xf32, #tpu.memory_space<hbm>>
      tpu.enqueue_dma source(%arg9 : memref<128x32xf32, #tpu.memory_space<vmem>>) target(%dma_start3A_93 : memref<128x32xf32, #tpu.memory_space<hbm>>) target_semaphore(%run_scoped3A_81 : memref<!tpu.dma_semaphore, #tpu.memory_space<semaphore_mem>>)
      %dma_wait3A_94 = arith.constant 0 : i32
      %dma_wait3A_95 = arith.constant 0 : i32
      %dma_wait3A_96 = tpu.memref_slice %arg6[%arg0, %dma_wait3A_94, %dma_wait3A_95] : memref<2x10240x32xf32, #tpu.memory_space<hbm>> -> memref<1x10240x32xf32, #tpu.memory_space<hbm>>
      %dma_wait3A_97 = tpu.memref_squeeze %dma_wait3A_96 : memref<1x10240x32xf32, #tpu.memory_space<hbm>> -> memref<10240x32xf32, #tpu.memory_space<hbm>>
      %dma_wait3A_98 = arith.constant 0 : i32
      %dma_wait3A_99 = tpu.memref_slice %dma_wait3A_97[%add3A_76, %dma_wait3A_98] : memref<10240x32xf32, #tpu.memory_space<hbm>> -> memref<128x32xf32, #tpu.memory_space<hbm>>
      %dma_wait3A_100 = arith.constant 0 : i32
      %dma_wait3A_101 = arith.constant 0 : i32
      %dma_wait3A_102 = tpu.memref_slice %arg6[%arg0, %dma_wait3A_100, %dma_wait3A_101] : memref<2x10240x32xf32, #tpu.memory_space<hbm>> -> memref<1x10240x32xf32, #tpu.memory_space<hbm>>
      %dma_wait3A_103 = tpu.memref_squeeze %dma_wait3A_102 : memref<1x10240x32xf32, #tpu.memory_space<hbm>> -> memref<10240x32xf32, #tpu.memory_space<hbm>>
      %dma_wait3A_104 = arith.constant 0 : i32
      %dma_wait3A_105 = tpu.memref_slice %dma_wait3A_103[%add3A_76, %dma_wait3A_104] : memref<10240x32xf32, #tpu.memory_space<hbm>> -> memref<128x32xf32, #tpu.memory_space<hbm>>
      tpu.wait_dma2 semaphore(%run_scoped3A_81 : memref<!tpu.dma_semaphore, #tpu.memory_space<semaphore_mem>>) src(%arg9 : memref<128x32xf32, #tpu.memory_space<vmem>>) dst(%dma_wait3A_105 : memref<128x32xf32, #tpu.memory_space<hbm>>)
      tpu.yield
    }) : () -> ()
    %add3A_77 = arith.constant 512 : i32
    %add3A_78 = arith.addi %mul3A_2, %add3A_77 : i32
    "tpu.region"() ({
      %run_scoped3A_81 = tpu.sem_alloc : memref<!tpu.dma_semaphore, #tpu.memory_space<semaphore_mem>>
      %dma_start3A_82 = arith.constant 0 : i32
      %dma_start3A_83 = tpu.memref_slice %arg12[%add3A_78, %dma_start3A_82] : memref<10240x32xf32, #tpu.memory_space<vmem_shared>> -> memref<128x32xf32, #tpu.memory_space<vmem_shared>>
      %dma_start3A_84 = arith.constant 0 : i32
      %dma_start3A_85 = tpu.memref_slice %arg12[%add3A_78, %dma_start3A_84] : memref<10240x32xf32, #tpu.memory_space<vmem_shared>> -> memref<128x32xf32, #tpu.memory_space<vmem_shared>>
      tpu.enqueue_dma source(%dma_start3A_85 : memref<128x32xf32, #tpu.memory_space<vmem_shared>>) target(%arg9 : memref<128x32xf32, #tpu.memory_space<vmem>>) target_semaphore(%run_scoped3A_81 : memref<!tpu.dma_semaphore, #tpu.memory_space<semaphore_mem>>)
      %dma_wait3A_86 = arith.constant 0 : i32
      %dma_wait3A_87 = tpu.memref_slice %arg12[%add3A_78, %dma_wait3A_86] : memref<10240x32xf32, #tpu.memory_space<vmem_shared>> -> memref<128x32xf32, #tpu.memory_space<vmem_shared>>
      %dma_wait3A_88 = arith.constant 0 : i32
      %dma_wait3A_89 = tpu.memref_slice %arg12[%add3A_78, %dma_wait3A_88] : memref<10240x32xf32, #tpu.memory_space<vmem_shared>> -> memref<128x32xf32, #tpu.memory_space<vmem_shared>>
      tpu.wait_dma2 semaphore(%run_scoped3A_81 : memref<!tpu.dma_semaphore, #tpu.memory_space<semaphore_mem>>) src(%dma_wait3A_89 : memref<128x32xf32, #tpu.memory_space<vmem_shared>>) dst(%arg9 : memref<128x32xf32, #tpu.memory_space<vmem>>)
      tpu.yield
    }) : () -> ()
    %add3A_79 = arith.constant 512 : i32
    %add3A_80 = arith.addi %mul3A_2, %add3A_79 : i32
    "tpu.region"() ({
      %run_scoped3A_81 = tpu.sem_alloc : memref<!tpu.dma_semaphore, #tpu.memory_space<semaphore_mem>>
      %dma_start3A_82 = arith.constant 0 : i32
      %dma_start3A_83 = arith.constant 0 : i32
      %dma_start3A_84 = tpu.memref_slice %arg6[%arg0, %dma_start3A_82, %dma_start3A_83] : memref<2x10240x32xf32, #tpu.memory_space<hbm>> -> memref<1x10240x32xf32, #tpu.memory_space<hbm>>
      %dma_start3A_85 = tpu.memref_squeeze %dma_start3A_84 : memref<1x10240x32xf32, #tpu.memory_space<hbm>> -> memref<10240x32xf32, #tpu.memory_space<hbm>>
      %dma_start3A_86 = arith.constant 0 : i32
      %dma_start3A_87 = tpu.memref_slice %dma_start3A_85[%add3A_80, %dma_start3A_86] : memref<10240x32xf32, #tpu.memory_space<hbm>> -> memref<128x32xf32, #tpu.memory_space<hbm>>
      %dma_start3A_88 = arith.constant 0 : i32
      %dma_start3A_89 = arith.constant 0 : i32
      %dma_start3A_90 = tpu.memref_slice %arg6[%arg0, %dma_start3A_88, %dma_start3A_89] : memref<2x10240x32xf32, #tpu.memory_space<hbm>> -> memref<1x10240x32xf32, #tpu.memory_space<hbm>>
      %dma_start3A_91 = tpu.memref_squeeze %dma_start3A_90 : memref<1x10240x32xf32, #tpu.memory_space<hbm>> -> memref<10240x32xf32, #tpu.memory_space<hbm>>
      %dma_start3A_92 = arith.constant 0 : i32
      %dma_start3A_93 = tpu.memref_slice %dma_start3A_91[%add3A_80, %dma_start3A_92] : memref<10240x32xf32, #tpu.memory_space<hbm>> -> memref<128x32xf32, #tpu.memory_space<hbm>>
      tpu.enqueue_dma source(%arg9 : memref<128x32xf32, #tpu.memory_space<vmem>>) target(%dma_start3A_93 : memref<128x32xf32, #tpu.memory_space<hbm>>) target_semaphore(%run_scoped3A_81 : memref<!tpu.dma_semaphore, #tpu.memory_space<semaphore_mem>>)
      %dma_wait3A_94 = arith.constant 0 : i32
      %dma_wait3A_95 = arith.constant 0 : i32
      %dma_wait3A_96 = tpu.memref_slice %arg6[%arg0, %dma_wait3A_94, %dma_wait3A_95] : memref<2x10240x32xf32, #tpu.memory_space<hbm>> -> memref<1x10240x32xf32, #tpu.memory_space<hbm>>
      %dma_wait3A_97 = tpu.memref_squeeze %dma_wait3A_96 : memref<1x10240x32xf32, #tpu.memory_space<hbm>> -> memref<10240x32xf32, #tpu.memory_space<hbm>>
      %dma_wait3A_98 = arith.constant 0 : i32
      %dma_wait3A_99 = tpu.memref_slice %dma_wait3A_97[%add3A_80, %dma_wait3A_98] : memref<10240x32xf32, #tpu.memory_space<hbm>> -> memref<128x32xf32, #tpu.memory_space<hbm>>
      %dma_wait3A_100 = arith.constant 0 : i32
      %dma_wait3A_101 = arith.constant 0 : i32
      %dma_wait3A_102 = tpu.memref_slice %arg6[%arg0, %dma_wait3A_100, %dma_wait3A_101] : memref<2x10240x32xf32, #tpu.memory_space<hbm>> -> memref<1x10240x32xf32, #tpu.memory_space<hbm>>
      %dma_wait3A_103 = tpu.memref_squeeze %dma_wait3A_102 : memref<1x10240x32xf32, #tpu.memory_space<hbm>> -> memref<10240x32xf32, #tpu.memory_space<hbm>>
      %dma_wait3A_104 = arith.constant 0 : i32
      %dma_wait3A_105 = tpu.memref_slice %dma_wait3A_103[%add3A_80, %dma_wait3A_104] : memref<10240x32xf32, #tpu.memory_space<hbm>> -> memref<128x32xf32, #tpu.memory_space<hbm>>
      tpu.wait_dma2 semaphore(%run_scoped3A_81 : memref<!tpu.dma_semaphore, #tpu.memory_space<semaphore_mem>>) src(%arg9 : memref<128x32xf32, #tpu.memory_space<vmem>>) dst(%dma_wait3A_105 : memref<128x32xf32, #tpu.memory_space<hbm>>)
      tpu.yield
    }) : () -> ()
    return
  }
}

module attributes {stable_mosaic.version = 14 : i64} {
  func.func @_tc1_body(%arg0: memref<32x10240xf32, #tpu.memory_space<vmem>>, %arg1: memref<10000x128xf32, #tpu.memory_space<vmem>>, %arg2: memref<128x64xf32, #tpu.memory_space<vmem>>, %arg3: memref<10240xf32, #tpu.memory_space<vmem>>, %arg4: memref<10000x64xf32, #tpu.memory_space<vmem>>) attributes {dimension_semantics = [], scalar_prefetch = 0 : i64, scratch_operands = 0 : i64, tpu.core_type = #tpu.core_type<tc>} {
    %get3A = arith.constant 0 : index
    %get3A_0 = arith.constant 0 : index
    %get3A_1 = vector.load %arg0[%get3A, %get3A_0] : memref<32x10240xf32, #tpu.memory_space<vmem>>, vector<32x10240xf32>
    %reduce_sum3A = arith.constant dense<0.000000e+00> : vector<10240xf32>
    %reduce_sum3A_2 = vector.multi_reduction <add>, %get3A_1, %reduce_sum3A [0] : vector<32x10240xf32> to vector<10240xf32>
    %max3A = arith.constant 1.000000e+00 : f32
    %max3A_3 = vector.broadcast %max3A : f32 to vector<10240xf32>
    %max3A_4 = arith.maximumf %reduce_sum3A_2, %max3A_3 : vector<10240xf32>
    %rsqrt3A = math.rsqrt %max3A_4 : vector<10240xf32>
    %swap3A = arith.constant 0 : index
    %swap3A_5 = vector.load %arg3[%swap3A] : memref<10240xf32, #tpu.memory_space<vmem>>, vector<10240xf32>
    tpu.vector_store %arg3[%swap3A], %rsqrt3A {strides = array<i32>} : memref<10240xf32, #tpu.memory_space<vmem>>, vector<10240xf32>,
    %get3A_6 = arith.constant 0 : index
    %get3A_7 = arith.constant 0 : index
    %get3A_8 = vector.load %arg1[%get3A_6, %get3A_7] : memref<10000x128xf32, #tpu.memory_space<vmem>>, vector<10000x128xf32>
    %get3A_9 = arith.constant 0 : index
    %get3A_10 = arith.constant 0 : index
    %get3A_11 = vector.load %arg2[%get3A_9, %get3A_10] : memref<128x64xf32, #tpu.memory_space<vmem>>, vector<128x64xf32>
    %dot_general3A = arith.constant dense<0.000000e+00> : vector<10000x64xf32>
    %dot_general3A_12 = tpu.matmul %get3A_8, %get3A_11, %dot_general3A {dimension_numbers = #tpu.dot_dimension_numbers<[1], [0], [0], [1], [0, 0, 1, 1], [], []>, transpose_lhs_hint = false} : vector<10000x128xf32>, vector<128x64xf32>, vector<10000x64xf32> -> vector<10000x64xf32>
    %slice3A = vector.extract_strided_slice %rsqrt3A {offsets = [0], sizes = [10000], strides = [1]} : vector<10240xf32> to vector<10000xf32>
    %broadcast_in_dim3A = vector.shape_cast %slice3A : vector<10000xf32> to vector<10000x1xf32>
    %mul3A = vector.broadcast %broadcast_in_dim3A : vector<10000x1xf32> to vector<10000x64xf32>
    %mul3A_13 = arith.mulf %dot_general3A_12, %mul3A : vector<10000x64xf32>
    %swap3A_14 = arith.constant 0 : index
    %swap3A_15 = arith.constant 0 : index
    %swap3A_16 = vector.load %arg4[%swap3A_14, %swap3A_15] : memref<10000x64xf32, #tpu.memory_space<vmem>>, vector<10000x64xf32>
    tpu.vector_store %arg4[%swap3A_14, %swap3A_15], %mul3A_13 {strides = array<i32>} : memref<10000x64xf32, #tpu.memory_space<vmem>>, vector<10000x64xf32>,
    return
  }
}

module attributes {stable_mosaic.version = 14 : i64} {
  func.func @_tc2_body(%arg0: memref<2x10240x64xf32, #tpu.memory_space<vmem>>, %arg1: memref<10240xf32, #tpu.memory_space<vmem>>, %arg2: memref<64xf32, #tpu.memory_space<vmem>>, %arg3: memref<64x32xf32, #tpu.memory_space<vmem>>, %arg4: memref<10000x32xf32, #tpu.memory_space<vmem>>) attributes {dimension_semantics = [], scalar_prefetch = 0 : i64, scratch_operands = 0 : i64, tpu.core_type = #tpu.core_type<tc>} {
    %get3A = arith.constant 0 : index
    %get3A_0 = arith.constant 0 : index
    %get3A_1 = arith.constant 0 : index
    %get3A_2 = vector.load %arg0[%get3A, %get3A_0, %get3A_1] : memref<2x10240x64xf32, #tpu.memory_space<vmem>>, vector<1x10240x64xf32>
    %get3A_3 = vector.shape_cast %get3A_2 : vector<1x10240x64xf32> to vector<10240x64xf32>
    %get3A_4 = arith.constant 1 : index
    %get3A_5 = arith.constant 0 : index
    %get3A_6 = arith.constant 0 : index
    %get3A_7 = vector.load %arg0[%get3A_4, %get3A_5, %get3A_6] : memref<2x10240x64xf32, #tpu.memory_space<vmem>>, vector<1x10240x64xf32>
    %get3A_8 = vector.shape_cast %get3A_7 : vector<1x10240x64xf32> to vector<10240x64xf32>
    %add3A = arith.addf %get3A_3, %get3A_8 : vector<10240x64xf32>
    %slice3A = vector.extract_strided_slice %add3A {offsets = [0, 0], sizes = [10000, 64], strides = [1, 1]} : vector<10240x64xf32> to vector<10000x64xf32>
    %get3A_9 = arith.constant 0 : index
    %get3A_10 = vector.load %arg1[%get3A_9] : memref<10240xf32, #tpu.memory_space<vmem>>, vector<10240xf32>
    %slice3A_11 = vector.extract_strided_slice %get3A_10 {offsets = [0], sizes = [10000], strides = [1]} : vector<10240xf32> to vector<10000xf32>
    %broadcast_in_dim3A = vector.shape_cast %slice3A_11 : vector<10000xf32> to vector<10000x1xf32>
    %mul3A = vector.broadcast %broadcast_in_dim3A : vector<10000x1xf32> to vector<10000x64xf32>
    %mul3A_12 = arith.mulf %slice3A, %mul3A : vector<10000x64xf32>
    %get3A_13 = arith.constant 0 : index
    %get3A_14 = vector.load %arg2[%get3A_13] : memref<64xf32, #tpu.memory_space<vmem>>, vector<64xf32>
    %broadcast_in_dim3A_15 = vector.shape_cast %get3A_14 : vector<64xf32> to vector<1x64xf32>
    %add3A_16 = vector.broadcast %broadcast_in_dim3A_15 : vector<1x64xf32> to vector<10000x64xf32>
    %add3A_17 = arith.addf %mul3A_12, %add3A_16 : vector<10000x64xf32>
    %get3A_18 = arith.constant 0 : index
    %get3A_19 = arith.constant 0 : index
    %get3A_20 = vector.load %arg3[%get3A_18, %get3A_19] : memref<64x32xf32, #tpu.memory_space<vmem>>, vector<64x32xf32>
    %dot_general3A = arith.constant dense<0.000000e+00> : vector<10000x32xf32>
    %dot_general3A_21 = tpu.matmul %add3A_17, %get3A_20, %dot_general3A {dimension_numbers = #tpu.dot_dimension_numbers<[1], [0], [0], [1], [0, 0, 1, 1], [], []>, transpose_lhs_hint = false} : vector<10000x64xf32>, vector<64x32xf32>, vector<10000x32xf32> -> vector<10000x32xf32>
    %mul3A_22 = vector.broadcast %broadcast_in_dim3A : vector<10000x1xf32> to vector<10000x32xf32>
    %mul3A_23 = arith.mulf %dot_general3A_21, %mul3A_22 : vector<10000x32xf32>
    %swap3A = arith.constant 0 : index
    %swap3A_24 = arith.constant 0 : index
    %swap3A_25 = vector.load %arg4[%swap3A, %swap3A_24] : memref<10000x32xf32, #tpu.memory_space<vmem>>, vector<10000x32xf32>
    tpu.vector_store %arg4[%swap3A, %swap3A_24], %mul3A_23 {strides = array<i32>} : memref<10000x32xf32, #tpu.memory_space<vmem>>, vector<10000x32xf32>,
    return
  }
}

module attributes {stable_mosaic.version = 14 : i64} {
  func.func @_tc3_body(%arg0: memref<2x10240x32xf32, #tpu.memory_space<vmem>>, %arg1: memref<10240xf32, #tpu.memory_space<vmem>>, %arg2: memref<32xf32, #tpu.memory_space<vmem>>, %arg3: memref<10000x32xf32, #tpu.memory_space<vmem>>) attributes {dimension_semantics = [], scalar_prefetch = 0 : i64, scratch_operands = 0 : i64, tpu.core_type = #tpu.core_type<tc>} {
    %get3A = arith.constant 0 : index
    %get3A_0 = arith.constant 0 : index
    %get3A_1 = arith.constant 0 : index
    %get3A_2 = vector.load %arg0[%get3A, %get3A_0, %get3A_1] : memref<2x10240x32xf32, #tpu.memory_space<vmem>>, vector<1x10240x32xf32>
    %get3A_3 = vector.shape_cast %get3A_2 : vector<1x10240x32xf32> to vector<10240x32xf32>
    %get3A_4 = arith.constant 1 : index
    %get3A_5 = arith.constant 0 : index
    %get3A_6 = arith.constant 0 : index
    %get3A_7 = vector.load %arg0[%get3A_4, %get3A_5, %get3A_6] : memref<2x10240x32xf32, #tpu.memory_space<vmem>>, vector<1x10240x32xf32>
    %get3A_8 = vector.shape_cast %get3A_7 : vector<1x10240x32xf32> to vector<10240x32xf32>
    %add3A = arith.addf %get3A_3, %get3A_8 : vector<10240x32xf32>
    %slice3A = vector.extract_strided_slice %add3A {offsets = [0, 0], sizes = [10000, 32], strides = [1, 1]} : vector<10240x32xf32> to vector<10000x32xf32>
    %get3A_9 = arith.constant 0 : index
    %get3A_10 = vector.load %arg1[%get3A_9] : memref<10240xf32, #tpu.memory_space<vmem>>, vector<10240xf32>
    %slice3A_11 = vector.extract_strided_slice %get3A_10 {offsets = [0], sizes = [10000], strides = [1]} : vector<10240xf32> to vector<10000xf32>
    %broadcast_in_dim3A = vector.shape_cast %slice3A_11 : vector<10000xf32> to vector<10000x1xf32>
    %mul3A = vector.broadcast %broadcast_in_dim3A : vector<10000x1xf32> to vector<10000x32xf32>
    %mul3A_12 = arith.mulf %slice3A, %mul3A : vector<10000x32xf32>
    %get3A_13 = arith.constant 0 : index
    %get3A_14 = vector.load %arg2[%get3A_13] : memref<32xf32, #tpu.memory_space<vmem>>, vector<32xf32>
    %broadcast_in_dim3A_15 = vector.shape_cast %get3A_14 : vector<32xf32> to vector<1x32xf32>
    %add3A_16 = vector.broadcast %broadcast_in_dim3A_15 : vector<1x32xf32> to vector<10000x32xf32>
    %add3A_17 = arith.addf %mul3A_12, %add3A_16 : vector<10000x32xf32>
    %swap3A = arith.constant 0 : index
    %swap3A_18 = arith.constant 0 : index
    %swap3A_19 = vector.load %arg3[%swap3A, %swap3A_18] : memref<10000x32xf32, #tpu.memory_space<vmem>>, vector<10000x32xf32>
    tpu.vector_store %arg3[%swap3A, %swap3A_18], %add3A_17 {strides = array<i32>} : memref<10000x32xf32, #tpu.memory_space<vmem>>, vector<10000x32xf32>,
    return
  }
}

</mosaic_0001>

<sc_bundles>
// kernel: kernel.11.cloned.1.call-start
scs
__scs_entry_jumppad:
0x0: {  	(pc) =	sbr.rel $0x88, $3  }
0x1: {  	(tag) =	ssettag $0x0;
	lr =	simm.s32 $0x1  }
0x2: {  	[smem:$0x3F9B] =	sst lr;
	_ =	strace $0xD0000000  }
0x3: {  	_ = 	snop  }
0x4: {  	_ = 	snop  }
0x5: {  	_ = 	snop  }
0x6: {  	_ = 	snop  }
0x7: {  	_ = 	snop  }
__scs_overlays_trampoline_lowered:
0x8: {  	[smem:$0x3FAA] =	sst s0  }
0x9: {  	[smem:$0x3FAB] =	sst s1  }
0xa: {  	[smem:$0x3FAC] =	sst s2  }
0xb: {  	[smem:$0x3FAD] =	sst s3  }
0xc: {  	[smem:$0x3FAE] =	sst s4  }
0xd: {  	[smem:$0x3FAF] =	sst s5  }
0xe: {  	[smem:$0x3FB0] =	sst s6  }
0xf: {  	[smem:$0x3FB1] =	sst s7  }
0x10: {  	[smem:$0x3FB2] =	sst s8  }
0x11: {  	[smem:$0x3FB3] =	sst s9;
	s0 =	simm.s32 @!p0 $0x0  }
0x12: {  	s1 =	sld [smem:$0x3F99];
	s0 =	simm.s32 @p0 $0x1  }
0x13: {  	[smem:$0x3FB4] =	sst s0;
	s0 =	simm.s32 @!p1 $0x0  }
0x14: {  	s2 =	sld [smem:$0x3F98];
	s0 =	simm.s32 @p1 $0x1  }
0x15: {  	[smem:$0x3FB5] =	sst s0;
	s0 =	simm.s32 @!p2 $0x0  }
0x16: {  	s3 =	sld [smem:$0x3FDB];
	s0 =	simm.s32 @p2 $0x1  }
0x17: {  	s4 =	simm.s32 $0x1BF5;
	[smem:$0x3FB7] =	sst s0  }
0x18: {  	s0 =	sld [smem:$0x3F9A];
	_ =	swait.ge [sflag:s4], $0x0  }
0x19: {  	s7 =	sld [smem:$0x3F9B]  }
0x1a: {  	s8 =	sadd.s32 $0xFFFFE003, lr  }
0x1b: {  	s9 =	sadd.s32 $0xFFFFFEF7, lr;
	s5 =	simm.s32 $0xFFFFFFFF;
	p2 =	slt.u32 s8, $0xFFFFF086  }
0x1c: {  	p1 =	slt.u32 s9, $0xF7A;
	s5 =	simm.s32 @!p2 $0x0  }
0x1d: {  	s5 =	simm.s32 @p1 $0x1;
	p0 =	seq.s32 s7, s2  }
0x1e: {  	s7 =	smul.u32 @!p0 $0xF7A, s2;
	p2 =	seq.s32 @!p0 s5, $0x0  }
0x1f: {  	s9 =	smul.u32 $0xF7A, s1;
	s8 =	simm.s32 @!p0 $0x1BF5;
	p2 =	por !p2, p0  }
0x20: {  	[sflag:s8] =	ssyncset.s32 @!p0 $0xFFFFF086;
	s6 =	sadd.s32 @!p0 s3, s7;
	s7 =	simm.s32 @!p0 $0x108  }
0x21: {  	s3 =	sadd.s32 s3, s9;
	s6 =	sadd.s32 @!p0 $0x88, s6;
	s7 =	simm.s32 @p2 $0x1082  }
0x22: {  	[simem:s7], [sflag:s8] =	dma.local @!p0 [hbm:s6], $0xF7A  }
0x23: {  	s9 =	sor.u32 $0xD0000000, s2;
	s6 =	simm.s32 $0x108;
	_ =	swait.ge @!p0 [sflag:s8], $0x0  }
0x24: {  	s3 =	sadd.s32 $0x88, s3;
	s6 =	simm.s32 @!p1 $0x1082;
	[sflag:s4] =	ssyncset.s32 $0xFFFFF086  }
0x25: {  	[simem:s6], [sflag:s4] =	dma.local [hbm:s3], $0xF7A  }
0x26: {  	[smem:$0x3F9B] =	sst s1;
	(tag) =	ssettag s2;
	_ =	strace s9  }
0x27: {  	s1 =	sld [smem:$0x3FAB]  }
0x28: {  	s2 =	sld [smem:$0x3FAC]  }
0x29: {  	s4 =	sld [smem:$0x3FAE]  }
0x2a: {  	p0 =	seq.s32 s5, $0x0;
	s5 =	sld [smem:$0x3FAF]  }
0x2b: {  	s6 =	sld [smem:$0x3FB0]  }
0x2c: {  	s7 =	sld [smem:$0x3FB1]  }
0x2d: {  	s3 =	simm.s32 $0x108;
	s8 =	sld [smem:$0x3FB2]  }
0x2e: {  	s3 =	simm.s32 @!p0 $0x1082;
	s9 =	sld [smem:$0x3FB3]  }
0x2f: {  	lr =	sadd.s32 s0, s3;
	s0 =	sld [smem:$0x3FAA]  }
0x30: {  	s3 =	sld [smem:$0x3FAD]  }
0x31: {  	[smem:$0x3FB6] =	sst s10  }
0x32: {  	s10 =	sld [smem:$0x3FB4];
	_ =	sdelay $0x3  }
0x33: {  	p0 =	seq.s32 s10, $0x1;
	s10 =	sld [smem:$0x3FB6];
	_ =	sdelay $0x3  }
0x34: {  	[smem:$0x3FB6] =	sst s10  }
0x35: {  	s10 =	sld [smem:$0x3FB5];
	_ =	sdelay $0x3  }
0x36: {  	p1 =	seq.s32 s10, $0x1;
	s10 =	sld [smem:$0x3FB6];
	_ =	sdelay $0x3  }
0x37: {  	[smem:$0x3FB6] =	sst s10  }
0x38: {  	s10 =	sld [smem:$0x3FB7]  }
0x39: {  	_ = 	snop;
	(pc) =	sbr.ind lr, $3  }
0x3a: {  	_ = 	snop  }
0x3b: {  	_ = 	snop  }
0x3c: {  	p2 =	seq.s32 s10, $0x1;
	s10 =	sld [smem:$0x3FB6]  }
0x3d: {  	_ =	shalt  }
0x3e: {  	_ =	shalt  }
0x3f: {  	_ =	shalt  }
0x40: {  	_ =	shalt  }
0x41: {  	_ =	shalt  }
0x42: {  	_ =	shalt  }
0x43: {  	_ =	shalt  }
0x44: {  	_ =	shalt  }
0x45: {  	_ =	shalt  }
0x46: {  	_ =	shalt  }
0x47: {  	_ =	shalt  }
0x48: {  	_ =	shalt  }
0x49: {  	_ =	shalt  }
0x4a: {  	_ =	shalt  }
0x4b: {  	_ =	shalt  }
0x4c: {  	_ =	shalt  }
0x4d: {  	_ =	shalt  }
0x4e: {  	_ =	shalt  }
0x4f: {  	_ =	shalt  }
0x50: {  	_ =	shalt  }
0x51: {  	_ =	shalt  }
0x52: {  	_ =	shalt  }
0x53: {  	_ =	shalt  }
0x54: {  	_ =	shalt  }
0x55: {  	_ =	shalt  }
0x56: {  	_ =	shalt  }
0x57: {  	_ =	shalt  }
0x58: {  	_ =	shalt  }
0x59: {  	_ =	shalt  }
0x5a: {  	_ =	shalt  }
0x5b: {  	_ =	shalt  }
0x5c: {  	_ =	shalt  }
0x5d: {  	_ =	shalt  }
0x5e: {  	_ =	shalt  }
0x5f: {  	_ =	shalt  }
0x60: {  	_ =	shalt  }
0x61: {  	_ =	shalt  }
0x62: {  	_ =	shalt  }
0x63: {  	_ =	shalt  }
0x64: {  	_ =	shalt  }
0x65: {  	_ =	shalt  }
0x66: {  	_ =	shalt  }
0x67: {  	_ =	shalt  }
0x68: {  	_ =	shalt  }
0x69: {  	_ =	shalt  }
0x6a: {  	_ =	shalt  }
0x6b: {  	_ =	shalt  }
0x6c: {  	_ =	shalt  }
0x6d: {  	_ =	shalt  }
0x6e: {  	_ =	shalt  }
0x6f: {  	_ =	shalt  }
0x70: {  	_ =	shalt  }
0x71: {  	_ =	shalt  }
0x72: {  	_ =	shalt  }
0x73: {  	_ =	shalt  }
0x74: {  	_ =	shalt  }
0x75: {  	_ =	shalt  }
0x76: {  	_ =	shalt  }
0x77: {  	_ =	shalt  }
0x78: {  	_ =	shalt  }
0x79: {  	_ =	shalt  }
0x7a: {  	_ =	shalt  }
0x7b: {  	_ =	shalt  }
0x7c: {  	_ =	shalt  }
0x7d: {  	_ =	shalt  }
0x7e: {  	_ =	shalt  }
0x7f: {  	_ =	shalt  }
0x80: {  	_ =	shalt  }
0x81: {  	_ =	shalt  }
0x82: {  	_ =	shalt  }
0x83: {  	_ =	shalt  }
0x84: {  	_ =	shalt  }
0x85: {  	_ =	shalt  }
0x86: {  	_ =	shalt  }
0x87: {  	_ =	shalt  }
.Lfunc_end0:
.L_simem_size_0:
called_computation.1_lowered:
.L_overlay_start_0:
0x88: {  	s2 =	sld [smem:$0x3FD9]  }
0x89: {  	s3 =	sld [smem:$0x3FFE];
	_ =	sdelay $0x1  }
0x8a: {  	s1 =	srdreg.scid  }
0x8b: {  	s0 =	sand.u32 $0x1, s1  }
0x8c: {  	s17 =	sshll.u32 s0, $0xA;
	s2 =	sadd.s32 s3, s2  }
0x8d: {  	s2 =	sadd.s32 s2, s17  }
0x8e: {  	[smem:$0x3FC2] =	sst s2  }
0x8f: {  	_ = 	snop  }
0x90: {  	s2 =	sld [smem:$0x3FD0];
	(tm) =	ssettm $0x1  }
0x91: {  	s18 =	sld [smem:$0x3FFB];
	_ =	sdelay $0x3  }
0x92: {  	_ =	strace s18  }
0x93: {  	s3 =	sld [smem:$0x3FFC];
	_ =	sdelay $0x3  }
0x94: {  	_ =	strace s3  }
0x95: {  	s3 =	sld [smem:$0x3FFD];
	_ =	sdelay $0x3  }
0x96: {  	_ =	strace s3  }
0x97: {  	_ =	strace $0x8FFFFFFF  }
0x98: {  	s19 =	sld [smem:$0x3FDB];
	_ =	sdelay $0x1  }
0x99: {  	s4 =	simm.s32 $_scs_section_size  }
0x9a: {  	s5 =	simm.s32 $_size__tile_overlayer_lowered;
	s6 =	simm.s32 $_tile_overlayer_lowered  }
0x9b: {  	s22 =	simm.s32 $0x1BFF;
	s21 =	sshll.u32 s6, $0x1;
	s3 =	sadd.s32 s4, s19  }
0x9c: {  	s7 =	simm.s32 $0x0;
	s20 =	sshll.u32 s5, $0x1;
	s5 =	sadd.s32 s21, s3  }
0x9d: {  	[timem:s7], [sflag:s22] =	dma.local [hbm:s5], s20  }
0x9e: {  	_ =	swait.ge [sflag:s22], s20  }
0x9f: {  	s4 =	ssub.s32 $0x0, s20;
	[sflag:s22] =	ssyncset.done $0x0  }
0xa0: {  	[sflag:s22] =	ssyncadd.s32 s4;
	_ =	sdelay $0x1  }
0xa1: {  	s23 =	simm.s32 $0x1B8B  }
0xa2: {  	_ =	swait.ge [sflag:s23], $0x1  }
0xa3: {  	[sflag:s23] =	ssyncset.done $0x0  }
0xa4: {  	s25 =	simm.s32 $0x1B8E;
	s24 =	sld [smem:$0x3FFE];
	[sflag:s23] =	ssyncadd.s32 $0xFFFFFFFF  }
0xa5: {  	s26 =	simm.s32 $execute0_lowered;
	[smem:$0x3FD2] =	sst s25  }
0xa6: {  	s5 =	sshll.u32 s26, $0x1;
	_ =	strace $0x80000049;
	[dreg:$0x1] =	wrdreg $0xFFFFFFFF  }
0xa7: {  	s28 =	simm.s32 $_size_execute0_lowered;
	s3 =	sadd.s32 s3, s5;
	[dreg:$0x0] =	wrdreg $0x0  }
0xa8: {  	s5 =	sshll.u32 s28, $0x1;
	[dreg:$0x2] =	wrdreg s3  }
0xa9: {  	[dreg:$0x3] =	wrdreg s5  }
0xaa: {  	[dreg:$0x4] =	wrdreg $0xC0  }
0xab: {  	_ =	task [dreg:s7], $0x5FFFF  }
0xac: {  	[dreg:$0x1] =	wrdreg $0xFFFFFFFF  }
0xad: {  	[dreg:$0x0] =	wrdreg $0x60  }
0xae: {  	[dreg:$0x2] =	wrdreg s24  }
0xaf: {  	[dreg:$0x3] =	wrdreg s2  }
0xb0: {  	[dreg:$0x4] =	wrdreg $0xB1000  }
0xb1: {  	[dreg:$0x5] =	wrdreg $0x9  }
0xb2: {  	_ =	task.clear_ibuf [dreg:s7], $0x6FFFF;
	_ =	strace $0x90000049  }
0xb3: {  	s29 =	simm.s32 $0x9;
	_ =	strace $0x8000004B  }
0xb4: {  	_ =	swait.ge [sflag:s29], $0x1  }
0xb5: {  	[sflag:s29] =	ssyncadd.s32 $0xFFFFFFFF  }
0xb6: {  	_ =	strace $0x9000004B  }
0xb7: {  	_ =	sfence  }
0xb8: {  	s30 =	sld [smem:$0x0];
	_ =	sdelay $0x2  }
0xb9: {  	s31 =	sshll.u32 s1, $0xD;
	s1 =	sshrl.u32 s1, $0x2  }
0xba: {  	s3 =	sand.u32 $0x4000, s31;
	s1 =	sadd.s32 s1, s30  }
0xbb: {  	s0 =	sor.u32 s3, s0;
	s1 =	sshll.u32 s1, $0x11  }
0xbc: {  	s0 =	sor.u32 s1, s0  }
0xbd: {  	s0 =	sadd.s32 $0x8F2B, s0  }
0xbe: {  	[sflag:s0] =	ssyncadd.remote.s32 $0x1  }
0xbf: {  	_ =	sfence.sel $0xFFFF  }
0xc0: {  	[dreg:$0x0] =	wrdreg $0xFFFFFFFF;
	(pc) =	sbr.abs _section_cstart, $3  }
0xc1: {  	[dreg:$0x1] =	wrdreg $0xFFFFFFFF  }
0xc2: {  	_ =	task.clear_ibuf [dreg:s7], $0x2FFFF;
	_ =	strace $0x9FFFFFFF  }
0xc3: {  	(tm) =	ssettm $0x7FFFFFFF  }
tec
execute0_lowered:
.L_overlay_start_1:
0x0: {  	(tag) =	ssettag $0x1  }
0x1: {  	s0 =	rddreg [dreg:$0x0]  }
0x2: {  	s3 =	rddreg [dreg:$0x2];
	s1 =	srdreg.scid  }
0x3: {  	s8 =	stileid.u32;
	s4 =	simm.s32 $0x0;
	s17 =	simm.s32 $0x80  }
0x4: {  	s18 =	simm.s32 $0x7100;
	s25 =	simm.s32 $0x9100;
	s28 =	simm.s32 $0x2  }
0x5: {  	s29 =	simm.s32 $0x3;
	s30 =	simm.s32 $0x4F80;
	s31 =	simm.s32 $0x5000  }
0x6: {  	s1 =	sand.u32 $0x1, s1;
	s2 =	sshll.u32 s8, $0x1;
	[smem:$0x7FF] =	sst s4  }
0x7: {  	s5 =	sadd.s32 $0x1FA00, s0;
	s13 =	smul.u32 $0xA000, s8;
	s2 =	sor.u32 s1, s2  }
0x8: {  	_ =	strace $0x8000004A;
	s6 =	smul.u32 $0x14000, s1;
	s1 =	ssub.s32 $0x2, s1  }
0x9: {  	s2 =	smul.u32 $0x510, s2;
	s7 =	sshrl.u32 s1, $0x1;
	s8 =	sadd.s32 s13, s3  }
0xa: {  	s26 =	sadd.s32 $0x2000, s13;
	s14 =	sadd.s32 $0x4000, s13;
	s15 =	sadd.s32 $0x6000, s13  }
0xb: {  	s16 =	sadd.s32 $0x8000, s13;
	s20 =	sshrl.u32 s13, $0x3;
	s1 =	ssub.s32 s1, s7  }
0xc: {  	s9 =	sadd.s32 s26, s3;
	s10 =	sadd.s32 s14, s3;
	s11 =	sadd.s32 s15, s3  }
0xd: {  	s12 =	sadd.s32 s16, s3;
	s22 =	sshrl.u32 s14, $0x3;
	s15 =	sshrl.u32 s15, $0x3  }
0xe: {  	s24 =	sshrl.u32 s16, $0x3;
	s14 =	simm.s32 $0x4;
	s16 =	simm.s32 $0x5100  }
0xf: {  	s2 =	sadd.s32 s2, s0;
	s0 =	sadd.s32 s6, s0;
	s13 =	smax.u32 s1, $0x1  }
0x10: {  	s1 =	simm.s32 $0x0;
	s6 =	sadd.s32 $0x15800, s2;
	s7 =	sadd.s32 $0x1600, s2  }
0x11: {  	s0 =	sadd.s32 $0x33400, s0;
	s2 =	sshrl.u32 s26, $0x3;
	s26 =	simm.s32 $0x1  }
0x12: {  	s20 =	sadd.s32 s20, s0;
	s21 =	sadd.s32 s2, s0;
	s22 =	sadd.s32 s22, s0  }
0x13: {  	s23 =	sadd.s32 s15, s0;
	s24 =	sadd.s32 s24, s0;
	s0 =	simm.s32 $0x5080  }
.LBB2_1:
0x14: {  	[tilespmem:s4], [sflag:$0x4] =	stream.linear.gather [hbm4b:s6+s4], $0x2880, $0x38;
	[tilespmem:$0x15100] =	vst v63  }
0x15: {  	_ =	swait.ge [sflag:s14], $0x2880  }
0x16: {  	[sflag:s14] =	ssyncset.done $0x0  }
0x17: {  	s2 =	simm.s32 $0x2880;
	[sflag:s14] =	ssyncadd.s32 $0xFFFFD780  }
0x18: {  	[tilespmem:s2], [sflag:$0x4] =	stream.linear.gather [hbm4b:s7+s4], $0x2880, $0x38;
	[tilespmem:$0x15100] =	vst v63  }
0x19: {  	_ =	swait.ge [sflag:s14], $0x2880  }
0x1a: {  	[sflag:s14] =	ssyncset.done $0x0  }
0x1b: {  	[sflag:s14] =	ssyncadd.s32 $0xFFFFD780  }
0x1c: {  	s19 =	rddreg [dreg:$0x1]  }
0x1d: {  	[tilespmem:s16], [sflag:$0x4] =	stream.linear.gather [hbm4b:s19+s4], $0x2000, $0x38;
	[tilespmem:$0x15100] =	vst v63  }
0x1e: {  	_ =	swait.ge [sflag:s14], $0x2000  }
0x1f: {  	[sflag:s14] =	ssyncset.done $0x0  }
0x20: {  	[sflag:s14] =	ssyncadd.s32 $0xFFFFE000  }
0x21: {  	[spmem:s8] =	stream.linear.scatter [tilespmem:s16], [sflag:$0x4], $0x2000, $0x38;
	[tilespmem:$0x15100] =	vst v63  }
0x22: {  	_ =	swait.ge [sflag:s14], $0x2000  }
0x23: {  	[sflag:s14] =	ssyncset.done $0x0  }
0x24: {  	[sflag:s14] =	ssyncadd.s32 $0xFFFFE000  }
0x25: {  	[spmem:s9] =	stream.linear.scatter [tilespmem:s16], [sflag:$0x4], $0x2000, $0x38;
	[tilespmem:$0x15100] =	vst v63  }
0x26: {  	_ =	swait.ge [sflag:s14], $0x2000  }
0x27: {  	[sflag:s14] =	ssyncset.done $0x0  }
0x28: {  	[sflag:s14] =	ssyncadd.s32 $0xFFFFE000  }
0x29: {  	[spmem:s10] =	stream.linear.scatter [tilespmem:s16], [sflag:$0x4], $0x2000, $0x38;
	[tilespmem:$0x15100] =	vst v63  }
0x2a: {  	_ =	swait.ge [sflag:s14], $0x2000  }
0x2b: {  	[sflag:s14] =	ssyncset.done $0x0  }
0x2c: {  	[sflag:s14] =	ssyncadd.s32 $0xFFFFE000  }
0x2d: {  	[spmem:s11] =	stream.linear.scatter [tilespmem:s16], [sflag:$0x4], $0x2000, $0x38;
	[tilespmem:$0x15100] =	vst v63  }
0x2e: {  	_ =	swait.ge [sflag:s14], $0x2000  }
0x2f: {  	[sflag:s14] =	ssyncset.done $0x0  }
0x30: {  	[sflag:s14] =	ssyncadd.s32 $0xFFFFE000  }
0x31: {  	[spmem:s12] =	stream.linear.scatter [tilespmem:s16], [sflag:$0x4], $0x2000, $0x38;
	[tilespmem:$0x15100] =	vst v63  }
0x32: {  	_ =	swait.ge [sflag:s14], $0x2000  }
0x33: {  	[sflag:s14] =	ssyncset.done $0x0  }
0x34: {  	[sflag:s14] =	ssyncadd.s32 $0xFFFFE000  }
0x35: {  	[bflag:$0x0] =	sbarrier.arrive $0xFFFF  }
0x36: {  	[tilespmem:s16], [sflag:$0x1] =	stream.indirect.gather [hbm4b:s5+s17], $0x40, s4, s17, $0xb8;
	[tilespmem:$0x15100] =	vst v63  }
0x37: {  	_ = 	snop  }
0x38: {  	[tilespmem:s18], [sflag:$0x2] =	stream.indirect.gather [hbm4b:s5+s17], $0x40, s17, s17, $0xb8;
	[tilespmem:$0x15100] =	vst v63  }
0x39: {  	s15 =	simm.s32 $0x100  }
0x3a: {  	[tilespmem:s25], [sflag:$0x3] =	stream.indirect.gather [hbm4b:s5+s17], $0x40, s15, s17, $0xb8;
	[tilespmem:$0x15100] =	vst v63  }
0x3b: {  	_ =	swait.ge [sflag:s26], $0x2000  }
0x3c: {  	[sflag:s26] =	ssyncset.done $0x0  }
0x3d: {  	s19 =	simm.s32 $0x2880;
	[sflag:s26] =	ssyncadd.s32 $0xFFFFE000  }
0x3e: {  	[spmem:s3] =	stream.indirect.scatter.add.f32 [tilespmem:s16], [sflag:$0x4], $0x40, s19, s17, $0xb8;
	[tilespmem:$0x15100] =	vst v63  }
0x3f: {  	_ =	swait.ge [sflag:s14], $0x2000  }
0x40: {  	[sflag:s14] =	ssyncset.done $0x0  }
0x41: {  	s15 =	simm.s32 $0x180;
	[sflag:s14] =	ssyncadd.s32 $0xFFFFE000  }
0x42: {  	[tilespmem:s16], [sflag:$0x1] =	stream.indirect.gather [hbm4b:s5+s17], $0x40, s15, s17, $0xb8;
	[tilespmem:$0x15100] =	vst v63  }
0x43: {  	_ =	swait.ge [sflag:s28], $0x2000  }
0x44: {  	[sflag:s28] =	ssyncset.done $0x0  }
0x45: {  	s19 =	simm.s32 $0x2900;
	[sflag:s28] =	ssyncadd.s32 $0xFFFFE000  }
0x46: {  	[spmem:s3] =	stream.indirect.scatter.add.f32 [tilespmem:s18], [sflag:$0x4], $0x40, s19, s17, $0xb8;
	[tilespmem:$0x15100] =	vst v63  }
0x47: {  	_ =	swait.ge [sflag:s14], $0x2000  }
0x48: {  	[sflag:s14] =	ssyncset.done $0x0  }
0x49: {  	s15 =	simm.s32 $0x200;
	[sflag:s14] =	ssyncadd.s32 $0xFFFFE000  }
0x4a: {  	[tilespmem:s18], [sflag:$0x2] =	stream.indirect.gather [hbm4b:s5+s17], $0x40, s15, s17, $0xb8;
	[tilespmem:$0x15100] =	vst v63  }
0x4b: {  	_ =	swait.ge [sflag:s29], $0x2000  }
0x4c: {  	[sflag:s29] =	ssyncset.done $0x0  }
0x4d: {  	s19 =	simm.s32 $0x2980;
	[sflag:s29] =	ssyncadd.s32 $0xFFFFE000  }
0x4e: {  	[spmem:s3] =	stream.indirect.scatter.add.f32 [tilespmem:s25], [sflag:$0x4], $0x40, s19, s17, $0xb8;
	[tilespmem:$0x15100] =	vst v63  }
0x4f: {  	_ =	swait.ge [sflag:s14], $0x2000  }
0x50: {  	[sflag:s14] =	ssyncset.done $0x0  }
0x51: {  	s2 =	simm.s32 $0x600;
	s15 =	simm.s32 $0x280;
	[sflag:s14] =	ssyncadd.s32 $0xFFFFE000  }
.LBB2_2:
0x52: {  	[tilespmem:s25], [sflag:$0x3] =	stream.indirect.gather [hbm4b:s5+s17], $0x40, s15, s17, $0xb8;
	[tilespmem:$0x15100] =	vst v63  }
0x53: {  	s15 =	smov.u32 s2  }
0x54: {  	p0 =	sne.s32 s2, $0x9600;
	s2 =	sadd.s32 $0x600, s2;
	_ =	swait.ge [sflag:s26], $0x2000  }
0x55: {  	s15 =	sshra.s32 s15, $0x2;
	[sflag:s26] =	ssyncset.done $0x0  }
0x56: {  	s19 =	sadd.s32 $0x2880, s15;
	[sflag:s26] =	ssyncadd.s32 $0xFFFFE000  }
0x57: {  	[spmem:s3] =	stream.indirect.scatter.add.f32 [tilespmem:s16], [sflag:$0x4], $0x40, s19, s17, $0xb8;
	[tilespmem:$0x15100] =	vst v63  }
0x58: {  	_ =	swait.ge [sflag:s14], $0x2000  }
0x59: {  	[sflag:s14] =	ssyncset.done $0x0  }
0x5a: {  	s19 =	sadd.s32 $0x180, s15;
	[sflag:s14] =	ssyncadd.s32 $0xFFFFE000  }
0x5b: {  	[tilespmem:s16], [sflag:$0x1] =	stream.indirect.gather [hbm4b:s5+s17], $0x40, s19, s17, $0xb8;
	[tilespmem:$0x15100] =	vst v63  }
0x5c: {  	_ =	swait.ge [sflag:s28], $0x2000  }
0x5d: {  	[sflag:s28] =	ssyncset.done $0x0  }
0x5e: {  	s19 =	sadd.s32 $0x2900, s15;
	[sflag:s28] =	ssyncadd.s32 $0xFFFFE000  }
0x5f: {  	[spmem:s3] =	stream.indirect.scatter.add.f32 [tilespmem:s18], [sflag:$0x4], $0x40, s19, s17, $0xb8;
	[tilespmem:$0x15100] =	vst v63  }
0x60: {  	_ =	swait.ge [sflag:s14], $0x2000  }
0x61: {  	[sflag:s14] =	ssyncset.done $0x0  }
0x62: {  	s19 =	sadd.s32 $0x200, s15;
	[sflag:s14] =	ssyncadd.s32 $0xFFFFE000  }
0x63: {  	[tilespmem:s18], [sflag:$0x2] =	stream.indirect.gather [hbm4b:s5+s17], $0x40, s19, s17, $0xb8;
	[tilespmem:$0x15100] =	vst v63  }
0x64: {  	_ =	swait.ge [sflag:s29], $0x2000  }
0x65: {  	[sflag:s29] =	ssyncset.done $0x0  }
.Ltmp0:
0x66: {  	s19 =	sadd.s32 $0x2980, s15;
	[sflag:s29] =	ssyncadd.s32 $0xFFFFE000;
	(pc) =	sbr.rel @p0 .LBB2_2-.Ltmp0, $4  }
0x67: {  	[spmem:s3] =	stream.indirect.scatter.add.f32 [tilespmem:s25], [sflag:$0x4], $0x40, s19, s17, $0xb8;
	[tilespmem:$0x15100] =	vst v63  }
0x68: {  	_ =	swait.ge [sflag:s14], $0x2000  }
0x69: {  	[sflag:s14] =	ssyncset.done $0x0  }
0x6a: {  	s15 =	sadd.s32 $0x280, s15;
	[sflag:s14] =	ssyncadd.s32 $0xFFFFE000  }
0x6b: {  	[tilespmem:s25], [sflag:$0x3] =	stream.indirect.gather [hbm4b:s5+s17], $0x40, s15, s17, $0xb8;
	[tilespmem:$0x15100] =	vst v63  }
0x6c: {  	_ =	swait.ge [sflag:s26], $0x2000  }
0x6d: {  	[sflag:s26] =	ssyncset.done $0x0  }
0x6e: {  	[sflag:s26] =	ssyncadd.s32 $0xFFFFE000  }
0x6f: {  	[spmem:s3] =	stream.indirect.scatter.add.f32 [tilespmem:s16], [sflag:$0x4], $0x40, s30, s17, $0xb8;
	[tilespmem:$0x15100] =	vst v63  }
0x70: {  	_ =	swait.ge [sflag:s14], $0x2000  }
0x71: {  	[sflag:s14] =	ssyncset.done $0x0  }
0x72: {  	[sflag:s14] =	ssyncadd.s32 $0xFFFFE000  }
0x73: {  	_ =	swait.ge [sflag:s28], $0x2000  }
0x74: {  	[sflag:s28] =	ssyncset.done $0x0  }
0x75: {  	[sflag:s28] =	ssyncadd.s32 $0xFFFFE000  }
0x76: {  	[spmem:s3] =	stream.indirect.scatter.add.f32 [tilespmem:s18], [sflag:$0x4], $0x40, s31, s17, $0xb8;
	[tilespmem:$0x15100] =	vst v63  }
0x77: {  	_ =	swait.ge [sflag:s14], $0x2000  }
0x78: {  	[sflag:s14] =	ssyncset.done $0x0  }
0x79: {  	[sflag:s14] =	ssyncadd.s32 $0xFFFFE000  }
0x7a: {  	_ =	swait.ge [sflag:s29], $0x2000  }
0x7b: {  	[sflag:s29] =	ssyncset.done $0x0  }
0x7c: {  	[sflag:s29] =	ssyncadd.s32 $0xFFFFE000  }
0x7d: {  	[spmem:s3] =	stream.indirect.scatter.add.f32 [tilespmem:s25], [sflag:$0x4], $0x40, s0, s17, $0xb8;
	[tilespmem:$0x15100] =	vst v63  }
0x7e: {  	_ =	swait.ge [sflag:s14], $0x2000  }
0x7f: {  	[sflag:s14] =	ssyncset.done $0x0  }
0x80: {  	[sflag:s14] =	ssyncadd.s32 $0xFFFFE000  }
0x81: {  	[bflag:$0x0] =	sbarrier.arrive $0xFFFF  }
0x82: {  	[tilespmem:s16], [sflag:$0x4] =	stream.linear.gather [spmem:s8], $0x2000, $0x38;
	[tilespmem:$0x15100] =	vst v63  }
0x83: {  	_ =	swait.ge [sflag:s14], $0x2000  }
0x84: {  	[sflag:s14] =	ssyncset.done $0x0  }
0x85: {  	[sflag:s14] =	ssyncadd.s32 $0xFFFFE000  }
0x86: {  	[hbm4b:s20+s4] =	stream.linear.scatter [tilespmem:s16], [sflag:$0x4], $0x2000, $0x38;
	[tilespmem:$0x15100] =	vst v63  }
0x87: {  	_ =	swait.ge [sflag:s14], $0x2000  }
0x88: {  	[sflag:s14] =	ssyncset.done $0x0  }
0x89: {  	[sflag:s14] =	ssyncadd.s32 $0xFFFFE000  }
0x8a: {  	[tilespmem:s16], [sflag:$0x4] =	stream.linear.gather [spmem:s9], $0x2000, $0x38;
	[tilespmem:$0x15100] =	vst v63  }
0x8b: {  	_ =	swait.ge [sflag:s14], $0x2000  }
0x8c: {  	[sflag:s14] =	ssyncset.done $0x0  }
0x8d: {  	[sflag:s14] =	ssyncadd.s32 $0xFFFFE000  }
0x8e: {  	[hbm4b:s21+s4] =	stream.linear.scatter [tilespmem:s16], [sflag:$0x4], $0x2000, $0x38;
	[tilespmem:$0x15100] =	vst v63  }
0x8f: {  	_ =	swait.ge [sflag:s14], $0x2000  }
0x90: {  	[sflag:s14] =	ssyncset.done $0x0  }
0x91: {  	[sflag:s14] =	ssyncadd.s32 $0xFFFFE000  }
0x92: {  	[tilespmem:s16], [sflag:$0x4] =	stream.linear.gather [spmem:s10], $0x2000, $0x38;
	[tilespmem:$0x15100] =	vst v63  }
0x93: {  	_ =	swait.ge [sflag:s14], $0x2000  }
0x94: {  	[sflag:s14] =	ssyncset.done $0x0  }
0x95: {  	[sflag:s14] =	ssyncadd.s32 $0xFFFFE000  }
0x96: {  	[hbm4b:s22+s4] =	stream.linear.scatter [tilespmem:s16], [sflag:$0x4], $0x2000, $0x38;
	[tilespmem:$0x15100] =	vst v63  }
0x97: {  	_ =	swait.ge [sflag:s14], $0x2000  }
0x98: {  	[sflag:s14] =	ssyncset.done $0x0  }
0x99: {  	[sflag:s14] =	ssyncadd.s32 $0xFFFFE000  }
0x9a: {  	[tilespmem:s16], [sflag:$0x4] =	stream.linear.gather [spmem:s11], $0x2000, $0x38;
	[tilespmem:$0x15100] =	vst v63  }
0x9b: {  	_ =	swait.ge [sflag:s14], $0x2000  }
0x9c: {  	[sflag:s14] =	ssyncset.done $0x0  }
0x9d: {  	[sflag:s14] =	ssyncadd.s32 $0xFFFFE000  }
0x9e: {  	[hbm4b:s23+s4] =	stream.linear.scatter [tilespmem:s16], [sflag:$0x4], $0x2000, $0x38;
	[tilespmem:$0x15100] =	vst v63  }
0x9f: {  	_ =	swait.ge [sflag:s14], $0x2000  }
0xa0: {  	[sflag:s14] =	ssyncset.done $0x0  }
0xa1: {  	[sflag:s14] =	ssyncadd.s32 $0xFFFFE000  }
0xa2: {  	[tilespmem:s16], [sflag:$0x4] =	stream.linear.gather [spmem:s12], $0x2000, $0x38;
	[tilespmem:$0x15100] =	vst v63  }
0xa3: {  	s1 =	sadd.s32 $0x1, s1;
	_ =	swait.ge [sflag:s14], $0x2000  }
0xa4: {  	p0 =	sne.s32 s1, s13;
	[sflag:s14] =	ssyncset.done $0x0  }
.Ltmp1:
0xa5: {  	[sflag:s14] =	ssyncadd.s32 $0xFFFFE000;
	(pc) =	sbr.rel @p0 .LBB2_1-.Ltmp1, $4  }
0xa6: {  	[hbm4b:s24+s4] =	stream.linear.scatter [tilespmem:s16], [sflag:$0x4], $0x2000, $0x38;
	[tilespmem:$0x15100] =	vst v63  }
0xa7: {  	_ =	swait.ge [sflag:s14], $0x2000  }
0xa8: {  	[sflag:s14] =	ssyncset.done $0x0  }
0xa9: {  	[sflag:s14] =	ssyncadd.s32 $0xFFFFE000  }
0xaa: {  	_ =	sfence.sel $0x180000  }
0xab: {  	[bflag:$0x0] =	sbarrier.arrive $0xFFFF  }
0xac: {  	_ =	strace $0x9000004A  }
0xad: {  	s0 =	stileid.u32;
	[bflag:$0x2] =	sbarrier.arrive $0xFFFF  }
0xae: {  	p0 =	sne.s32 s0, $0x0;
	s0 =	rddreg [dreg:$0x3]  }
0xaf: {  	s0 =	sadd.s32 @!p0 $0x100000, s0  }
0xb0: {  	[sflag:s0] =	ssyncadd.tile.s32 @!p0 $0x1;
	_ =	shalt  }
.Lfunc_end2:
_tile_overlayer_lowered:
.L_overlay_start_2:
0xb1: {  	(tag) =	ssettag $0x2  }
0xb2: {  	s0 =	rddreg [dreg:$0x0];
	s2 =	stileid.u32  }
0xb3: {  	s1 =	rddreg [dreg:$0x1];
	p0 =	sne.s32 s2, $0x0  }
0xb4: {  	s3 =	rddreg [dreg:$0x2];
	[bflag:$0x3] =	sbarrier.arrive $0xFFFF;
	s2 =	simm.s32 @!p0 $0x1C04  }
0xb5: {  	[timem:s3], [sflag:s2] =	dma.local @!p0 [hbm:s0], s1  }
0xb6: {  	s0 =	simm.s32 @!p0 $0x4  }
0xb7: {  	_ =	swait.ge @!p0 [sflag:s0], s1  }
0xb8: {  	s1 =	ssub.s32 @!p0 $0x0, s1;
	[sflag:s0] =	ssyncset.done @!p0 $0x0  }
0xb9: {  	[sflag:s0] =	ssyncadd.s32 @!p0 s1  }
0xba: {  	[bflag:$0x3] =	sbarrier.arrive $0xFFFF  }
0xbb: {  	_ =	shalt  }

// kernel: kernel.14.cloned.1.call-start
scs
__scs_entry_jumppad:
0x0: {  	(pc) =	sbr.rel $0x88, $3  }
0x1: {  	(tag) =	ssettag $0x0;
	lr =	simm.s32 $0x1  }
0x2: {  	[smem:$0x3F9B] =	sst lr;
	_ =	strace $0xD0000000  }
0x3: {  	_ = 	snop  }
0x4: {  	_ = 	snop  }
0x5: {  	_ = 	snop  }
0x6: {  	_ = 	snop  }
0x7: {  	_ = 	snop  }
__scs_overlays_trampoline_lowered:
0x8: {  	[smem:$0x3FAA] =	sst s0  }
0x9: {  	[smem:$0x3FAB] =	sst s1  }
0xa: {  	[smem:$0x3FAC] =	sst s2  }
0xb: {  	[smem:$0x3FAD] =	sst s3  }
0xc: {  	[smem:$0x3FAE] =	sst s4  }
0xd: {  	[smem:$0x3FAF] =	sst s5  }
0xe: {  	[smem:$0x3FB0] =	sst s6  }
0xf: {  	[smem:$0x3FB1] =	sst s7  }
0x10: {  	[smem:$0x3FB2] =	sst s8  }
0x11: {  	[smem:$0x3FB3] =	sst s9;
	s0 =	simm.s32 @!p0 $0x0  }
0x12: {  	s1 =	sld [smem:$0x3F99];
	s0 =	simm.s32 @p0 $0x1  }
0x13: {  	[smem:$0x3FB4] =	sst s0;
	s0 =	simm.s32 @!p1 $0x0  }
0x14: {  	s2 =	sld [smem:$0x3F98];
	s0 =	simm.s32 @p1 $0x1  }
0x15: {  	[smem:$0x3FB5] =	sst s0;
	s0 =	simm.s32 @!p2 $0x0  }
0x16: {  	s3 =	sld [smem:$0x3FDB];
	s0 =	simm.s32 @p2 $0x1  }
0x17: {  	s4 =	simm.s32 $0x1BF5;
	[smem:$0x3FB7] =	sst s0  }
0x18: {  	s0 =	sld [smem:$0x3F9A];
	_ =	swait.ge [sflag:s4], $0x0  }
0x19: {  	s7 =	sld [smem:$0x3F9B]  }
0x1a: {  	s8 =	sadd.s32 $0xFFFFE003, lr  }
0x1b: {  	s9 =	sadd.s32 $0xFFFFFEF7, lr;
	s5 =	simm.s32 $0xFFFFFFFF;
	p2 =	slt.u32 s8, $0xFFFFF086  }
0x1c: {  	p1 =	slt.u32 s9, $0xF7A;
	s5 =	simm.s32 @!p2 $0x0  }
0x1d: {  	s5 =	simm.s32 @p1 $0x1;
	p0 =	seq.s32 s7, s2  }
0x1e: {  	s7 =	smul.u32 @!p0 $0xF7A, s2;
	p2 =	seq.s32 @!p0 s5, $0x0  }
0x1f: {  	s9 =	smul.u32 $0xF7A, s1;
	s8 =	simm.s32 @!p0 $0x1BF5;
	p2 =	por !p2, p0  }
0x20: {  	[sflag:s8] =	ssyncset.s32 @!p0 $0xFFFFF086;
	s6 =	sadd.s32 @!p0 s3, s7;
	s7 =	simm.s32 @!p0 $0x108  }
0x21: {  	s3 =	sadd.s32 s3, s9;
	s6 =	sadd.s32 @!p0 $0x88, s6;
	s7 =	simm.s32 @p2 $0x1082  }
0x22: {  	[simem:s7], [sflag:s8] =	dma.local @!p0 [hbm:s6], $0xF7A  }
0x23: {  	s9 =	sor.u32 $0xD0000000, s2;
	s6 =	simm.s32 $0x108;
	_ =	swait.ge @!p0 [sflag:s8], $0x0  }
0x24: {  	s3 =	sadd.s32 $0x88, s3;
	s6 =	simm.s32 @!p1 $0x1082;
	[sflag:s4] =	ssyncset.s32 $0xFFFFF086  }
0x25: {  	[simem:s6], [sflag:s4] =	dma.local [hbm:s3], $0xF7A  }
0x26: {  	[smem:$0x3F9B] =	sst s1;
	(tag) =	ssettag s2;
	_ =	strace s9  }
0x27: {  	s1 =	sld [smem:$0x3FAB]  }
0x28: {  	s2 =	sld [smem:$0x3FAC]  }
0x29: {  	s4 =	sld [smem:$0x3FAE]  }
0x2a: {  	p0 =	seq.s32 s5, $0x0;
	s5 =	sld [smem:$0x3FAF]  }
0x2b: {  	s6 =	sld [smem:$0x3FB0]  }
0x2c: {  	s7 =	sld [smem:$0x3FB1]  }
0x2d: {  	s3 =	simm.s32 $0x108;
	s8 =	sld [smem:$0x3FB2]  }
0x2e: {  	s3 =	simm.s32 @!p0 $0x1082;
	s9 =	sld [smem:$0x3FB3]  }
0x2f: {  	lr =	sadd.s32 s0, s3;
	s0 =	sld [smem:$0x3FAA]  }
0x30: {  	s3 =	sld [smem:$0x3FAD]  }
0x31: {  	[smem:$0x3FB6] =	sst s10  }
0x32: {  	s10 =	sld [smem:$0x3FB4];
	_ =	sdelay $0x3  }
0x33: {  	p0 =	seq.s32 s10, $0x1;
	s10 =	sld [smem:$0x3FB6];
	_ =	sdelay $0x3  }
0x34: {  	[smem:$0x3FB6] =	sst s10  }
0x35: {  	s10 =	sld [smem:$0x3FB5];
	_ =	sdelay $0x3  }
0x36: {  	p1 =	seq.s32 s10, $0x1;
	s10 =	sld [smem:$0x3FB6];
	_ =	sdelay $0x3  }
0x37: {  	[smem:$0x3FB6] =	sst s10  }
0x38: {  	s10 =	sld [smem:$0x3FB7]  }
0x39: {  	_ = 	snop;
	(pc) =	sbr.ind lr, $3  }
0x3a: {  	_ = 	snop  }
0x3b: {  	_ = 	snop  }
0x3c: {  	p2 =	seq.s32 s10, $0x1;
	s10 =	sld [smem:$0x3FB6]  }
0x3d: {  	_ =	shalt  }
0x3e: {  	_ =	shalt  }
0x3f: {  	_ =	shalt  }
0x40: {  	_ =	shalt  }
0x41: {  	_ =	shalt  }
0x42: {  	_ =	shalt  }
0x43: {  	_ =	shalt  }
0x44: {  	_ =	shalt  }
0x45: {  	_ =	shalt  }
0x46: {  	_ =	shalt  }
0x47: {  	_ =	shalt  }
0x48: {  	_ =	shalt  }
0x49: {  	_ =	shalt  }
0x4a: {  	_ =	shalt  }
0x4b: {  	_ =	shalt  }
0x4c: {  	_ =	shalt  }
0x4d: {  	_ =	shalt  }
0x4e: {  	_ =	shalt  }
0x4f: {  	_ =	shalt  }
0x50: {  	_ =	shalt  }
0x51: {  	_ =	shalt  }
0x52: {  	_ =	shalt  }
0x53: {  	_ =	shalt  }
0x54: {  	_ =	shalt  }
0x55: {  	_ =	shalt  }
0x56: {  	_ =	shalt  }
0x57: {  	_ =	shalt  }
0x58: {  	_ =	shalt  }
0x59: {  	_ =	shalt  }
0x5a: {  	_ =	shalt  }
0x5b: {  	_ =	shalt  }
0x5c: {  	_ =	shalt  }
0x5d: {  	_ =	shalt  }
0x5e: {  	_ =	shalt  }
0x5f: {  	_ =	shalt  }
0x60: {  	_ =	shalt  }
0x61: {  	_ =	shalt  }
0x62: {  	_ =	shalt  }
0x63: {  	_ =	shalt  }
0x64: {  	_ =	shalt  }
0x65: {  	_ =	shalt  }
0x66: {  	_ =	shalt  }
0x67: {  	_ =	shalt  }
0x68: {  	_ =	shalt  }
0x69: {  	_ =	shalt  }
0x6a: {  	_ =	shalt  }
0x6b: {  	_ =	shalt  }
0x6c: {  	_ =	shalt  }
0x6d: {  	_ =	shalt  }
0x6e: {  	_ =	shalt  }
0x6f: {  	_ =	shalt  }
0x70: {  	_ =	shalt  }
0x71: {  	_ =	shalt  }
0x72: {  	_ =	shalt  }
0x73: {  	_ =	shalt  }
0x74: {  	_ =	shalt  }
0x75: {  	_ =	shalt  }
0x76: {  	_ =	shalt  }
0x77: {  	_ =	shalt  }
0x78: {  	_ =	shalt  }
0x79: {  	_ =	shalt  }
0x7a: {  	_ =	shalt  }
0x7b: {  	_ =	shalt  }
0x7c: {  	_ =	shalt  }
0x7d: {  	_ =	shalt  }
0x7e: {  	_ =	shalt  }
0x7f: {  	_ =	shalt  }
0x80: {  	_ =	shalt  }
0x81: {  	_ =	shalt  }
0x82: {  	_ =	shalt  }
0x83: {  	_ =	shalt  }
0x84: {  	_ =	shalt  }
0x85: {  	_ =	shalt  }
0x86: {  	_ =	shalt  }
0x87: {  	_ =	shalt  }
.Lfunc_end0:
.L_simem_size_0:
called_computation.2_lowered:
.L_overlay_start_0:
0x88: {  	s2 =	sld [smem:$0x3FD9]  }
0x89: {  	s3 =	sld [smem:$0x3FFE];
	_ =	sdelay $0x1  }
0x8a: {  	s1 =	srdreg.scid  }
0x8b: {  	s0 =	sand.u32 $0x1, s1  }
0x8c: {  	s17 =	sshll.u32 s0, $0xA;
	s2 =	sadd.s32 s3, s2  }
0x8d: {  	s2 =	sadd.s32 s2, s17  }
0x8e: {  	[smem:$0x3FC2] =	sst s2  }
0x8f: {  	_ = 	snop  }
0x90: {  	s2 =	sld [smem:$0x3FD0];
	(tm) =	ssettm $0x1  }
0x91: {  	s18 =	sld [smem:$0x3FFB];
	_ =	sdelay $0x3  }
0x92: {  	_ =	strace s18  }
0x93: {  	s3 =	sld [smem:$0x3FFC];
	_ =	sdelay $0x3  }
0x94: {  	_ =	strace s3  }
0x95: {  	s3 =	sld [smem:$0x3FFD];
	_ =	sdelay $0x3  }
0x96: {  	_ =	strace s3  }
0x97: {  	_ =	strace $0x8FFFFFFF  }
0x98: {  	s19 =	sld [smem:$0x3FDB];
	_ =	sdelay $0x1  }
0x99: {  	s4 =	simm.s32 $_scs_section_size  }
0x9a: {  	s5 =	simm.s32 $_size__tile_overlayer_lowered;
	s6 =	simm.s32 $_tile_overlayer_lowered  }
0x9b: {  	s22 =	simm.s32 $0x1BFF;
	s21 =	sshll.u32 s6, $0x1;
	s3 =	sadd.s32 s4, s19  }
0x9c: {  	s7 =	simm.s32 $0x0;
	s20 =	sshll.u32 s5, $0x1;
	s5 =	sadd.s32 s21, s3  }
0x9d: {  	[timem:s7], [sflag:s22] =	dma.local [hbm:s5], s20  }
0x9e: {  	_ =	swait.ge [sflag:s22], s20  }
0x9f: {  	s4 =	ssub.s32 $0x0, s20;
	[sflag:s22] =	ssyncset.done $0x0  }
0xa0: {  	[sflag:s22] =	ssyncadd.s32 s4;
	_ =	sdelay $0x1  }
0xa1: {  	s23 =	simm.s32 $0x1B8B  }
0xa2: {  	_ =	swait.ge [sflag:s23], $0x1  }
0xa3: {  	[sflag:s23] =	ssyncset.done $0x0  }
0xa4: {  	s25 =	simm.s32 $0x1B8E;
	s24 =	sld [smem:$0x3FFE];
	[sflag:s23] =	ssyncadd.s32 $0xFFFFFFFF  }
0xa5: {  	s26 =	simm.s32 $execute0_lowered;
	[smem:$0x3FD2] =	sst s25  }
0xa6: {  	s5 =	sshll.u32 s26, $0x1;
	_ =	strace $0x8000004C;
	[dreg:$0x1] =	wrdreg $0xFFFFFFFF  }
0xa7: {  	s28 =	simm.s32 $_size_execute0_lowered;
	s3 =	sadd.s32 s3, s5;
	[dreg:$0x0] =	wrdreg $0x0  }
0xa8: {  	s5 =	sshll.u32 s28, $0x1;
	[dreg:$0x2] =	wrdreg s3  }
0xa9: {  	[dreg:$0x3] =	wrdreg s5  }
0xaa: {  	[dreg:$0x4] =	wrdreg $0xC0  }
0xab: {  	_ =	task [dreg:s7], $0x5FFFF  }
0xac: {  	[dreg:$0x1] =	wrdreg $0xFFFFFFFF  }
0xad: {  	[dreg:$0x0] =	wrdreg $0x60  }
0xae: {  	[dreg:$0x2] =	wrdreg s2  }
0xaf: {  	[dreg:$0x3] =	wrdreg s24  }
0xb0: {  	[dreg:$0x4] =	wrdreg $0x81000  }
0xb1: {  	[dreg:$0x5] =	wrdreg $0x9  }
0xb2: {  	_ =	task.clear_ibuf [dreg:s7], $0x6FFFF;
	_ =	strace $0x9000004C  }
0xb3: {  	s29 =	simm.s32 $0x9;
	_ =	strace $0x8000004E  }
0xb4: {  	_ =	swait.ge [sflag:s29], $0x1  }
0xb5: {  	[sflag:s29] =	ssyncadd.s32 $0xFFFFFFFF  }
0xb6: {  	_ =	strace $0x9000004E  }
0xb7: {  	_ =	sfence  }
0xb8: {  	s30 =	sld [smem:$0x0];
	_ =	sdelay $0x2  }
0xb9: {  	s31 =	sshll.u32 s1, $0xD;
	s1 =	sshrl.u32 s1, $0x2  }
0xba: {  	s3 =	sand.u32 $0x4000, s31;
	s1 =	sadd.s32 s1, s30  }
0xbb: {  	s0 =	sor.u32 s3, s0;
	s1 =	sshll.u32 s1, $0x11  }
0xbc: {  	s0 =	sor.u32 s1, s0  }
0xbd: {  	s0 =	sadd.s32 $0x8F2B, s0  }
0xbe: {  	[sflag:s0] =	ssyncadd.remote.s32 $0x1  }
0xbf: {  	_ =	sfence.sel $0xFFFF  }
0xc0: {  	[dreg:$0x0] =	wrdreg $0xFFFFFFFF;
	(pc) =	sbr.abs _section_cstart, $3  }
0xc1: {  	[dreg:$0x1] =	wrdreg $0xFFFFFFFF  }
0xc2: {  	_ =	task.clear_ibuf [dreg:s7], $0x2FFFF;
	_ =	strace $0x9FFFFFFF  }
0xc3: {  	(tm) =	ssettm $0x7FFFFFFF  }
tec
execute0_lowered:
.L_overlay_start_1:
0x0: {  	(tag) =	ssettag $0x1  }
0x1: {  	s1 =	rddreg [dreg:$0x0]  }
0x2: {  	s0 =	rddreg [dreg:$0x1];
	s2 =	srdreg.scid  }
0x3: {  	s9 =	stileid.u32;
	s3 =	rddreg [dreg:$0x2];
	s4 =	simm.s32 $0x0  }
0x4: {  	s18 =	simm.s32 $0x6100;
	s25 =	simm.s32 $0x7100;
	s26 =	simm.s32 $0x1  }
0x5: {  	s28 =	simm.s32 $0x2;
	s29 =	simm.s32 $0x3;
	s31 =	simm.s32 $0x5000  }
0x6: {  	s2 =	sand.u32 $0x1, s2;
	s5 =	sshll.u32 s9, $0x1;
	s13 =	smul.u32 $0x5000, s9  }
0x7: {  	[smem:$0x7FF] =	sst s4;
	s5 =	sor.u32 s2, s5;
	s6 =	smul.u32 $0xA000, s2  }
0x8: {  	_ =	strace $0x8000004D;
	s2 =	ssub.s32 $0x2, s2;
	s5 =	smul.u32 $0x510, s5  }
0x9: {  	s8 =	sshrl.u32 s2, $0x1;
	s14 =	sadd.s32 $0x1000, s13;
	s15 =	sadd.s32 $0x2000, s13  }
0xa: {  	s16 =	sadd.s32 $0x3000, s13;
	s17 =	sadd.s32 $0x4000, s13;
	s19 =	sshrl.u32 s13, $0x3  }
0xb: {  	s2 =	ssub.s32 s2, s8;
	s8 =	sadd.s32 s13, s3;
	s9 =	sadd.s32 s14, s3  }
0xc: {  	s10 =	sadd.s32 s15, s3;
	s11 =	sadd.s32 s16, s3;
	s12 =	sadd.s32 s17, s3  }
0xd: {  	s21 =	sshrl.u32 s14, $0x3;
	s15 =	sshrl.u32 s15, $0x3;
	s23 =	sshrl.u32 s16, $0x3  }
0xe: {  	s24 =	sshrl.u32 s17, $0x3;
	s14 =	simm.s32 $0x4;
	s16 =	simm.s32 $0x5100  }
0xf: {  	s17 =	simm.s32 $0x80;
	s7 =	sadd.s32 s5, s0;
	s5 =	sadd.s32 $0xB800, s0  }
0x10: {  	s0 =	sadd.s32 s6, s0;
	s13 =	smax.u32 s2, $0x1;
	s2 =	simm.s32 $0x5080  }
0x11: {  	s6 =	sadd.s32 $0x15800, s7;
	s7 =	sadd.s32 $0x1600, s7;
	s0 =	sadd.s32 $0x1FA00, s0  }
0x12: {  	s20 =	sadd.s32 s19, s0;
	s21 =	sadd.s32 s21, s0;
	s22 =	sadd.s32 s15, s0  }
0x13: {  	s23 =	sadd.s32 s23, s0;
	s24 =	sadd.s32 s24, s0;
	s0 =	simm.s32 $0x0  }
.LBB2_1:
0x14: {  	[tilespmem:s4], [sflag:$0x4] =	stream.linear.gather [hbm4b:s6+s4], $0x2880, $0x38;
	[tilespmem:$0xD100] =	vst v63  }
0x15: {  	_ =	swait.ge [sflag:s14], $0x2880  }
0x16: {  	[sflag:s14] =	ssyncset.done $0x0  }
0x17: {  	s15 =	simm.s32 $0x2880;
	[sflag:s14] =	ssyncadd.s32 $0xFFFFD780  }
0x18: {  	[tilespmem:s15], [sflag:$0x4] =	stream.linear.gather [hbm4b:s7+s4], $0x2880, $0x38;
	[tilespmem:$0xD100] =	vst v63  }
0x19: {  	_ =	swait.ge [sflag:s14], $0x2880  }
0x1a: {  	[sflag:s14] =	ssyncset.done $0x0  }
0x1b: {  	[sflag:s14] =	ssyncadd.s32 $0xFFFFD780  }
0x1c: {  	[tilespmem:s16], [sflag:$0x4] =	stream.linear.gather [hbm4b:s5+s4], $0x1000, $0x38;
	[tilespmem:$0xD100] =	vst v63  }
0x1d: {  	_ =	swait.ge [sflag:s14], $0x1000  }
0x1e: {  	[sflag:s14] =	ssyncset.done $0x0  }
0x1f: {  	[sflag:s14] =	ssyncadd.s32 $0xFFFFF000  }
0x20: {  	[spmem:s8] =	stream.linear.scatter [tilespmem:s16], [sflag:$0x4], $0x1000, $0x38;
	[tilespmem:$0xD100] =	vst v63  }
0x21: {  	_ =	swait.ge [sflag:s14], $0x1000  }
0x22: {  	[sflag:s14] =	ssyncset.done $0x0  }
0x23: {  	[sflag:s14] =	ssyncadd.s32 $0xFFFFF000  }
0x24: {  	[spmem:s9] =	stream.linear.scatter [tilespmem:s16], [sflag:$0x4], $0x1000, $0x38;
	[tilespmem:$0xD100] =	vst v63  }
0x25: {  	_ =	swait.ge [sflag:s14], $0x1000  }
0x26: {  	[sflag:s14] =	ssyncset.done $0x0  }
0x27: {  	[sflag:s14] =	ssyncadd.s32 $0xFFFFF000  }
0x28: {  	[spmem:s10] =	stream.linear.scatter [tilespmem:s16], [sflag:$0x4], $0x1000, $0x38;
	[tilespmem:$0xD100] =	vst v63  }
0x29: {  	_ =	swait.ge [sflag:s14], $0x1000  }
0x2a: {  	[sflag:s14] =	ssyncset.done $0x0  }
0x2b: {  	[sflag:s14] =	ssyncadd.s32 $0xFFFFF000  }
0x2c: {  	[spmem:s11] =	stream.linear.scatter [tilespmem:s16], [sflag:$0x4], $0x1000, $0x38;
	[tilespmem:$0xD100] =	vst v63  }
0x2d: {  	_ =	swait.ge [sflag:s14], $0x1000  }
0x2e: {  	[sflag:s14] =	ssyncset.done $0x0  }
0x2f: {  	[sflag:s14] =	ssyncadd.s32 $0xFFFFF000  }
0x30: {  	[spmem:s12] =	stream.linear.scatter [tilespmem:s16], [sflag:$0x4], $0x1000, $0x38;
	[tilespmem:$0xD100] =	vst v63  }
0x31: {  	_ =	swait.ge [sflag:s14], $0x1000  }
0x32: {  	[sflag:s14] =	ssyncset.done $0x0  }
0x33: {  	[sflag:s14] =	ssyncadd.s32 $0xFFFFF000  }
0x34: {  	[bflag:$0x0] =	sbarrier.arrive $0xFFFF  }
0x35: {  	[tilespmem:s16], [sflag:$0x1] =	stream.indirect.gather [hbm4b:s1+s17], $0x20, s4, s17, $0xb8;
	[tilespmem:$0xD100] =	vst v63  }
0x36: {  	_ = 	snop  }
0x37: {  	[tilespmem:s18], [sflag:$0x2] =	stream.indirect.gather [hbm4b:s1+s17], $0x20, s17, s17, $0xb8;
	[tilespmem:$0xD100] =	vst v63  }
0x38: {  	s19 =	simm.s32 $0x100  }
0x39: {  	[tilespmem:s25], [sflag:$0x3] =	stream.indirect.gather [hbm4b:s1+s17], $0x20, s19, s17, $0xb8;
	[tilespmem:$0xD100] =	vst v63  }
0x3a: {  	_ =	swait.ge [sflag:s26], $0x1000  }
0x3b: {  	[sflag:s26] =	ssyncset.done $0x0  }
0x3c: {  	s30 =	simm.s32 $0x2880;
	[sflag:s26] =	ssyncadd.s32 $0xFFFFF000  }
0x3d: {  	[spmem:s3] =	stream.indirect.scatter.add.f32 [tilespmem:s16], [sflag:$0x4], $0x20, s30, s17, $0xb8;
	[tilespmem:$0xD100] =	vst v63  }
0x3e: {  	_ =	swait.ge [sflag:s14], $0x1000  }
0x3f: {  	[sflag:s14] =	ssyncset.done $0x0  }
0x40: {  	s19 =	simm.s32 $0x180;
	[sflag:s14] =	ssyncadd.s32 $0xFFFFF000  }
0x41: {  	[tilespmem:s16], [sflag:$0x1] =	stream.indirect.gather [hbm4b:s1+s17], $0x20, s19, s17, $0xb8;
	[tilespmem:$0xD100] =	vst v63  }
0x42: {  	_ =	swait.ge [sflag:s28], $0x1000  }
0x43: {  	[sflag:s28] =	ssyncset.done $0x0  }
0x44: {  	s30 =	simm.s32 $0x2900;
	[sflag:s28] =	ssyncadd.s32 $0xFFFFF000  }
0x45: {  	[spmem:s3] =	stream.indirect.scatter.add.f32 [tilespmem:s18], [sflag:$0x4], $0x20, s30, s17, $0xb8;
	[tilespmem:$0xD100] =	vst v63  }
0x46: {  	_ =	swait.ge [sflag:s14], $0x1000  }
0x47: {  	[sflag:s14] =	ssyncset.done $0x0  }
0x48: {  	s19 =	simm.s32 $0x200;
	[sflag:s14] =	ssyncadd.s32 $0xFFFFF000  }
0x49: {  	[tilespmem:s18], [sflag:$0x2] =	stream.indirect.gather [hbm4b:s1+s17], $0x20, s19, s17, $0xb8;
	[tilespmem:$0xD100] =	vst v63  }
0x4a: {  	_ =	swait.ge [sflag:s29], $0x1000  }
0x4b: {  	[sflag:s29] =	ssyncset.done $0x0  }
0x4c: {  	s30 =	simm.s32 $0x2980;
	[sflag:s29] =	ssyncadd.s32 $0xFFFFF000  }
0x4d: {  	[spmem:s3] =	stream.indirect.scatter.add.f32 [tilespmem:s25], [sflag:$0x4], $0x20, s30, s17, $0xb8;
	[tilespmem:$0xD100] =	vst v63  }
0x4e: {  	_ =	swait.ge [sflag:s14], $0x1000  }
0x4f: {  	[sflag:s14] =	ssyncset.done $0x0  }
0x50: {  	s15 =	simm.s32 $0x600;
	s19 =	simm.s32 $0x280;
	[sflag:s14] =	ssyncadd.s32 $0xFFFFF000  }
.LBB2_2:
0x51: {  	[tilespmem:s25], [sflag:$0x3] =	stream.indirect.gather [hbm4b:s1+s17], $0x20, s19, s17, $0xb8;
	[tilespmem:$0xD100] =	vst v63  }
0x52: {  	s19 =	smov.u32 s15  }
0x53: {  	p0 =	sne.s32 s15, $0x9600;
	s15 =	sadd.s32 $0x600, s15;
	_ =	swait.ge [sflag:s26], $0x1000  }
0x54: {  	s19 =	sshra.s32 s19, $0x2;
	[sflag:s26] =	ssyncset.done $0x0  }
0x55: {  	s30 =	sadd.s32 $0x2880, s19;
	[sflag:s26] =	ssyncadd.s32 $0xFFFFF000  }
0x56: {  	[spmem:s3] =	stream.indirect.scatter.add.f32 [tilespmem:s16], [sflag:$0x4], $0x20, s30, s17, $0xb8;
	[tilespmem:$0xD100] =	vst v63  }
0x57: {  	_ =	swait.ge [sflag:s14], $0x1000  }
0x58: {  	[sflag:s14] =	ssyncset.done $0x0  }
0x59: {  	s30 =	sadd.s32 $0x180, s19;
	[sflag:s14] =	ssyncadd.s32 $0xFFFFF000  }
0x5a: {  	[tilespmem:s16], [sflag:$0x1] =	stream.indirect.gather [hbm4b:s1+s17], $0x20, s30, s17, $0xb8;
	[tilespmem:$0xD100] =	vst v63  }
0x5b: {  	_ =	swait.ge [sflag:s28], $0x1000  }
0x5c: {  	[sflag:s28] =	ssyncset.done $0x0  }
0x5d: {  	s30 =	sadd.s32 $0x2900, s19;
	[sflag:s28] =	ssyncadd.s32 $0xFFFFF000  }
0x5e: {  	[spmem:s3] =	stream.indirect.scatter.add.f32 [tilespmem:s18], [sflag:$0x4], $0x20, s30, s17, $0xb8;
	[tilespmem:$0xD100] =	vst v63  }
0x5f: {  	_ =	swait.ge [sflag:s14], $0x1000  }
0x60: {  	[sflag:s14] =	ssyncset.done $0x0  }
0x61: {  	s30 =	sadd.s32 $0x200, s19;
	[sflag:s14] =	ssyncadd.s32 $0xFFFFF000  }
0x62: {  	[tilespmem:s18], [sflag:$0x2] =	stream.indirect.gather [hbm4b:s1+s17], $0x20, s30, s17, $0xb8;
	[tilespmem:$0xD100] =	vst v63  }
0x63: {  	_ =	swait.ge [sflag:s29], $0x1000  }
0x64: {  	[sflag:s29] =	ssyncset.done $0x0  }
.Ltmp0:
0x65: {  	s30 =	sadd.s32 $0x2980, s19;
	[sflag:s29] =	ssyncadd.s32 $0xFFFFF000;
	(pc) =	sbr.rel @p0 .LBB2_2-.Ltmp0, $4  }
0x66: {  	[spmem:s3] =	stream.indirect.scatter.add.f32 [tilespmem:s25], [sflag:$0x4], $0x20, s30, s17, $0xb8;
	[tilespmem:$0xD100] =	vst v63  }
0x67: {  	_ =	swait.ge [sflag:s14], $0x1000  }
0x68: {  	[sflag:s14] =	ssyncset.done $0x0  }
0x69: {  	s19 =	sadd.s32 $0x280, s19;
	[sflag:s14] =	ssyncadd.s32 $0xFFFFF000  }
0x6a: {  	[tilespmem:s25], [sflag:$0x3] =	stream.indirect.gather [hbm4b:s1+s17], $0x20, s19, s17, $0xb8;
	[tilespmem:$0xD100] =	vst v63  }
0x6b: {  	_ =	swait.ge [sflag:s26], $0x1000  }
0x6c: {  	[sflag:s26] =	ssyncset.done $0x0  }
0x6d: {  	s15 =	simm.s32 $0x4F80;
	[sflag:s26] =	ssyncadd.s32 $0xFFFFF000  }
0x6e: {  	[spmem:s3] =	stream.indirect.scatter.add.f32 [tilespmem:s16], [sflag:$0x4], $0x20, s15, s17, $0xb8;
	[tilespmem:$0xD100] =	vst v63  }
0x6f: {  	_ =	swait.ge [sflag:s14], $0x1000  }
0x70: {  	[sflag:s14] =	ssyncset.done $0x0  }
0x71: {  	[sflag:s14] =	ssyncadd.s32 $0xFFFFF000  }
0x72: {  	_ =	swait.ge [sflag:s28], $0x1000  }
0x73: {  	[sflag:s28] =	ssyncset.done $0x0  }
0x74: {  	[sflag:s28] =	ssyncadd.s32 $0xFFFFF000  }
0x75: {  	[spmem:s3] =	stream.indirect.scatter.add.f32 [tilespmem:s18], [sflag:$0x4], $0x20, s31, s17, $0xb8;
	[tilespmem:$0xD100] =	vst v63  }
0x76: {  	_ =	swait.ge [sflag:s14], $0x1000  }
0x77: {  	[sflag:s14] =	ssyncset.done $0x0  }
0x78: {  	[sflag:s14] =	ssyncadd.s32 $0xFFFFF000  }
0x79: {  	_ =	swait.ge [sflag:s29], $0x1000  }
0x7a: {  	[sflag:s29] =	ssyncset.done $0x0  }
0x7b: {  	[sflag:s29] =	ssyncadd.s32 $0xFFFFF000  }
0x7c: {  	[spmem:s3] =	stream.indirect.scatter.add.f32 [tilespmem:s25], [sflag:$0x4], $0x20, s2, s17, $0xb8;
	[tilespmem:$0xD100] =	vst v63  }
0x7d: {  	_ =	swait.ge [sflag:s14], $0x1000  }
0x7e: {  	[sflag:s14] =	ssyncset.done $0x0  }
0x7f: {  	[sflag:s14] =	ssyncadd.s32 $0xFFFFF000  }
0x80: {  	[bflag:$0x0] =	sbarrier.arrive $0xFFFF  }
0x81: {  	[tilespmem:s16], [sflag:$0x4] =	stream.linear.gather [spmem:s8], $0x1000, $0x38;
	[tilespmem:$0xD100] =	vst v63  }
0x82: {  	_ =	swait.ge [sflag:s14], $0x1000  }
0x83: {  	[sflag:s14] =	ssyncset.done $0x0  }
0x84: {  	[sflag:s14] =	ssyncadd.s32 $0xFFFFF000  }
0x85: {  	[hbm4b:s20+s4] =	stream.linear.scatter [tilespmem:s16], [sflag:$0x4], $0x1000, $0x38;
	[tilespmem:$0xD100] =	vst v63  }
0x86: {  	_ =	swait.ge [sflag:s14], $0x1000  }
0x87: {  	[sflag:s14] =	ssyncset.done $0x0  }
0x88: {  	[sflag:s14] =	ssyncadd.s32 $0xFFFFF000  }
0x89: {  	[tilespmem:s16], [sflag:$0x4] =	stream.linear.gather [spmem:s9], $0x1000, $0x38;
	[tilespmem:$0xD100] =	vst v63  }
0x8a: {  	_ =	swait.ge [sflag:s14], $0x1000  }
0x8b: {  	[sflag:s14] =	ssyncset.done $0x0  }
0x8c: {  	[sflag:s14] =	ssyncadd.s32 $0xFFFFF000  }
0x8d: {  	[hbm4b:s21+s4] =	stream.linear.scatter [tilespmem:s16], [sflag:$0x4], $0x1000, $0x38;
	[tilespmem:$0xD100] =	vst v63  }
0x8e: {  	_ =	swait.ge [sflag:s14], $0x1000  }
0x8f: {  	[sflag:s14] =	ssyncset.done $0x0  }
0x90: {  	[sflag:s14] =	ssyncadd.s32 $0xFFFFF000  }
0x91: {  	[tilespmem:s16], [sflag:$0x4] =	stream.linear.gather [spmem:s10], $0x1000, $0x38;
	[tilespmem:$0xD100] =	vst v63  }
0x92: {  	_ =	swait.ge [sflag:s14], $0x1000  }
0x93: {  	[sflag:s14] =	ssyncset.done $0x0  }
0x94: {  	[sflag:s14] =	ssyncadd.s32 $0xFFFFF000  }
0x95: {  	[hbm4b:s22+s4] =	stream.linear.scatter [tilespmem:s16], [sflag:$0x4], $0x1000, $0x38;
	[tilespmem:$0xD100] =	vst v63  }
0x96: {  	_ =	swait.ge [sflag:s14], $0x1000  }
0x97: {  	[sflag:s14] =	ssyncset.done $0x0  }
0x98: {  	[sflag:s14] =	ssyncadd.s32 $0xFFFFF000  }
0x99: {  	[tilespmem:s16], [sflag:$0x4] =	stream.linear.gather [spmem:s11], $0x1000, $0x38;
	[tilespmem:$0xD100] =	vst v63  }
0x9a: {  	_ =	swait.ge [sflag:s14], $0x1000  }
0x9b: {  	[sflag:s14] =	ssyncset.done $0x0  }
0x9c: {  	[sflag:s14] =	ssyncadd.s32 $0xFFFFF000  }
0x9d: {  	[hbm4b:s23+s4] =	stream.linear.scatter [tilespmem:s16], [sflag:$0x4], $0x1000, $0x38;
	[tilespmem:$0xD100] =	vst v63  }
0x9e: {  	_ =	swait.ge [sflag:s14], $0x1000  }
0x9f: {  	[sflag:s14] =	ssyncset.done $0x0  }
0xa0: {  	[sflag:s14] =	ssyncadd.s32 $0xFFFFF000  }
0xa1: {  	[tilespmem:s16], [sflag:$0x4] =	stream.linear.gather [spmem:s12], $0x1000, $0x38;
	[tilespmem:$0xD100] =	vst v63  }
0xa2: {  	s0 =	sadd.s32 $0x1, s0;
	_ =	swait.ge [sflag:s14], $0x1000  }
0xa3: {  	p0 =	sne.s32 s0, s13;
	[sflag:s14] =	ssyncset.done $0x0  }
.Ltmp1:
0xa4: {  	[sflag:s14] =	ssyncadd.s32 $0xFFFFF000;
	(pc) =	sbr.rel @p0 .LBB2_1-.Ltmp1, $4  }
0xa5: {  	[hbm4b:s24+s4] =	stream.linear.scatter [tilespmem:s16], [sflag:$0x4], $0x1000, $0x38;
	[tilespmem:$0xD100] =	vst v63  }
0xa6: {  	_ =	swait.ge [sflag:s14], $0x1000  }
0xa7: {  	[sflag:s14] =	ssyncset.done $0x0  }
0xa8: {  	[sflag:s14] =	ssyncadd.s32 $0xFFFFF000  }
0xa9: {  	_ =	sfence.sel $0x180000  }
0xaa: {  	[bflag:$0x0] =	sbarrier.arrive $0xFFFF  }
0xab: {  	_ =	strace $0x9000004D  }
0xac: {  	s0 =	stileid.u32;
	[bflag:$0x2] =	sbarrier.arrive $0xFFFF  }
0xad: {  	p0 =	sne.s32 s0, $0x0;
	s0 =	rddreg [dreg:$0x3]  }
0xae: {  	s0 =	sadd.s32 @!p0 $0x100000, s0  }
0xaf: {  	[sflag:s0] =	ssyncadd.tile.s32 @!p0 $0x1;
	_ =	shalt  }
.Lfunc_end2:
_tile_overlayer_lowered:
.L_overlay_start_2:
0xb0: {  	(tag) =	ssettag $0x2  }
0xb1: {  	s0 =	rddreg [dreg:$0x0];
	s2 =	stileid.u32  }
0xb2: {  	s1 =	rddreg [dreg:$0x1];
	p0 =	sne.s32 s2, $0x0  }
0xb3: {  	s3 =	rddreg [dreg:$0x2];
	[bflag:$0x3] =	sbarrier.arrive $0xFFFF;
	s2 =	simm.s32 @!p0 $0x1C04  }
0xb4: {  	[timem:s3], [sflag:s2] =	dma.local @!p0 [hbm:s0], s1  }
0xb5: {  	s0 =	simm.s32 @!p0 $0x4  }
0xb6: {  	_ =	swait.ge @!p0 [sflag:s0], s1  }
0xb7: {  	s1 =	ssub.s32 @!p0 $0x0, s1;
	[sflag:s0] =	ssyncset.done @!p0 $0x0  }
0xb8: {  	[sflag:s0] =	ssyncadd.s32 @!p0 s1  }
0xb9: {  	[bflag:$0x3] =	sbarrier.arrive $0xFFFF  }
0xba: {  	_ =	shalt  }

// kernel: kernel.8.cloned.1.call-start
scs
__scs_entry_jumppad:
0x0: {  	(pc) =	sbr.rel $0x88, $3  }
0x1: {  	(tag) =	ssettag $0x0;
	lr =	simm.s32 $0x1  }
0x2: {  	[smem:$0x3F9B] =	sst lr;
	_ =	strace $0xD0000000  }
0x3: {  	_ = 	snop  }
0x4: {  	_ = 	snop  }
0x5: {  	_ = 	snop  }
0x6: {  	_ = 	snop  }
0x7: {  	_ = 	snop  }
__scs_overlays_trampoline_lowered:
0x8: {  	[smem:$0x3FAA] =	sst s0  }
0x9: {  	[smem:$0x3FAB] =	sst s1  }
0xa: {  	[smem:$0x3FAC] =	sst s2  }
0xb: {  	[smem:$0x3FAD] =	sst s3  }
0xc: {  	[smem:$0x3FAE] =	sst s4  }
0xd: {  	[smem:$0x3FAF] =	sst s5  }
0xe: {  	[smem:$0x3FB0] =	sst s6  }
0xf: {  	[smem:$0x3FB1] =	sst s7  }
0x10: {  	[smem:$0x3FB2] =	sst s8  }
0x11: {  	[smem:$0x3FB3] =	sst s9;
	s0 =	simm.s32 @!p0 $0x0  }
0x12: {  	s1 =	sld [smem:$0x3F99];
	s0 =	simm.s32 @p0 $0x1  }
0x13: {  	[smem:$0x3FB4] =	sst s0;
	s0 =	simm.s32 @!p1 $0x0  }
0x14: {  	s2 =	sld [smem:$0x3F98];
	s0 =	simm.s32 @p1 $0x1  }
0x15: {  	[smem:$0x3FB5] =	sst s0;
	s0 =	simm.s32 @!p2 $0x0  }
0x16: {  	s3 =	sld [smem:$0x3FDB];
	s0 =	simm.s32 @p2 $0x1  }
0x17: {  	s4 =	simm.s32 $0x1BF5;
	[smem:$0x3FB7] =	sst s0  }
0x18: {  	s0 =	sld [smem:$0x3F9A];
	_ =	swait.ge [sflag:s4], $0x0  }
0x19: {  	s7 =	sld [smem:$0x3F9B]  }
0x1a: {  	s8 =	sadd.s32 $0xFFFFE003, lr  }
0x1b: {  	s9 =	sadd.s32 $0xFFFFFEF7, lr;
	s5 =	simm.s32 $0xFFFFFFFF;
	p2 =	slt.u32 s8, $0xFFFFF086  }
0x1c: {  	p1 =	slt.u32 s9, $0xF7A;
	s5 =	simm.s32 @!p2 $0x0  }
0x1d: {  	s5 =	simm.s32 @p1 $0x1;
	p0 =	seq.s32 s7, s2  }
0x1e: {  	s7 =	smul.u32 @!p0 $0xF7A, s2;
	p2 =	seq.s32 @!p0 s5, $0x0  }
0x1f: {  	s9 =	smul.u32 $0xF7A, s1;
	s8 =	simm.s32 @!p0 $0x1BF5;
	p2 =	por !p2, p0  }
0x20: {  	[sflag:s8] =	ssyncset.s32 @!p0 $0xFFFFF086;
	s6 =	sadd.s32 @!p0 s3, s7;
	s7 =	simm.s32 @!p0 $0x108  }
0x21: {  	s3 =	sadd.s32 s3, s9;
	s6 =	sadd.s32 @!p0 $0x88, s6;
	s7 =	simm.s32 @p2 $0x1082  }
0x22: {  	[simem:s7], [sflag:s8] =	dma.local @!p0 [hbm:s6], $0xF7A  }
0x23: {  	s9 =	sor.u32 $0xD0000000, s2;
	s6 =	simm.s32 $0x108;
	_ =	swait.ge @!p0 [sflag:s8], $0x0  }
0x24: {  	s3 =	sadd.s32 $0x88, s3;
	s6 =	simm.s32 @!p1 $0x1082;
	[sflag:s4] =	ssyncset.s32 $0xFFFFF086  }
0x25: {  	[simem:s6], [sflag:s4] =	dma.local [hbm:s3], $0xF7A  }
0x26: {  	[smem:$0x3F9B] =	sst s1;
	(tag) =	ssettag s2;
	_ =	strace s9  }
0x27: {  	s1 =	sld [smem:$0x3FAB]  }
0x28: {  	s2 =	sld [smem:$0x3FAC]  }
0x29: {  	s4 =	sld [smem:$0x3FAE]  }
0x2a: {  	p0 =	seq.s32 s5, $0x0;
	s5 =	sld [smem:$0x3FAF]  }
0x2b: {  	s6 =	sld [smem:$0x3FB0]  }
0x2c: {  	s7 =	sld [smem:$0x3FB1]  }
0x2d: {  	s3 =	simm.s32 $0x108;
	s8 =	sld [smem:$0x3FB2]  }
0x2e: {  	s3 =	simm.s32 @!p0 $0x1082;
	s9 =	sld [smem:$0x3FB3]  }
0x2f: {  	lr =	sadd.s32 s0, s3;
	s0 =	sld [smem:$0x3FAA]  }
0x30: {  	s3 =	sld [smem:$0x3FAD]  }
0x31: {  	[smem:$0x3FB6] =	sst s10  }
0x32: {  	s10 =	sld [smem:$0x3FB4];
	_ =	sdelay $0x3  }
0x33: {  	p0 =	seq.s32 s10, $0x1;
	s10 =	sld [smem:$0x3FB6];
	_ =	sdelay $0x3  }
0x34: {  	[smem:$0x3FB6] =	sst s10  }
0x35: {  	s10 =	sld [smem:$0x3FB5];
	_ =	sdelay $0x3  }
0x36: {  	p1 =	seq.s32 s10, $0x1;
	s10 =	sld [smem:$0x3FB6];
	_ =	sdelay $0x3  }
0x37: {  	[smem:$0x3FB6] =	sst s10  }
0x38: {  	s10 =	sld [smem:$0x3FB7]  }
0x39: {  	_ = 	snop;
	(pc) =	sbr.ind lr, $3  }
0x3a: {  	_ = 	snop  }
0x3b: {  	_ = 	snop  }
0x3c: {  	p2 =	seq.s32 s10, $0x1;
	s10 =	sld [smem:$0x3FB6]  }
0x3d: {  	_ =	shalt  }
0x3e: {  	_ =	shalt  }
0x3f: {  	_ =	shalt  }
0x40: {  	_ =	shalt  }
0x41: {  	_ =	shalt  }
0x42: {  	_ =	shalt  }
0x43: {  	_ =	shalt  }
0x44: {  	_ =	shalt  }
0x45: {  	_ =	shalt  }
0x46: {  	_ =	shalt  }
0x47: {  	_ =	shalt  }
0x48: {  	_ =	shalt  }
0x49: {  	_ =	shalt  }
0x4a: {  	_ =	shalt  }
0x4b: {  	_ =	shalt  }
0x4c: {  	_ =	shalt  }
0x4d: {  	_ =	shalt  }
0x4e: {  	_ =	shalt  }
0x4f: {  	_ =	shalt  }
0x50: {  	_ =	shalt  }
0x51: {  	_ =	shalt  }
0x52: {  	_ =	shalt  }
0x53: {  	_ =	shalt  }
0x54: {  	_ =	shalt  }
0x55: {  	_ =	shalt  }
0x56: {  	_ =	shalt  }
0x57: {  	_ =	shalt  }
0x58: {  	_ =	shalt  }
0x59: {  	_ =	shalt  }
0x5a: {  	_ =	shalt  }
0x5b: {  	_ =	shalt  }
0x5c: {  	_ =	shalt  }
0x5d: {  	_ =	shalt  }
0x5e: {  	_ =	shalt  }
0x5f: {  	_ =	shalt  }
0x60: {  	_ =	shalt  }
0x61: {  	_ =	shalt  }
0x62: {  	_ =	shalt  }
0x63: {  	_ =	shalt  }
0x64: {  	_ =	shalt  }
0x65: {  	_ =	shalt  }
0x66: {  	_ =	shalt  }
0x67: {  	_ =	shalt  }
0x68: {  	_ =	shalt  }
0x69: {  	_ =	shalt  }
0x6a: {  	_ =	shalt  }
0x6b: {  	_ =	shalt  }
0x6c: {  	_ =	shalt  }
0x6d: {  	_ =	shalt  }
0x6e: {  	_ =	shalt  }
0x6f: {  	_ =	shalt  }
0x70: {  	_ =	shalt  }
0x71: {  	_ =	shalt  }
0x72: {  	_ =	shalt  }
0x73: {  	_ =	shalt  }
0x74: {  	_ =	shalt  }
0x75: {  	_ =	shalt  }
0x76: {  	_ =	shalt  }
0x77: {  	_ =	shalt  }
0x78: {  	_ =	shalt  }
0x79: {  	_ =	shalt  }
0x7a: {  	_ =	shalt  }
0x7b: {  	_ =	shalt  }
0x7c: {  	_ =	shalt  }
0x7d: {  	_ =	shalt  }
0x7e: {  	_ =	shalt  }
0x7f: {  	_ =	shalt  }
0x80: {  	_ =	shalt  }
0x81: {  	_ =	shalt  }
0x82: {  	_ =	shalt  }
0x83: {  	_ =	shalt  }
0x84: {  	_ =	shalt  }
0x85: {  	_ =	shalt  }
0x86: {  	_ =	shalt  }
0x87: {  	_ =	shalt  }
.Lfunc_end0:
.L_simem_size_0:
called_computation_lowered:
.L_overlay_start_0:
0x88: {  	s2 =	sld [smem:$0x3FD9]  }
0x89: {  	s3 =	sld [smem:$0x3FFE];
	_ =	sdelay $0x1  }
0x8a: {  	s1 =	srdreg.scid  }
0x8b: {  	s0 =	sand.u32 $0x1, s1  }
0x8c: {  	s16 =	sshll.u32 s0, $0xA;
	s2 =	sadd.s32 s3, s2  }
0x8d: {  	s2 =	sadd.s32 s2, s16  }
0x8e: {  	[smem:$0x3FC2] =	sst s2  }
0x8f: {  	_ = 	snop  }
0x90: {  	(tm) =	ssettm $0x1  }
0x91: {  	s17 =	sld [smem:$0x3FFB];
	_ =	sdelay $0x3  }
0x92: {  	_ =	strace s17  }
0x93: {  	s2 =	sld [smem:$0x3FFC];
	_ =	sdelay $0x3  }
0x94: {  	_ =	strace s2  }
0x95: {  	s2 =	sld [smem:$0x3FFD];
	_ =	sdelay $0x3  }
0x96: {  	_ =	strace s2  }
0x97: {  	_ =	strace $0x8FFFFFFF  }
0x98: {  	s18 =	sld [smem:$0x3FDB];
	_ =	sdelay $0x1  }
0x99: {  	s19 =	simm.s32 $_scs_section_size  }
0x9a: {  	s4 =	simm.s32 $_size__tile_overlayer_lowered;
	s5 =	simm.s32 $_tile_overlayer_lowered  }
0x9b: {  	s22 =	simm.s32 $0x1BFF;
	s21 =	sshll.u32 s5, $0x1;
	s2 =	sadd.s32 s19, s18  }
0x9c: {  	s6 =	simm.s32 $0x0;
	s20 =	sshll.u32 s4, $0x1;
	s4 =	sadd.s32 s21, s2  }
0x9d: {  	[timem:s6], [sflag:s22] =	dma.local [hbm:s4], s20  }
0x9e: {  	_ =	swait.ge [sflag:s22], s20  }
0x9f: {  	s3 =	ssub.s32 $0x0, s20;
	[sflag:s22] =	ssyncset.done $0x0  }
0xa0: {  	[sflag:s22] =	ssyncadd.s32 s3;
	_ =	sdelay $0x1  }
0xa1: {  	s23 =	simm.s32 $0x1B8B  }
0xa2: {  	_ =	swait.ge [sflag:s23], $0x1  }
0xa3: {  	[sflag:s23] =	ssyncset.done $0x0  }
0xa4: {  	s25 =	simm.s32 $0x1B8E;
	s24 =	sld [smem:$0x3FFE];
	[sflag:s23] =	ssyncadd.s32 $0xFFFFFFFF  }
0xa5: {  	s26 =	simm.s32 $execute0_lowered;
	[smem:$0x3FD2] =	sst s25  }
0xa6: {  	s4 =	sshll.u32 s26, $0x1;
	_ =	strace $0x80000046;
	[dreg:$0x1] =	wrdreg $0xFFFFFFFF  }
0xa7: {  	s28 =	simm.s32 $_size_execute0_lowered;
	s2 =	sadd.s32 s2, s4;
	[dreg:$0x0] =	wrdreg $0x0  }
0xa8: {  	s4 =	sshll.u32 s28, $0x1;
	[dreg:$0x2] =	wrdreg s2  }
0xa9: {  	[dreg:$0x3] =	wrdreg s4  }
0xaa: {  	[dreg:$0x4] =	wrdreg $0xC0  }
0xab: {  	_ =	task [dreg:s6], $0x5FFFF  }
0xac: {  	[dreg:$0x1] =	wrdreg $0xFFFFFFFF  }
0xad: {  	[dreg:$0x0] =	wrdreg $0x60  }
0xae: {  	[dreg:$0x2] =	wrdreg s24  }
0xaf: {  	[dreg:$0x3] =	wrdreg $0x9  }
0xb0: {  	_ =	task.clear_ibuf [dreg:s6], $0x4FFFF;
	_ =	strace $0x90000046  }
0xb1: {  	s29 =	simm.s32 $0x9;
	_ =	strace $0x80000048  }
0xb2: {  	_ =	swait.ge [sflag:s29], $0x1  }
0xb3: {  	[sflag:s29] =	ssyncadd.s32 $0xFFFFFFFF  }
0xb4: {  	_ =	strace $0x90000048  }
0xb5: {  	_ =	sfence  }
0xb6: {  	s30 =	sld [smem:$0x0];
	_ =	sdelay $0x2  }
0xb7: {  	s31 =	sshll.u32 s1, $0xD;
	s1 =	sshrl.u32 s1, $0x2  }
0xb8: {  	s3 =	sand.u32 $0x4000, s31;
	s1 =	sadd.s32 s1, s30  }
0xb9: {  	s0 =	sor.u32 s3, s0;
	s1 =	sshll.u32 s1, $0x11  }
0xba: {  	s0 =	sor.u32 s1, s0  }
0xbb: {  	s0 =	sadd.s32 $0x8F2B, s0  }
0xbc: {  	[sflag:s0] =	ssyncadd.remote.s32 $0x1  }
0xbd: {  	_ =	sfence.sel $0xFFFF  }
0xbe: {  	[dreg:$0x0] =	wrdreg $0xFFFFFFFF;
	(pc) =	sbr.abs _section_cstart, $3  }
0xbf: {  	[dreg:$0x1] =	wrdreg $0xFFFFFFFF  }
0xc0: {  	_ =	task.clear_ibuf [dreg:s6], $0x2FFFF;
	_ =	strace $0x9FFFFFFF  }
0xc1: {  	(tm) =	ssettm $0x7FFFFFFF  }
tec
execute0_lowered:
.L_overlay_start_1:
0x0: {  	(tag) =	ssettag $0x1  }
0x1: {  	s1 =	srdreg.scid;
	s0 =	stileid.u32  }
0x2: {  	s4 =	rddreg [dreg:$0x0];
	s3 =	sand.u32 $0x1, s1;
	s30 =	sshll.u32 s0, $0x1  }
0x3: {  	s2 =	simm.s32 $0x0;
	s8 =	simm.s32 $0x0;
	s5 =	sor.u32 s3, s30  }
0x4: {  	s1 =	rddreg [dreg:$0x1];
	s3 =	ssub.s32 $0x2, s3;
	s6 =	smul.u32 $0x510, s5  }
0x5: {  	[smem:$0x7FF] =	sst s2;
	s5 =	smul.u32 $0x500, s5;
	s7 =	sshrl.u32 s3, $0x1  }
0x6: {  	_ =	strace $0x80000047;
	s31 =	ssub.s32 s3, s7;
	s7 =	simm.s32 $0x2880  }
0x7: {  	s6 =	sadd.s32 s6, s4;
	s4 =	sadd.s32 s5, s4;
	s5 =	smax.u32 s31, $0x1  }
0x8: {  	v0 =	vimm.f32 $0.0e+00;
	v1 =	vimm.f32 $1.000000000e+00;
	s3 =	sadd.s32 $0x1600, s6;
	s4 =	sadd.s32 $0xB800, s4;
	s6 =	simm.s32 $0x1  }
.LBB2_1:
0x9: {  	[tilespmem:s2], [sflag:$0x1] =	stream.linear.gather [hbm4b:s3+s2], $0x2880, $0x38;
	[tilespmem:$0x5080] =	vst v63  }
0xa: {  	_ =	swait.ge [sflag:s6], $0x2880  }
0xb: {  	[sflag:s6] =	ssyncset.done $0x0  }
0xc: {  	s9 =	simm.s32 $0x0;
	[sflag:s6] =	ssyncadd.s32 $0xFFFFD780  }
.LBB2_2:
0xd: {  	p0 =	sne.s32 s9, $0x9FC0  }
.Ltmp0:
0xe: {  	_ = 	snop;
	(pc) =	sbr.rel @p0 .LBB2_2-.Ltmp0, $3  }
0xf: {  	_ =	sdelay $0x1  }
0x10: {  	s10 =	sshra.s32 s9, $0x2  }
0x11: {  	s9 =	sadd.s32 $0x40, s9;
	[tilespmem:s10+$0x2880] =	vst v0  }
0x12: {  	s10 =	simm.s32 $0x0;
	s9 =	simm.s32 $0x40  }
.LBB2_4:
0x13: {  	p0 =	sne.s32 s9, $0xA1C0;
	v2 =	vld [tilespmem:s10+$0x0];
	_ =	sdelay $0x3  }
.Ltmp1:
0x14: {  	(pc) =	sbr.rel @p0 .LBB2_4-.Ltmp1, $2  }
0x15: {  	_ =	sdelay $0x2  }
0x16: {  	s10 =	sshra.s32 s9, $0x2;
	s9 =	sadd.s32 $0x40, s9;
	[tilespmem:v2+s7+$0x0] =	vst.idx.add.f32.msk $0xffff, v1  }
0x17: {  	v2 =	vld [tilespmem:s10+$0x0];
	_ =	sdelay $0x5  }
0x18: {  	s8 =	sadd.s32 $0x1, s8  }
0x19: {  	p0 =	sne.s32 s8, s5  }
.Ltmp2:
0x1a: {  	[tilespmem:v2+s7+$0x0] =	vst.idx.add.f32.msk $0xffff, v1;
	(pc) =	sbr.rel @p0 .LBB2_1-.Ltmp2, $4  }
0x1b: {  	[hbm4b:s4+s2] =	stream.linear.scatter [tilespmem:s7], [sflag:$0x1], $0x2800, $0x38;
	[tilespmem:$0x5080] =	vst v63  }
0x1c: {  	_ =	swait.ge [sflag:s6], $0x2800  }
0x1d: {  	[sflag:s6] =	ssyncset.done $0x0  }
0x1e: {  	[sflag:s6] =	ssyncadd.s32 $0xFFFFD800  }
0x1f: {  	_ =	sfence.sel $0x180000  }
0x20: {  	[bflag:$0x0] =	sbarrier.arrive $0xFFFF  }
0x21: {  	p0 =	sne.s32 s0, $0x0;
	_ =	strace $0x90000047  }
0x22: {  	s0 =	sadd.s32 @!p0 $0x100000, s1;
	[bflag:$0x2] =	sbarrier.arrive $0xFFFF  }
0x23: {  	[sflag:s0] =	ssyncadd.tile.s32 @!p0 $0x1;
	_ =	shalt  }
.Lfunc_end2:
_tile_overlayer_lowered:
.L_overlay_start_2:
0x24: {  	(tag) =	ssettag $0x2  }
0x25: {  	s0 =	rddreg [dreg:$0x0];
	s2 =	stileid.u32  }
0x26: {  	s1 =	rddreg [dreg:$0x1];
	p0 =	sne.s32 s2, $0x0  }
0x27: {  	s3 =	rddreg [dreg:$0x2];
	[bflag:$0x3] =	sbarrier.arrive $0xFFFF;
	s2 =	simm.s32 @!p0 $0x1C01  }
0x28: {  	[timem:s3], [sflag:s2] =	dma.local @!p0 [hbm:s0], s1  }
0x29: {  	s0 =	simm.s32 @!p0 $0x1  }
0x2a: {  	_ =	swait.ge @!p0 [sflag:s0], s1  }
0x2b: {  	s1 =	ssub.s32 @!p0 $0x0, s1;
	[sflag:s0] =	ssyncset.done @!p0 $0x0  }
0x2c: {  	[sflag:s0] =	ssyncadd.s32 @!p0 s1  }
0x2d: {  	[bflag:$0x3] =	sbarrier.arrive $0xFFFF  }
0x2e: {  	_ =	shalt  }

</sc_bundles>
